<compile_context>
chip_gen: v7x
topology: tpu7x:2x2x1
jax: 0.10.2.dev20260603
libtpu: 0.0.44.dev20260713+nightly
codegen_flags: <defaults>
</compile_context>

<pallas_src>
import functools

import jax
import jax.numpy as jnp
from jax import lax
from jax.experimental import pallas as pl
from jax.experimental.pallas import tpu as pltpu
from jax.experimental.pallas import tpu_sc as plsc

CUTOFF = 5.0
NC = 2
NP = 2
NS = 16
LANES = 16


def _node_tables_body(s_ref, v_ref, w4_ref, b4_ref, w5_ref, b5_ref, r3_ref, a_ref):
    F = s_ref.shape[1]
    HV = 3 * (F // (NC * NP))
    HS = F // (NC * NP)
    sb = s_ref[...]
    phi_s = jax.nn.silu(
        jnp.dot(sb, w4_ref[...], preferred_element_type=jnp.float32) + b4_ref[...])
    phi2 = jax.nn.silu(
        jnp.dot(sb, w5_ref[...], preferred_element_type=jnp.float32) + b5_ref[...])
    r3 = r3_ref[...]
    pvv3 = jnp.dot(phi2[:, :F], r3, preferred_element_type=jnp.float32)
    pvs3 = jnp.dot(phi2[:, F:], r3, preferred_element_type=jnp.float32)
    u_vv = v_ref[...] * pvv3
    for c in range(NC):
        for p in range(NP):
            q = c * NP + p
            a_ref[c, p] = jnp.concatenate(
                [u_vv[:, q * HV:(q + 1) * HV],
                 pvs3[:, q * HV:(q + 1) * HV],
                 phi_s[:, q * HS:(q + 1) * HS]], axis=1)


def _node_tables(s, v384, W4, b4, W5p, b5p, R3, bn=400):
    N, F = s.shape
    W = 7 * (F // (NC * NP))
    grid = (N // bn,)
    return pl.pallas_call(
        _node_tables_body,
        grid=grid,
        in_specs=[
            pl.BlockSpec((bn, F), lambda i: (i, 0)),
            pl.BlockSpec((bn, 3 * F), lambda i: (i, 0)),
            pl.BlockSpec((F, F), lambda i: (0, 0)),
            pl.BlockSpec((1, F), lambda i: (0, 0)),
            pl.BlockSpec((F, 2 * F), lambda i: (0, 0)),
            pl.BlockSpec((1, 2 * F), lambda i: (0, 0)),
            pl.BlockSpec((F, 3 * F), lambda i: (0, 0)),
        ],
        out_specs=pl.BlockSpec((NC, NP, bn, W), lambda i: (0, 0, i, 0)),
        out_shape=jax.ShapeDtypeStruct((NC, NP, N, W), jnp.float32),
    )(s, v384, W4, b4, W5p, b5p, R3)


def _edge_tables_body(rt_ref, wcat_ref, bcat_ref, t3_ref, one_ref, b_ref, *, num_rbf, F):
    rt = rt_ref[...]
    be = rt.shape[1]
    r2 = jnp.sum(rt * rt, axis=0, keepdims=True)
    r = jnp.sqrt(r2)
    centers = lax.broadcasted_iota(jnp.int32, (num_rbf, be), 0).astype(
        jnp.float32) * (CUTOFF / (num_rbf - 1))
    inv_denom = 1.0 / (CUTOFF / num_rbf) ** 2
    rbf = jnp.exp(-0.5 * (r - centers) ** 2 * inv_denom)
    cut = 0.5 * (jnp.cos(jnp.pi * r / CUTOFF) + 1.0) * (r < CUTOFF)
    rbfc = rbf * cut
    bfull = lax.dot_general(
        rbfc, wcat_ref[...], (((0,), (0,)), ((), ())),
        preferred_element_type=jnp.float32) + bcat_ref[...]
    inv = 1.0 / (r + 1e-8)
    rnt = rt * inv
    rtile = lax.dot_general(
        rnt, t3_ref[...], (((0,), (0,)), ((), ())),
        preferred_element_type=jnp.float32)
    cutcol = lax.dot_general(
        cut, one_ref[...], (((0,), (0,)), ((), ())),
        preferred_element_type=jnp.float32)
    HV = 3 * (F // (NC * NP))
    HS = F // (NC * NP)
    wvv = bfull[:, :3 * F]
    wvs_r = bfull[:, 3 * F:6 * F] * rtile
    ws_c = bfull[:, 6 * F:] * cutcol
    for c in range(NC):
        for p in range(NP):
            q = c * NP + p
            b_ref[c, p] = jnp.concatenate(
                [wvv[:, q * HV:(q + 1) * HV],
                 wvs_r[:, q * HV:(q + 1) * HV],
                 ws_c[:, q * HS:(q + 1) * HS]], axis=1)


def _edge_tables(r_ij_T, Wcat, bcat, T3, one11, F, be=1280):
    num_rbf, WC = Wcat.shape
    E = r_ij_T.shape[1]
    W = 7 * (F // (NC * NP))
    grid = (E // be,)
    return pl.pallas_call(
        functools.partial(_edge_tables_body, num_rbf=num_rbf, F=F),
        grid=grid,
        in_specs=[
            pl.BlockSpec((3, be), lambda i: (0, i)),
            pl.BlockSpec((num_rbf, WC), lambda i: (0, 0)),
            pl.BlockSpec((1, WC), lambda i: (0, 0)),
            pl.BlockSpec((3, 3 * F), lambda i: (0, 0)),
            pl.BlockSpec((1, 1), lambda i: (0, 0)),
        ],
        out_specs=pl.BlockSpec((NC, NP, be, W), lambda i: (0, 0, i, 0)),
        out_shape=jax.ShapeDtypeStruct((NC, NP, E, W), jnp.float32),
    )(r_ij_T, Wcat, bcat, T3, one11)


def _sc_message_body(N, E, HV, W, C, a_hbm, b_hbm, src_hbm, dst_hbm,
                     dv_out, ds_out, srcv, gidx, dstv, arows, brows, msg, msgs,
                     shacc, ds_sh, sem_a, sem_b):
    c = lax.axis_index("c")
    sid = lax.axis_index("s")
    rpt = -(-(N // NS) // 8) * 8
    last = N - (NS - 1) * rpt
    base_row = sid * rpt
    n8 = jnp.where(sid == NS - 1, last // 8, rpt // 8)

    zero16 = jnp.zeros((LANES,), jnp.float32)

    def _zb(i, carry):
        def _zbi(j, carry2):
            msg[i, pl.ds(j * LANES, LANES)] = zero16
            return carry2
        msgs[i, :] = zero16
        return lax.fori_loop(0, HV // LANES, _zbi, carry)
    lax.fori_loop(0, C, _zb, 0)

    def _zds(i, carry):
        pltpu.sync_copy(msgs.at[pl.ds(0, 8)], ds_sh.at[pl.ds(base_row + i * 8, 8)])
        return carry
    lax.fori_loop(0, n8, _zds, 0)

    edges_per_tec = E // NS
    nchunks = edges_per_tec // C
    base_e = sid * edges_per_tec

    for p in range(NP):
        for i in range(8):
            for j in range(HV // LANES):
                msg[i, pl.ds(j * LANES, LANES)] = zero16

        def _zs(i, carry):
            pltpu.sync_copy(msg.at[pl.ds(0, 8)],
                            shacc.at[pl.ds(base_row + i * 8, 8)])
            return carry
        lax.fori_loop(0, n8, _zs, 0)
        plsc.subcore_barrier()

        def _chunk(g, carry):
            e0 = base_e + g * C
            pltpu.sync_copy(src_hbm.at[pl.ds(e0, C)], srcv)
            pltpu.sync_copy(dst_hbm.at[pl.ds(e0, C)], dstv)
            off = (c * NP + p) * N

            def _gi(k, carry2):
                sl = pl.ds(k * LANES, LANES)
                gidx[sl] = srcv[sl] + off
                return carry2
            lax.fori_loop(0, C // LANES, _gi, 0)

            cp_a = pltpu.async_copy(a_hbm.at[gidx], arows, sem_a)
            cp_b = pltpu.async_copy(
                b_hbm.at[pl.ds((c * NP + p) * E + e0, C)], brows, sem_b)
            cp_a.wait()
            cp_b.wait()

            def _edge(i, carry2):
                for j in range(HV // LANES):
                    sl = pl.ds(j * LANES, LANES)
                    s2 = pl.ds(HV + j * LANES, LANES)
                    msg[i, sl] = (arows[i, sl] * brows[i, sl]
                                  + arows[i, s2] * brows[i, s2])
                pp = jnp.zeros((LANES,), jnp.float32)
                for j in range((W - 2 * HV) // LANES):
                    sl = pl.ds(2 * HV + j * LANES, LANES)
                    pp = pp + arows[i, sl] * brows[i, sl]
                msgs[i, :] = pp
                return carry2
            lax.fori_loop(0, C, _edge, 0)

            pltpu.sync_copy(msg, shacc.at[dstv], add=True)
            pltpu.sync_copy(msgs, ds_sh.at[dstv], add=True)
            return carry

        lax.fori_loop(0, nchunks, _chunk, 0)
        plsc.subcore_barrier()

        @pl.when(sid != NS - 1)
        def _():
            pltpu.sync_copy(shacc.at[pl.ds(base_row, rpt)],
                            dv_out.at[c, p, pl.ds(base_row, rpt)])

        @pl.when(sid == NS - 1)
        def _():
            pltpu.sync_copy(shacc.at[pl.ds((NS - 1) * rpt, last)],
                            dv_out.at[c, p, pl.ds((NS - 1) * rpt, last)])

    @pl.when(sid != NS - 1)
    def _():
        pltpu.sync_copy(ds_sh.at[pl.ds(base_row, rpt)],
                        ds_out.at[c, pl.ds(base_row, rpt)])

    @pl.when(sid == NS - 1)
    def _():
        pltpu.sync_copy(ds_sh.at[pl.ds((NS - 1) * rpt, last)],
                        ds_out.at[c, pl.ds((NS - 1) * rpt, last)])


def _sc_message(A2, B2, src, dst, N, E, HV, W, C=80):
    mesh = plsc.VectorSubcoreMesh(
        core_axis_name="c", subcore_axis_name="s", num_cores=NC, num_subcores=NS)
    f = pl.kernel(
        functools.partial(_sc_message_body, N, E, HV, W, C),
        out_type=[
            jax.ShapeDtypeStruct((NC, NP, N, HV), jnp.float32),
            jax.ShapeDtypeStruct((NC, N, LANES), jnp.float32),
        ],
        mesh=mesh,
        compiler_params=pltpu.CompilerParams(use_tc_tiling_on_sc=False),
        scratch_types=[
            pltpu.VMEM((C,), jnp.int32),
            pltpu.VMEM((C,), jnp.int32),
            pltpu.VMEM((C,), jnp.int32),
            pltpu.VMEM((C, W), jnp.float32),
            pltpu.VMEM((C, W), jnp.float32),
            pltpu.VMEM((C, HV), jnp.float32),
            pltpu.VMEM((C, LANES), jnp.float32),
            pltpu.VMEM_SHARED((N, HV), jnp.float32),
            pltpu.VMEM_SHARED((N, LANES), jnp.float32),
            pltpu.SemaphoreType.DMA,
            pltpu.SemaphoreType.DMA,
        ],
    )
    return f(A2, B2, src, dst)


def _finalize_body(dv_ref, dsp_ref, dvf_ref, ds_ref):
    dvf_ref[...] = jnp.concatenate(
        [dv_ref[c, p] for c in range(NC) for p in range(NP)], axis=1)
    ds_ref[...] = jnp.sum(dsp_ref[...], axis=(0, 2))[None, :]


def _finalize(dv, dsp, N, HV, bn=2000):
    grid = (N // bn,)
    return pl.pallas_call(
        _finalize_body,
        grid=grid,
        in_specs=[
            pl.BlockSpec((NC, NP, bn, HV), lambda i: (0, 0, i, 0)),
            pl.BlockSpec((NC, N, LANES), lambda i: (0, 0, 0)),
        ],
        out_specs=[
            pl.BlockSpec((bn, NC * NP * HV), lambda i: (i, 0)),
            pl.BlockSpec((1, N), lambda i: (0, 0)),
        ],
        out_shape=[
            jax.ShapeDtypeStruct((N, NC * NP * HV), jnp.float32),
            jax.ShapeDtypeStruct((1, N), jnp.float32),
        ],
    )(dv, dsp)


def kernel(s, v, edge_index, r_ij, W1, b1, W2, b2, W3, b3, W4, b4, W5, b5):
    N, F = s.shape
    E = edge_index.shape[1]
    HV = 3 * (F // (NC * NP))
    W = 7 * (F // (NC * NP))

    v384 = v.reshape(N, 3 * F)
    r_ij_T = r_ij.T
    src = edge_index[0].astype(jnp.int32)
    dst = edge_index[1].astype(jnp.int32)

    R3 = jnp.repeat(jnp.eye(F, dtype=jnp.float32), 3, axis=1)
    T3 = jnp.tile(jnp.eye(3, dtype=jnp.float32), (1, F))
    Wcat = jnp.concatenate([W2, W3, W1], axis=1)
    bcat = jnp.concatenate([b2, b3, b1])[None, :]
    one11 = jnp.ones((1, 1), jnp.float32)

    A = _node_tables(s, v384, W4, b4[None, :], W5[:, :2 * F],
                     b5[None, :2 * F], R3)
    B = _edge_tables(r_ij_T, Wcat, bcat, T3, one11, F)

    A2 = A.reshape(NC * NP * N, W)
    B2 = B.reshape(NC * NP * E, W)

    dv, dsp = _sc_message(A2, B2, src, dst, N, E, HV, W)

    dvf, ds2 = _finalize(dv, dsp, N, HV)
    delta_s = ds2.reshape(N)
    delta_v = dvf.reshape(N, F, 3)
    return (delta_s, delta_v)

# --- scband reference (transcript-rebuilt; emitter-appended) ---
"""Pipeline reference for scband-message-block-10797547782709 (READ-ONLY COPY).

The authoritative reference and input builder live on the scoring server;
editing this copy changes nothing except your own understanding.
"""

import jax, jax.numpy as jnp
import numpy as np

N = 10000
E = 160000
F = 128
NUM_RBF = 20
CUTOFF = 5.0


def setup_inputs(seed: int = 0) -> dict:
    key = jax.random.key(seed)
    ks = jax.random.split(key, 12)
    s = jax.random.normal(ks[0], (N, F), dtype=jnp.float32)
    v = jax.random.normal(ks[1], (N, F, 3), dtype=jnp.float32)
    edge_index = jax.random.randint(ks[2], (2, E), 0, N)
    r_ij = jax.random.normal(ks[3], (E, 3), dtype=jnp.float32) * 2.0
    # lecun_normal-initialized Dense params, biases zero
    W1 = jax.random.normal(ks[4], (NUM_RBF, F), dtype=jnp.float32) / np.sqrt(NUM_RBF)
    b1 = jnp.zeros((F,), dtype=jnp.float32)
    W2 = jax.random.normal(ks[5], (NUM_RBF, 3 * F), dtype=jnp.float32) / np.sqrt(NUM_RBF)
    b2 = jnp.zeros((3 * F,), dtype=jnp.float32)
    W3 = jax.random.normal(ks[6], (NUM_RBF, 3 * F), dtype=jnp.float32) / np.sqrt(NUM_RBF)
    b3 = jnp.zeros((3 * F,), dtype=jnp.float32)
    W4 = jax.random.normal(ks[7], (F, F), dtype=jnp.float32) / np.sqrt(F)
    b4 = jnp.zeros((F,), dtype=jnp.float32)
    W5 = jax.random.normal(ks[8], (F, 3 * F), dtype=jnp.float32) / np.sqrt(F)
    b5 = jnp.zeros((3 * F,), dtype=jnp.float32)
    return {"s": s, "v": v, "edge_index": edge_index, "r_ij": r_ij,
            "W1": W1, "b1": b1, "W2": W2, "b2": b2, "W3": W3, "b3": b3,
            "W4": W4, "b4": b4, "W5": W5, "b5": b5}


def reference(s, v, edge_index, r_ij, W1, b1, W2, b2, W3, b3, W4, b4, W5, b5):
    num_features = W1.shape[1]
    r = jnp.linalg.norm(r_ij, axis=-1)
    rbf = jnp.exp(-0.5 * (r[:, None] - jnp.linspace(0, CUTOFF, NUM_RBF)) ** 2 / (CUTOFF / NUM_RBF) ** 2)
    cutoff = 0.5 * (jnp.cos(jnp.pi * r / CUTOFF) + 1.0) * (r < CUTOFF)
    rbf = rbf * cutoff[:, None]
    Ws = rbf @ W1 + b1
    Wvv = (rbf @ W2 + b2).reshape(-1, num_features, 3)
    Wvs = (rbf @ W3 + b3).reshape(-1, num_features, 3)
    phi_s = jax.nn.silu(s @ W4 + b4)
    phi = jax.nn.silu(s @ W5 + b5)
    phi_vv, phi_vs, _ = jnp.split(phi, 3, axis=-1)
    phi_s_edge = phi_s[edge_index[0]]
    delta_s = jax.ops.segment_sum(jnp.einsum('ij,ij->i', phi_s_edge, Ws) * cutoff, edge_index[1], num_segments=s.shape[0])
    phi_vv_expanded = phi_vv[edge_index[0]]
    v_selected = v[edge_index[0]]
    delta_v1 = jax.ops.segment_sum(jnp.einsum('ijk,ij->ijk', v_selected, phi_vv_expanded) * Wvv, edge_index[1], num_segments=v.shape[0])
    r_ij_norm = r_ij / (jnp.linalg.norm(r_ij, axis=-1, keepdims=True) + 1e-08)
    delta_v2 = jax.ops.segment_sum(phi_vs[edge_index[0], :, None] * Wvs * r_ij_norm[:, None, :], edge_index[1], num_segments=v.shape[0])
    delta_v = delta_v1 + delta_v2
    return (delta_s, delta_v)

if __name__ == "__main__":
    import jax
    _d = setup_inputs()
    print(jax.jit(kernel)(*tuple(_d.values())))

</pallas_src>

<mosaic_0001>
#map = affine_map<(d0, d1) -> (0, 0)>
#map1 = affine_map<(d0, d1) -> (0)>
#map2 = affine_map<(d0, d1) -> (0, 0, 0, 0)>
#map3 = affine_map<(d0, d1) -> (0, 0, 0)>
module attributes {stable_mosaic.version = 14 : i64} {
  func.func @_sc_message_body(%arg0: i32, %arg1: i32, %arg2: memref<40000x224xf32, #tpu.memory_space<hbm>>, %arg3: memref<640000x224xf32, #tpu.memory_space<hbm>>, %arg4: memref<160000xi32, #tpu.memory_space<hbm>>, %arg5: memref<160000xi32, #tpu.memory_space<hbm>>, %arg6: memref<2x2x10000x96xf32, #tpu.memory_space<hbm>>, %arg7: memref<2x10000x16xf32, #tpu.memory_space<hbm>>, %arg8: memref<80xi32, #tpu.memory_space<vmem>>, %arg9: memref<80xi32, #tpu.memory_space<vmem>>, %arg10: memref<80xi32, #tpu.memory_space<vmem>>, %arg11: memref<80x224xf32, #tpu.memory_space<vmem>>, %arg12: memref<80x224xf32, #tpu.memory_space<vmem>>, %arg13: memref<80x96xf32, #tpu.memory_space<vmem>>, %arg14: memref<80x16xf32, #tpu.memory_space<vmem>>, %arg15: memref<10000x96xf32, #tpu.memory_space<vmem_shared>>, %arg16: memref<10000x16xf32, #tpu.memory_space<vmem_shared>>, %arg17: memref<!tpu.dma_semaphore, #tpu.memory_space<semaphore_mem>>, %arg18: memref<!tpu.dma_semaphore, #tpu.memory_space<semaphore_mem>>) attributes {dimension_semantics = [#tpu.dimension_semantics<core_parallel>, #tpu.dimension_semantics<subcore_parallel>], iteration_bounds = array<i64: 2, 16>, scalar_prefetch = 0 : i64, scratch_operands = 11 : i64, tpu.core_type = #tpu.core_type<sc_vector_subcore>, window_params = [{transform_indices = #map}, {transform_indices = #map}, {transform_indices = #map1}, {transform_indices = #map1}, {transform_indices = #map2}, {transform_indices = #map3}]} {
    %mul3A = arith.constant 632 : i32
    %mul3A_0 = arith.muli %arg1, %mul3A : i32
    %eq3A = arith.constant 15 : i32
    %eq3A_1 = arith.cmpi eq, %arg1, %eq3A : i32
    %jit3A = arith.constant 65 : i32
    %jit3A_2 = arith.constant 79 : i32
    %select_n3A = arith.select %eq3A_1, %jit3A, %jit3A_2 : i32
    %broadcast_in_dim3A = arith.constant 0.000000e+00 : f32
    %broadcast_in_dim3A_3 = vector.broadcast %broadcast_in_dim3A : f32 to vector<16xf32>
    %scan3A = arith.constant 0 : i32
    %scan3A_4 = arith.constant 0 : i32
    %scan3A_5 = arith.constant 80 : i32
    %scan3A_6 = arith.addi %scan3A_4, %scan3A_5 : i32
    %scan3A_7 = arith.constant 1 : i32
    scf.for %scan3A_657 = %scan3A_4 to %scan3A_6 step %scan3A_7  : i32 {
      %swap3A_658 = arith.index_cast %scan3A_657 : i32 to index
      %swap3A_659 = arith.constant 0 : index
      %swap3A_660 = tpu.vector_load %arg14[%swap3A_658, %swap3A_659] {strides = array<i32>} : memref<80x16xf32, #tpu.memory_space<vmem>>, vector<1x16xf32>,
      %swap3A_661 = vector.shape_cast %swap3A_660 : vector<1x16xf32> to vector<16xf32>
      %swap3A_662 = vector.shape_cast %broadcast_in_dim3A_3 : vector<16xf32> to vector<1x16xf32>
      tpu.vector_store %arg14[%swap3A_658, %swap3A_659], %swap3A_662 {strides = array<i32>} : memref<80x16xf32, #tpu.memory_space<vmem>>, vector<1x16xf32>,
      %scan3A_663 = arith.constant 0 : i32
      %scan3A_664 = arith.constant 6 : i32
      %scan3A_665 = arith.addi %scan3A_663, %scan3A_664 : i32
      %scan3A_666 = arith.constant 1 : i32
      scf.for %scan3A_668 = %scan3A_663 to %scan3A_665 step %scan3A_666  : i32 {
        %mul3A_669 = arith.constant 16 : i32
        %mul3A_670 = arith.muli %scan3A_668, %mul3A_669 : i32
        %swap3A_671 = arith.index_cast %scan3A_657 : i32 to index
        %swap3A_672 = arith.index_cast %mul3A_670 : i32 to index
        %swap3A_673 = tpu.vector_load %arg13[%swap3A_671, %swap3A_672] {strides = array<i32>} : memref<80x96xf32, #tpu.memory_space<vmem>>, vector<1x16xf32>,
        %swap3A_674 = vector.shape_cast %swap3A_673 : vector<1x16xf32> to vector<16xf32>
        %swap3A_675 = vector.shape_cast %broadcast_in_dim3A_3 : vector<16xf32> to vector<1x16xf32>
        tpu.vector_store %arg13[%swap3A_671, %swap3A_672], %swap3A_675 {strides = array<i32>} : memref<80x96xf32, #tpu.memory_space<vmem>>, vector<1x16xf32>,
      }
      %scan3A_667 = arith.constant 6 : i32
    }
    %scan3A_8 = arith.constant 80 : i32
    %while3A = arith.constant 0 : i32
    %while3A_9 = arith.constant 0 : i32
    %while3A_10 = arith.subi %select_n3A, %while3A_9 : i32
    %while3A_11 = arith.addi %while3A_9, %while3A_10 : i32
    %while3A_12 = arith.constant 1 : i32
    %while3A_13 = arith.divsi %while3A_10, %while3A_12 : i32
    %while3A_14 = arith.muli %while3A_13, %while3A_12 : i32
    %while3A_15 = arith.addi %while3A_9, %while3A_14 : i32
    %while3A_16 = arith.constant 1 : i32
    scf.for %while3A_657 = %while3A_9 to %while3A_15 step %while3A_16  : i32 {
      %mul3A_658 = arith.constant 8 : i32
      %mul3A_659 = arith.muli %while3A_657, %mul3A_658 : i32
      %add3A = arith.addi %mul3A_0, %mul3A_659 : i32
      "tpu.region"() ({
        %run_scoped3A = tpu.sem_alloc : memref<!tpu.dma_semaphore, #tpu.memory_space<semaphore_mem>>
        %dma_start3A = arith.constant 0 : i32
        %dma_start3A_660 = arith.constant 0 : i32
        %dma_start3A_661 = tpu.memref_slice %arg14[%dma_start3A, %dma_start3A_660] : memref<80x16xf32, #tpu.memory_space<vmem>> -> memref<8x16xf32, #tpu.memory_space<vmem>>
        %dma_start3A_662 = arith.constant 0 : i32
        %dma_start3A_663 = tpu.memref_slice %arg16[%add3A, %dma_start3A_662] : memref<10000x16xf32, #tpu.memory_space<vmem_shared>> -> memref<8x16xf32, #tpu.memory_space<vmem_shared>>
        %dma_start3A_664 = arith.constant 0 : i32
        %dma_start3A_665 = tpu.memref_slice %arg16[%add3A, %dma_start3A_664] : memref<10000x16xf32, #tpu.memory_space<vmem_shared>> -> memref<8x16xf32, #tpu.memory_space<vmem_shared>>
        %dma_start3A_666 = arith.constant 0 : i32
        %dma_start3A_667 = arith.constant 0 : i32
        %dma_start3A_668 = tpu.memref_slice %arg14[%dma_start3A_666, %dma_start3A_667] : memref<80x16xf32, #tpu.memory_space<vmem>> -> memref<8x16xf32, #tpu.memory_space<vmem>>
        tpu.enqueue_dma source(%dma_start3A_668 : memref<8x16xf32, #tpu.memory_space<vmem>>) target(%dma_start3A_665 : memref<8x16xf32, #tpu.memory_space<vmem_shared>>) target_semaphore(%run_scoped3A : memref<!tpu.dma_semaphore, #tpu.memory_space<semaphore_mem>>)
        %dma_wait3A = arith.constant 0 : i32
        %dma_wait3A_669 = arith.constant 0 : i32
        %dma_wait3A_670 = tpu.memref_slice %arg14[%dma_wait3A, %dma_wait3A_669] : memref<80x16xf32, #tpu.memory_space<vmem>> -> memref<8x16xf32, #tpu.memory_space<vmem>>
        %dma_wait3A_671 = arith.constant 0 : i32
        %dma_wait3A_672 = tpu.memref_slice %arg16[%add3A, %dma_wait3A_671] : memref<10000x16xf32, #tpu.memory_space<vmem_shared>> -> memref<8x16xf32, #tpu.memory_space<vmem_shared>>
        %dma_wait3A_673 = arith.constant 0 : i32
        %dma_wait3A_674 = tpu.memref_slice %arg16[%add3A, %dma_wait3A_673] : memref<10000x16xf32, #tpu.memory_space<vmem_shared>> -> memref<8x16xf32, #tpu.memory_space<vmem_shared>>
        %dma_wait3A_675 = arith.constant 0 : i32
        %dma_wait3A_676 = arith.constant 0 : i32
        %dma_wait3A_677 = tpu.memref_slice %arg14[%dma_wait3A_675, %dma_wait3A_676] : memref<80x16xf32, #tpu.memory_space<vmem>> -> memref<8x16xf32, #tpu.memory_space<vmem>>
        tpu.wait_dma2 semaphore(%run_scoped3A : memref<!tpu.dma_semaphore, #tpu.memory_space<semaphore_mem>>) src(%dma_wait3A_677 : memref<8x16xf32, #tpu.memory_space<vmem>>) dst(%dma_wait3A_674 : memref<8x16xf32, #tpu.memory_space<vmem_shared>>)
        tpu.yield
      }) : () -> ()
    }
    %while3A_17 = arith.constant 1 : i32
    scf.for %while3A_657 = %while3A_15 to %while3A_11 step %while3A_17  : i32 {
      %mul3A_658 = arith.constant 8 : i32
      %mul3A_659 = arith.muli %while3A_657, %mul3A_658 : i32
      %add3A = arith.addi %mul3A_0, %mul3A_659 : i32
      "tpu.region"() ({
        %run_scoped3A = tpu.sem_alloc : memref<!tpu.dma_semaphore, #tpu.memory_space<semaphore_mem>>
        %dma_start3A = arith.constant 0 : i32
        %dma_start3A_660 = arith.constant 0 : i32
        %dma_start3A_661 = tpu.memref_slice %arg14[%dma_start3A, %dma_start3A_660] : memref<80x16xf32, #tpu.memory_space<vmem>> -> memref<8x16xf32, #tpu.memory_space<vmem>>
        %dma_start3A_662 = arith.constant 0 : i32
        %dma_start3A_663 = tpu.memref_slice %arg16[%add3A, %dma_start3A_662] : memref<10000x16xf32, #tpu.memory_space<vmem_shared>> -> memref<8x16xf32, #tpu.memory_space<vmem_shared>>
        %dma_start3A_664 = arith.constant 0 : i32
        %dma_start3A_665 = tpu.memref_slice %arg16[%add3A, %dma_start3A_664] : memref<10000x16xf32, #tpu.memory_space<vmem_shared>> -> memref<8x16xf32, #tpu.memory_space<vmem_shared>>
        %dma_start3A_666 = arith.constant 0 : i32
        %dma_start3A_667 = arith.constant 0 : i32
        %dma_start3A_668 = tpu.memref_slice %arg14[%dma_start3A_666, %dma_start3A_667] : memref<80x16xf32, #tpu.memory_space<vmem>> -> memref<8x16xf32, #tpu.memory_space<vmem>>
        tpu.enqueue_dma source(%dma_start3A_668 : memref<8x16xf32, #tpu.memory_space<vmem>>) target(%dma_start3A_665 : memref<8x16xf32, #tpu.memory_space<vmem_shared>>) target_semaphore(%run_scoped3A : memref<!tpu.dma_semaphore, #tpu.memory_space<semaphore_mem>>)
        %dma_wait3A = arith.constant 0 : i32
        %dma_wait3A_669 = arith.constant 0 : i32
        %dma_wait3A_670 = tpu.memref_slice %arg14[%dma_wait3A, %dma_wait3A_669] : memref<80x16xf32, #tpu.memory_space<vmem>> -> memref<8x16xf32, #tpu.memory_space<vmem>>
        %dma_wait3A_671 = arith.constant 0 : i32
        %dma_wait3A_672 = tpu.memref_slice %arg16[%add3A, %dma_wait3A_671] : memref<10000x16xf32, #tpu.memory_space<vmem_shared>> -> memref<8x16xf32, #tpu.memory_space<vmem_shared>>
        %dma_wait3A_673 = arith.constant 0 : i32
        %dma_wait3A_674 = tpu.memref_slice %arg16[%add3A, %dma_wait3A_673] : memref<10000x16xf32, #tpu.memory_space<vmem_shared>> -> memref<8x16xf32, #tpu.memory_space<vmem_shared>>
        %dma_wait3A_675 = arith.constant 0 : i32
        %dma_wait3A_676 = arith.constant 0 : i32
        %dma_wait3A_677 = tpu.memref_slice %arg14[%dma_wait3A_675, %dma_wait3A_676] : memref<80x16xf32, #tpu.memory_space<vmem>> -> memref<8x16xf32, #tpu.memory_space<vmem>>
        tpu.wait_dma2 semaphore(%run_scoped3A : memref<!tpu.dma_semaphore, #tpu.memory_space<semaphore_mem>>) src(%dma_wait3A_677 : memref<8x16xf32, #tpu.memory_space<vmem>>) dst(%dma_wait3A_674 : memref<8x16xf32, #tpu.memory_space<vmem_shared>>)
        tpu.yield
      }) : () -> ()
    }
    %mul3A_18 = arith.constant 10000 : i32
    %mul3A_19 = arith.muli %arg1, %mul3A_18 : i32
    %swap3A = arith.constant 0 : i32
    %swap3A_20 = arith.index_cast %swap3A : i32 to index
    %swap3A_21 = arith.constant 0 : index
    %swap3A_22 = tpu.vector_load %arg13[%swap3A_20, %swap3A_21] {strides = array<i32>} : memref<80x96xf32, #tpu.memory_space<vmem>>, vector<1x16xf32>,
    %swap3A_23 = vector.shape_cast %swap3A_22 : vector<1x16xf32> to vector<16xf32>
    %swap3A_24 = vector.shape_cast %broadcast_in_dim3A_3 : vector<16xf32> to vector<1x16xf32>
    tpu.vector_store %arg13[%swap3A_20, %swap3A_21], %swap3A_24 {strides = array<i32>} : memref<80x96xf32, #tpu.memory_space<vmem>>, vector<1x16xf32>,
    %swap3A_25 = arith.constant 0 : i32
    %swap3A_26 = arith.index_cast %swap3A_25 : i32 to index
    %swap3A_27 = arith.constant 16 : index
    %swap3A_28 = tpu.vector_load %arg13[%swap3A_26, %swap3A_27] {strides = array<i32>} : memref<80x96xf32, #tpu.memory_space<vmem>>, vector<1x16xf32>,
    %swap3A_29 = vector.shape_cast %swap3A_28 : vector<1x16xf32> to vector<16xf32>
    %swap3A_30 = vector.shape_cast %broadcast_in_dim3A_3 : vector<16xf32> to vector<1x16xf32>
    tpu.vector_store %arg13[%swap3A_26, %swap3A_27], %swap3A_30 {strides = array<i32>} : memref<80x96xf32, #tpu.memory_space<vmem>>, vector<1x16xf32>,
    %swap3A_31 = arith.constant 0 : i32
    %swap3A_32 = arith.index_cast %swap3A_31 : i32 to index
    %swap3A_33 = arith.constant 32 : index
    %swap3A_34 = tpu.vector_load %arg13[%swap3A_32, %swap3A_33] {strides = array<i32>} : memref<80x96xf32, #tpu.memory_space<vmem>>, vector<1x16xf32>,
    %swap3A_35 = vector.shape_cast %swap3A_34 : vector<1x16xf32> to vector<16xf32>
    %swap3A_36 = vector.shape_cast %broadcast_in_dim3A_3 : vector<16xf32> to vector<1x16xf32>
    tpu.vector_store %arg13[%swap3A_32, %swap3A_33], %swap3A_36 {strides = array<i32>} : memref<80x96xf32, #tpu.memory_space<vmem>>, vector<1x16xf32>,
    %swap3A_37 = arith.constant 0 : i32
    %swap3A_38 = arith.index_cast %swap3A_37 : i32 to index
    %swap3A_39 = arith.constant 48 : index
    %swap3A_40 = tpu.vector_load %arg13[%swap3A_38, %swap3A_39] {strides = array<i32>} : memref<80x96xf32, #tpu.memory_space<vmem>>, vector<1x16xf32>,
    %swap3A_41 = vector.shape_cast %swap3A_40 : vector<1x16xf32> to vector<16xf32>
    %swap3A_42 = vector.shape_cast %broadcast_in_dim3A_3 : vector<16xf32> to vector<1x16xf32>
    tpu.vector_store %arg13[%swap3A_38, %swap3A_39], %swap3A_42 {strides = array<i32>} : memref<80x96xf32, #tpu.memory_space<vmem>>, vector<1x16xf32>,
    %swap3A_43 = arith.constant 0 : i32
    %swap3A_44 = arith.index_cast %swap3A_43 : i32 to index
    %swap3A_45 = arith.constant 64 : index
    %swap3A_46 = tpu.vector_load %arg13[%swap3A_44, %swap3A_45] {strides = array<i32>} : memref<80x96xf32, #tpu.memory_space<vmem>>, vector<1x16xf32>,
    %swap3A_47 = vector.shape_cast %swap3A_46 : vector<1x16xf32> to vector<16xf32>
    %swap3A_48 = vector.shape_cast %broadcast_in_dim3A_3 : vector<16xf32> to vector<1x16xf32>
    tpu.vector_store %arg13[%swap3A_44, %swap3A_45], %swap3A_48 {strides = array<i32>} : memref<80x96xf32, #tpu.memory_space<vmem>>, vector<1x16xf32>,
    %swap3A_49 = arith.constant 0 : i32
    %swap3A_50 = arith.index_cast %swap3A_49 : i32 to index
    %swap3A_51 = arith.constant 80 : index
    %swap3A_52 = tpu.vector_load %arg13[%swap3A_50, %swap3A_51] {strides = array<i32>} : memref<80x96xf32, #tpu.memory_space<vmem>>, vector<1x16xf32>,
    %swap3A_53 = vector.shape_cast %swap3A_52 : vector<1x16xf32> to vector<16xf32>
    %swap3A_54 = vector.shape_cast %broadcast_in_dim3A_3 : vector<16xf32> to vector<1x16xf32>
    tpu.vector_store %arg13[%swap3A_50, %swap3A_51], %swap3A_54 {strides = array<i32>} : memref<80x96xf32, #tpu.memory_space<vmem>>, vector<1x16xf32>,
    %swap3A_55 = arith.constant 1 : i32
    %swap3A_56 = arith.index_cast %swap3A_55 : i32 to index
    %swap3A_57 = arith.constant 0 : index
    %swap3A_58 = tpu.vector_load %arg13[%swap3A_56, %swap3A_57] {strides = array<i32>} : memref<80x96xf32, #tpu.memory_space<vmem>>, vector<1x16xf32>,
    %swap3A_59 = vector.shape_cast %swap3A_58 : vector<1x16xf32> to vector<16xf32>
    %swap3A_60 = vector.shape_cast %broadcast_in_dim3A_3 : vector<16xf32> to vector<1x16xf32>
    tpu.vector_store %arg13[%swap3A_56, %swap3A_57], %swap3A_60 {strides = array<i32>} : memref<80x96xf32, #tpu.memory_space<vmem>>, vector<1x16xf32>,
    %swap3A_61 = arith.constant 1 : i32
    %swap3A_62 = arith.index_cast %swap3A_61 : i32 to index
    %swap3A_63 = arith.constant 16 : index
    %swap3A_64 = tpu.vector_load %arg13[%swap3A_62, %swap3A_63] {strides = array<i32>} : memref<80x96xf32, #tpu.memory_space<vmem>>, vector<1x16xf32>,
    %swap3A_65 = vector.shape_cast %swap3A_64 : vector<1x16xf32> to vector<16xf32>
    %swap3A_66 = vector.shape_cast %broadcast_in_dim3A_3 : vector<16xf32> to vector<1x16xf32>
    tpu.vector_store %arg13[%swap3A_62, %swap3A_63], %swap3A_66 {strides = array<i32>} : memref<80x96xf32, #tpu.memory_space<vmem>>, vector<1x16xf32>,
    %swap3A_67 = arith.constant 1 : i32
    %swap3A_68 = arith.index_cast %swap3A_67 : i32 to index
    %swap3A_69 = arith.constant 32 : index
    %swap3A_70 = tpu.vector_load %arg13[%swap3A_68, %swap3A_69] {strides = array<i32>} : memref<80x96xf32, #tpu.memory_space<vmem>>, vector<1x16xf32>,
    %swap3A_71 = vector.shape_cast %swap3A_70 : vector<1x16xf32> to vector<16xf32>
    %swap3A_72 = vector.shape_cast %broadcast_in_dim3A_3 : vector<16xf32> to vector<1x16xf32>
    tpu.vector_store %arg13[%swap3A_68, %swap3A_69], %swap3A_72 {strides = array<i32>} : memref<80x96xf32, #tpu.memory_space<vmem>>, vector<1x16xf32>,
    %swap3A_73 = arith.constant 1 : i32
    %swap3A_74 = arith.index_cast %swap3A_73 : i32 to index
    %swap3A_75 = arith.constant 48 : index
    %swap3A_76 = tpu.vector_load %arg13[%swap3A_74, %swap3A_75] {strides = array<i32>} : memref<80x96xf32, #tpu.memory_space<vmem>>, vector<1x16xf32>,
    %swap3A_77 = vector.shape_cast %swap3A_76 : vector<1x16xf32> to vector<16xf32>
    %swap3A_78 = vector.shape_cast %broadcast_in_dim3A_3 : vector<16xf32> to vector<1x16xf32>
    tpu.vector_store %arg13[%swap3A_74, %swap3A_75], %swap3A_78 {strides = array<i32>} : memref<80x96xf32, #tpu.memory_space<vmem>>, vector<1x16xf32>,
    %swap3A_79 = arith.constant 1 : i32
    %swap3A_80 = arith.index_cast %swap3A_79 : i32 to index
    %swap3A_81 = arith.constant 64 : index
    %swap3A_82 = tpu.vector_load %arg13[%swap3A_80, %swap3A_81] {strides = array<i32>} : memref<80x96xf32, #tpu.memory_space<vmem>>, vector<1x16xf32>,
    %swap3A_83 = vector.shape_cast %swap3A_82 : vector<1x16xf32> to vector<16xf32>
    %swap3A_84 = vector.shape_cast %broadcast_in_dim3A_3 : vector<16xf32> to vector<1x16xf32>
    tpu.vector_store %arg13[%swap3A_80, %swap3A_81], %swap3A_84 {strides = array<i32>} : memref<80x96xf32, #tpu.memory_space<vmem>>, vector<1x16xf32>,
    %swap3A_85 = arith.constant 1 : i32
    %swap3A_86 = arith.index_cast %swap3A_85 : i32 to index
    %swap3A_87 = arith.constant 80 : index
    %swap3A_88 = tpu.vector_load %arg13[%swap3A_86, %swap3A_87] {strides = array<i32>} : memref<80x96xf32, #tpu.memory_space<vmem>>, vector<1x16xf32>,
    %swap3A_89 = vector.shape_cast %swap3A_88 : vector<1x16xf32> to vector<16xf32>
    %swap3A_90 = vector.shape_cast %broadcast_in_dim3A_3 : vector<16xf32> to vector<1x16xf32>
    tpu.vector_store %arg13[%swap3A_86, %swap3A_87], %swap3A_90 {strides = array<i32>} : memref<80x96xf32, #tpu.memory_space<vmem>>, vector<1x16xf32>,
    %swap3A_91 = arith.constant 2 : i32
    %swap3A_92 = arith.index_cast %swap3A_91 : i32 to index
    %swap3A_93 = arith.constant 0 : index
    %swap3A_94 = tpu.vector_load %arg13[%swap3A_92, %swap3A_93] {strides = array<i32>} : memref<80x96xf32, #tpu.memory_space<vmem>>, vector<1x16xf32>,
    %swap3A_95 = vector.shape_cast %swap3A_94 : vector<1x16xf32> to vector<16xf32>
    %swap3A_96 = vector.shape_cast %broadcast_in_dim3A_3 : vector<16xf32> to vector<1x16xf32>
    tpu.vector_store %arg13[%swap3A_92, %swap3A_93], %swap3A_96 {strides = array<i32>} : memref<80x96xf32, #tpu.memory_space<vmem>>, vector<1x16xf32>,
    %swap3A_97 = arith.constant 2 : i32
    %swap3A_98 = arith.index_cast %swap3A_97 : i32 to index
    %swap3A_99 = arith.constant 16 : index
    %swap3A_100 = tpu.vector_load %arg13[%swap3A_98, %swap3A_99] {strides = array<i32>} : memref<80x96xf32, #tpu.memory_space<vmem>>, vector<1x16xf32>,
    %swap3A_101 = vector.shape_cast %swap3A_100 : vector<1x16xf32> to vector<16xf32>
    %swap3A_102 = vector.shape_cast %broadcast_in_dim3A_3 : vector<16xf32> to vector<1x16xf32>
    tpu.vector_store %arg13[%swap3A_98, %swap3A_99], %swap3A_102 {strides = array<i32>} : memref<80x96xf32, #tpu.memory_space<vmem>>, vector<1x16xf32>,
    %swap3A_103 = arith.constant 2 : i32
    %swap3A_104 = arith.index_cast %swap3A_103 : i32 to index
    %swap3A_105 = arith.constant 32 : index
    %swap3A_106 = tpu.vector_load %arg13[%swap3A_104, %swap3A_105] {strides = array<i32>} : memref<80x96xf32, #tpu.memory_space<vmem>>, vector<1x16xf32>,
    %swap3A_107 = vector.shape_cast %swap3A_106 : vector<1x16xf32> to vector<16xf32>
    %swap3A_108 = vector.shape_cast %broadcast_in_dim3A_3 : vector<16xf32> to vector<1x16xf32>
    tpu.vector_store %arg13[%swap3A_104, %swap3A_105], %swap3A_108 {strides = array<i32>} : memref<80x96xf32, #tpu.memory_space<vmem>>, vector<1x16xf32>,
    %swap3A_109 = arith.constant 2 : i32
    %swap3A_110 = arith.index_cast %swap3A_109 : i32 to index
    %swap3A_111 = arith.constant 48 : index
    %swap3A_112 = tpu.vector_load %arg13[%swap3A_110, %swap3A_111] {strides = array<i32>} : memref<80x96xf32, #tpu.memory_space<vmem>>, vector<1x16xf32>,
    %swap3A_113 = vector.shape_cast %swap3A_112 : vector<1x16xf32> to vector<16xf32>
    %swap3A_114 = vector.shape_cast %broadcast_in_dim3A_3 : vector<16xf32> to vector<1x16xf32>
    tpu.vector_store %arg13[%swap3A_110, %swap3A_111], %swap3A_114 {strides = array<i32>} : memref<80x96xf32, #tpu.memory_space<vmem>>, vector<1x16xf32>,
    %swap3A_115 = arith.constant 2 : i32
    %swap3A_116 = arith.index_cast %swap3A_115 : i32 to index
    %swap3A_117 = arith.constant 64 : index
    %swap3A_118 = tpu.vector_load %arg13[%swap3A_116, %swap3A_117] {strides = array<i32>} : memref<80x96xf32, #tpu.memory_space<vmem>>, vector<1x16xf32>,
    %swap3A_119 = vector.shape_cast %swap3A_118 : vector<1x16xf32> to vector<16xf32>
    %swap3A_120 = vector.shape_cast %broadcast_in_dim3A_3 : vector<16xf32> to vector<1x16xf32>
    tpu.vector_store %arg13[%swap3A_116, %swap3A_117], %swap3A_120 {strides = array<i32>} : memref<80x96xf32, #tpu.memory_space<vmem>>, vector<1x16xf32>,
    %swap3A_121 = arith.constant 2 : i32
    %swap3A_122 = arith.index_cast %swap3A_121 : i32 to index
    %swap3A_123 = arith.constant 80 : index
    %swap3A_124 = tpu.vector_load %arg13[%swap3A_122, %swap3A_123] {strides = array<i32>} : memref<80x96xf32, #tpu.memory_space<vmem>>, vector<1x16xf32>,
    %swap3A_125 = vector.shape_cast %swap3A_124 : vector<1x16xf32> to vector<16xf32>
    %swap3A_126 = vector.shape_cast %broadcast_in_dim3A_3 : vector<16xf32> to vector<1x16xf32>
    tpu.vector_store %arg13[%swap3A_122, %swap3A_123], %swap3A_126 {strides = array<i32>} : memref<80x96xf32, #tpu.memory_space<vmem>>, vector<1x16xf32>,
    %swap3A_127 = arith.constant 3 : i32
    %swap3A_128 = arith.index_cast %swap3A_127 : i32 to index
    %swap3A_129 = arith.constant 0 : index
    %swap3A_130 = tpu.vector_load %arg13[%swap3A_128, %swap3A_129] {strides = array<i32>} : memref<80x96xf32, #tpu.memory_space<vmem>>, vector<1x16xf32>,
    %swap3A_131 = vector.shape_cast %swap3A_130 : vector<1x16xf32> to vector<16xf32>
    %swap3A_132 = vector.shape_cast %broadcast_in_dim3A_3 : vector<16xf32> to vector<1x16xf32>
    tpu.vector_store %arg13[%swap3A_128, %swap3A_129], %swap3A_132 {strides = array<i32>} : memref<80x96xf32, #tpu.memory_space<vmem>>, vector<1x16xf32>,
    %swap3A_133 = arith.constant 3 : i32
    %swap3A_134 = arith.index_cast %swap3A_133 : i32 to index
    %swap3A_135 = arith.constant 16 : index
    %swap3A_136 = tpu.vector_load %arg13[%swap3A_134, %swap3A_135] {strides = array<i32>} : memref<80x96xf32, #tpu.memory_space<vmem>>, vector<1x16xf32>,
    %swap3A_137 = vector.shape_cast %swap3A_136 : vector<1x16xf32> to vector<16xf32>
    %swap3A_138 = vector.shape_cast %broadcast_in_dim3A_3 : vector<16xf32> to vector<1x16xf32>
    tpu.vector_store %arg13[%swap3A_134, %swap3A_135], %swap3A_138 {strides = array<i32>} : memref<80x96xf32, #tpu.memory_space<vmem>>, vector<1x16xf32>,
    %swap3A_139 = arith.constant 3 : i32
    %swap3A_140 = arith.index_cast %swap3A_139 : i32 to index
    %swap3A_141 = arith.constant 32 : index
    %swap3A_142 = tpu.vector_load %arg13[%swap3A_140, %swap3A_141] {strides = array<i32>} : memref<80x96xf32, #tpu.memory_space<vmem>>, vector<1x16xf32>,
    %swap3A_143 = vector.shape_cast %swap3A_142 : vector<1x16xf32> to vector<16xf32>
    %swap3A_144 = vector.shape_cast %broadcast_in_dim3A_3 : vector<16xf32> to vector<1x16xf32>
    tpu.vector_store %arg13[%swap3A_140, %swap3A_141], %swap3A_144 {strides = array<i32>} : memref<80x96xf32, #tpu.memory_space<vmem>>, vector<1x16xf32>,
    %swap3A_145 = arith.constant 3 : i32
    %swap3A_146 = arith.index_cast %swap3A_145 : i32 to index
    %swap3A_147 = arith.constant 48 : index
    %swap3A_148 = tpu.vector_load %arg13[%swap3A_146, %swap3A_147] {strides = array<i32>} : memref<80x96xf32, #tpu.memory_space<vmem>>, vector<1x16xf32>,
    %swap3A_149 = vector.shape_cast %swap3A_148 : vector<1x16xf32> to vector<16xf32>
    %swap3A_150 = vector.shape_cast %broadcast_in_dim3A_3 : vector<16xf32> to vector<1x16xf32>
    tpu.vector_store %arg13[%swap3A_146, %swap3A_147], %swap3A_150 {strides = array<i32>} : memref<80x96xf32, #tpu.memory_space<vmem>>, vector<1x16xf32>,
    %swap3A_151 = arith.constant 3 : i32
    %swap3A_152 = arith.index_cast %swap3A_151 : i32 to index
    %swap3A_153 = arith.constant 64 : index
    %swap3A_154 = tpu.vector_load %arg13[%swap3A_152, %swap3A_153] {strides = array<i32>} : memref<80x96xf32, #tpu.memory_space<vmem>>, vector<1x16xf32>,
    %swap3A_155 = vector.shape_cast %swap3A_154 : vector<1x16xf32> to vector<16xf32>
    %swap3A_156 = vector.shape_cast %broadcast_in_dim3A_3 : vector<16xf32> to vector<1x16xf32>
    tpu.vector_store %arg13[%swap3A_152, %swap3A_153], %swap3A_156 {strides = array<i32>} : memref<80x96xf32, #tpu.memory_space<vmem>>, vector<1x16xf32>,
    %swap3A_157 = arith.constant 3 : i32
    %swap3A_158 = arith.index_cast %swap3A_157 : i32 to index
    %swap3A_159 = arith.constant 80 : index
    %swap3A_160 = tpu.vector_load %arg13[%swap3A_158, %swap3A_159] {strides = array<i32>} : memref<80x96xf32, #tpu.memory_space<vmem>>, vector<1x16xf32>,
    %swap3A_161 = vector.shape_cast %swap3A_160 : vector<1x16xf32> to vector<16xf32>
    %swap3A_162 = vector.shape_cast %broadcast_in_dim3A_3 : vector<16xf32> to vector<1x16xf32>
    tpu.vector_store %arg13[%swap3A_158, %swap3A_159], %swap3A_162 {strides = array<i32>} : memref<80x96xf32, #tpu.memory_space<vmem>>, vector<1x16xf32>,
    %swap3A_163 = arith.constant 4 : i32
    %swap3A_164 = arith.index_cast %swap3A_163 : i32 to index
    %swap3A_165 = arith.constant 0 : index
    %swap3A_166 = tpu.vector_load %arg13[%swap3A_164, %swap3A_165] {strides = array<i32>} : memref<80x96xf32, #tpu.memory_space<vmem>>, vector<1x16xf32>,
    %swap3A_167 = vector.shape_cast %swap3A_166 : vector<1x16xf32> to vector<16xf32>
    %swap3A_168 = vector.shape_cast %broadcast_in_dim3A_3 : vector<16xf32> to vector<1x16xf32>
    tpu.vector_store %arg13[%swap3A_164, %swap3A_165], %swap3A_168 {strides = array<i32>} : memref<80x96xf32, #tpu.memory_space<vmem>>, vector<1x16xf32>,
    %swap3A_169 = arith.constant 4 : i32
    %swap3A_170 = arith.index_cast %swap3A_169 : i32 to index
    %swap3A_171 = arith.constant 16 : index
    %swap3A_172 = tpu.vector_load %arg13[%swap3A_170, %swap3A_171] {strides = array<i32>} : memref<80x96xf32, #tpu.memory_space<vmem>>, vector<1x16xf32>,
    %swap3A_173 = vector.shape_cast %swap3A_172 : vector<1x16xf32> to vector<16xf32>
    %swap3A_174 = vector.shape_cast %broadcast_in_dim3A_3 : vector<16xf32> to vector<1x16xf32>
    tpu.vector_store %arg13[%swap3A_170, %swap3A_171], %swap3A_174 {strides = array<i32>} : memref<80x96xf32, #tpu.memory_space<vmem>>, vector<1x16xf32>,
    %swap3A_175 = arith.constant 4 : i32
    %swap3A_176 = arith.index_cast %swap3A_175 : i32 to index
    %swap3A_177 = arith.constant 32 : index
    %swap3A_178 = tpu.vector_load %arg13[%swap3A_176, %swap3A_177] {strides = array<i32>} : memref<80x96xf32, #tpu.memory_space<vmem>>, vector<1x16xf32>,
    %swap3A_179 = vector.shape_cast %swap3A_178 : vector<1x16xf32> to vector<16xf32>
    %swap3A_180 = vector.shape_cast %broadcast_in_dim3A_3 : vector<16xf32> to vector<1x16xf32>
    tpu.vector_store %arg13[%swap3A_176, %swap3A_177], %swap3A_180 {strides = array<i32>} : memref<80x96xf32, #tpu.memory_space<vmem>>, vector<1x16xf32>,
    %swap3A_181 = arith.constant 4 : i32
    %swap3A_182 = arith.index_cast %swap3A_181 : i32 to index
    %swap3A_183 = arith.constant 48 : index
    %swap3A_184 = tpu.vector_load %arg13[%swap3A_182, %swap3A_183] {strides = array<i32>} : memref<80x96xf32, #tpu.memory_space<vmem>>, vector<1x16xf32>,
    %swap3A_185 = vector.shape_cast %swap3A_184 : vector<1x16xf32> to vector<16xf32>
    %swap3A_186 = vector.shape_cast %broadcast_in_dim3A_3 : vector<16xf32> to vector<1x16xf32>
    tpu.vector_store %arg13[%swap3A_182, %swap3A_183], %swap3A_186 {strides = array<i32>} : memref<80x96xf32, #tpu.memory_space<vmem>>, vector<1x16xf32>,
    %swap3A_187 = arith.constant 4 : i32
    %swap3A_188 = arith.index_cast %swap3A_187 : i32 to index
    %swap3A_189 = arith.constant 64 : index
    %swap3A_190 = tpu.vector_load %arg13[%swap3A_188, %swap3A_189] {strides = array<i32>} : memref<80x96xf32, #tpu.memory_space<vmem>>, vector<1x16xf32>,
    %swap3A_191 = vector.shape_cast %swap3A_190 : vector<1x16xf32> to vector<16xf32>
    %swap3A_192 = vector.shape_cast %broadcast_in_dim3A_3 : vector<16xf32> to vector<1x16xf32>
    tpu.vector_store %arg13[%swap3A_188, %swap3A_189], %swap3A_192 {strides = array<i32>} : memref<80x96xf32, #tpu.memory_space<vmem>>, vector<1x16xf32>,
    %swap3A_193 = arith.constant 4 : i32
    %swap3A_194 = arith.index_cast %swap3A_193 : i32 to index
    %swap3A_195 = arith.constant 80 : index
    %swap3A_196 = tpu.vector_load %arg13[%swap3A_194, %swap3A_195] {strides = array<i32>} : memref<80x96xf32, #tpu.memory_space<vmem>>, vector<1x16xf32>,
    %swap3A_197 = vector.shape_cast %swap3A_196 : vector<1x16xf32> to vector<16xf32>
    %swap3A_198 = vector.shape_cast %broadcast_in_dim3A_3 : vector<16xf32> to vector<1x16xf32>
    tpu.vector_store %arg13[%swap3A_194, %swap3A_195], %swap3A_198 {strides = array<i32>} : memref<80x96xf32, #tpu.memory_space<vmem>>, vector<1x16xf32>,
    %swap3A_199 = arith.constant 5 : i32
    %swap3A_200 = arith.index_cast %swap3A_199 : i32 to index
    %swap3A_201 = arith.constant 0 : index
    %swap3A_202 = tpu.vector_load %arg13[%swap3A_200, %swap3A_201] {strides = array<i32>} : memref<80x96xf32, #tpu.memory_space<vmem>>, vector<1x16xf32>,
    %swap3A_203 = vector.shape_cast %swap3A_202 : vector<1x16xf32> to vector<16xf32>
    %swap3A_204 = vector.shape_cast %broadcast_in_dim3A_3 : vector<16xf32> to vector<1x16xf32>
    tpu.vector_store %arg13[%swap3A_200, %swap3A_201], %swap3A_204 {strides = array<i32>} : memref<80x96xf32, #tpu.memory_space<vmem>>, vector<1x16xf32>,
    %swap3A_205 = arith.constant 5 : i32
    %swap3A_206 = arith.index_cast %swap3A_205 : i32 to index
    %swap3A_207 = arith.constant 16 : index
    %swap3A_208 = tpu.vector_load %arg13[%swap3A_206, %swap3A_207] {strides = array<i32>} : memref<80x96xf32, #tpu.memory_space<vmem>>, vector<1x16xf32>,
    %swap3A_209 = vector.shape_cast %swap3A_208 : vector<1x16xf32> to vector<16xf32>
    %swap3A_210 = vector.shape_cast %broadcast_in_dim3A_3 : vector<16xf32> to vector<1x16xf32>
    tpu.vector_store %arg13[%swap3A_206, %swap3A_207], %swap3A_210 {strides = array<i32>} : memref<80x96xf32, #tpu.memory_space<vmem>>, vector<1x16xf32>,
    %swap3A_211 = arith.constant 5 : i32
    %swap3A_212 = arith.index_cast %swap3A_211 : i32 to index
    %swap3A_213 = arith.constant 32 : index
    %swap3A_214 = tpu.vector_load %arg13[%swap3A_212, %swap3A_213] {strides = array<i32>} : memref<80x96xf32, #tpu.memory_space<vmem>>, vector<1x16xf32>,
    %swap3A_215 = vector.shape_cast %swap3A_214 : vector<1x16xf32> to vector<16xf32>
    %swap3A_216 = vector.shape_cast %broadcast_in_dim3A_3 : vector<16xf32> to vector<1x16xf32>
    tpu.vector_store %arg13[%swap3A_212, %swap3A_213], %swap3A_216 {strides = array<i32>} : memref<80x96xf32, #tpu.memory_space<vmem>>, vector<1x16xf32>,
    %swap3A_217 = arith.constant 5 : i32
    %swap3A_218 = arith.index_cast %swap3A_217 : i32 to index
    %swap3A_219 = arith.constant 48 : index
    %swap3A_220 = tpu.vector_load %arg13[%swap3A_218, %swap3A_219] {strides = array<i32>} : memref<80x96xf32, #tpu.memory_space<vmem>>, vector<1x16xf32>,
    %swap3A_221 = vector.shape_cast %swap3A_220 : vector<1x16xf32> to vector<16xf32>
    %swap3A_222 = vector.shape_cast %broadcast_in_dim3A_3 : vector<16xf32> to vector<1x16xf32>
    tpu.vector_store %arg13[%swap3A_218, %swap3A_219], %swap3A_222 {strides = array<i32>} : memref<80x96xf32, #tpu.memory_space<vmem>>, vector<1x16xf32>,
    %swap3A_223 = arith.constant 5 : i32
    %swap3A_224 = arith.index_cast %swap3A_223 : i32 to index
    %swap3A_225 = arith.constant 64 : index
    %swap3A_226 = tpu.vector_load %arg13[%swap3A_224, %swap3A_225] {strides = array<i32>} : memref<80x96xf32, #tpu.memory_space<vmem>>, vector<1x16xf32>,
    %swap3A_227 = vector.shape_cast %swap3A_226 : vector<1x16xf32> to vector<16xf32>
    %swap3A_228 = vector.shape_cast %broadcast_in_dim3A_3 : vector<16xf32> to vector<1x16xf32>
    tpu.vector_store %arg13[%swap3A_224, %swap3A_225], %swap3A_228 {strides = array<i32>} : memref<80x96xf32, #tpu.memory_space<vmem>>, vector<1x16xf32>,
    %swap3A_229 = arith.constant 5 : i32
    %swap3A_230 = arith.index_cast %swap3A_229 : i32 to index
    %swap3A_231 = arith.constant 80 : index
    %swap3A_232 = tpu.vector_load %arg13[%swap3A_230, %swap3A_231] {strides = array<i32>} : memref<80x96xf32, #tpu.memory_space<vmem>>, vector<1x16xf32>,
    %swap3A_233 = vector.shape_cast %swap3A_232 : vector<1x16xf32> to vector<16xf32>
    %swap3A_234 = vector.shape_cast %broadcast_in_dim3A_3 : vector<16xf32> to vector<1x16xf32>
    tpu.vector_store %arg13[%swap3A_230, %swap3A_231], %swap3A_234 {strides = array<i32>} : memref<80x96xf32, #tpu.memory_space<vmem>>, vector<1x16xf32>,
    %swap3A_235 = arith.constant 6 : i32
    %swap3A_236 = arith.index_cast %swap3A_235 : i32 to index
    %swap3A_237 = arith.constant 0 : index
    %swap3A_238 = tpu.vector_load %arg13[%swap3A_236, %swap3A_237] {strides = array<i32>} : memref<80x96xf32, #tpu.memory_space<vmem>>, vector<1x16xf32>,
    %swap3A_239 = vector.shape_cast %swap3A_238 : vector<1x16xf32> to vector<16xf32>
    %swap3A_240 = vector.shape_cast %broadcast_in_dim3A_3 : vector<16xf32> to vector<1x16xf32>
    tpu.vector_store %arg13[%swap3A_236, %swap3A_237], %swap3A_240 {strides = array<i32>} : memref<80x96xf32, #tpu.memory_space<vmem>>, vector<1x16xf32>,
    %swap3A_241 = arith.constant 6 : i32
    %swap3A_242 = arith.index_cast %swap3A_241 : i32 to index
    %swap3A_243 = arith.constant 16 : index
    %swap3A_244 = tpu.vector_load %arg13[%swap3A_242, %swap3A_243] {strides = array<i32>} : memref<80x96xf32, #tpu.memory_space<vmem>>, vector<1x16xf32>,
    %swap3A_245 = vector.shape_cast %swap3A_244 : vector<1x16xf32> to vector<16xf32>
    %swap3A_246 = vector.shape_cast %broadcast_in_dim3A_3 : vector<16xf32> to vector<1x16xf32>
    tpu.vector_store %arg13[%swap3A_242, %swap3A_243], %swap3A_246 {strides = array<i32>} : memref<80x96xf32, #tpu.memory_space<vmem>>, vector<1x16xf32>,
    %swap3A_247 = arith.constant 6 : i32
    %swap3A_248 = arith.index_cast %swap3A_247 : i32 to index
    %swap3A_249 = arith.constant 32 : index
    %swap3A_250 = tpu.vector_load %arg13[%swap3A_248, %swap3A_249] {strides = array<i32>} : memref<80x96xf32, #tpu.memory_space<vmem>>, vector<1x16xf32>,
    %swap3A_251 = vector.shape_cast %swap3A_250 : vector<1x16xf32> to vector<16xf32>
    %swap3A_252 = vector.shape_cast %broadcast_in_dim3A_3 : vector<16xf32> to vector<1x16xf32>
    tpu.vector_store %arg13[%swap3A_248, %swap3A_249], %swap3A_252 {strides = array<i32>} : memref<80x96xf32, #tpu.memory_space<vmem>>, vector<1x16xf32>,
    %swap3A_253 = arith.constant 6 : i32
    %swap3A_254 = arith.index_cast %swap3A_253 : i32 to index
    %swap3A_255 = arith.constant 48 : index
    %swap3A_256 = tpu.vector_load %arg13[%swap3A_254, %swap3A_255] {strides = array<i32>} : memref<80x96xf32, #tpu.memory_space<vmem>>, vector<1x16xf32>,
    %swap3A_257 = vector.shape_cast %swap3A_256 : vector<1x16xf32> to vector<16xf32>
    %swap3A_258 = vector.shape_cast %broadcast_in_dim3A_3 : vector<16xf32> to vector<1x16xf32>
    tpu.vector_store %arg13[%swap3A_254, %swap3A_255], %swap3A_258 {strides = array<i32>} : memref<80x96xf32, #tpu.memory_space<vmem>>, vector<1x16xf32>,
    %swap3A_259 = arith.constant 6 : i32
    %swap3A_260 = arith.index_cast %swap3A_259 : i32 to index
    %swap3A_261 = arith.constant 64 : index
    %swap3A_262 = tpu.vector_load %arg13[%swap3A_260, %swap3A_261] {strides = array<i32>} : memref<80x96xf32, #tpu.memory_space<vmem>>, vector<1x16xf32>,
    %swap3A_263 = vector.shape_cast %swap3A_262 : vector<1x16xf32> to vector<16xf32>
    %swap3A_264 = vector.shape_cast %broadcast_in_dim3A_3 : vector<16xf32> to vector<1x16xf32>
    tpu.vector_store %arg13[%swap3A_260, %swap3A_261], %swap3A_264 {strides = array<i32>} : memref<80x96xf32, #tpu.memory_space<vmem>>, vector<1x16xf32>,
    %swap3A_265 = arith.constant 6 : i32
    %swap3A_266 = arith.index_cast %swap3A_265 : i32 to index
    %swap3A_267 = arith.constant 80 : index
    %swap3A_268 = tpu.vector_load %arg13[%swap3A_266, %swap3A_267] {strides = array<i32>} : memref<80x96xf32, #tpu.memory_space<vmem>>, vector<1x16xf32>,
    %swap3A_269 = vector.shape_cast %swap3A_268 : vector<1x16xf32> to vector<16xf32>
    %swap3A_270 = vector.shape_cast %broadcast_in_dim3A_3 : vector<16xf32> to vector<1x16xf32>
    tpu.vector_store %arg13[%swap3A_266, %swap3A_267], %swap3A_270 {strides = array<i32>} : memref<80x96xf32, #tpu.memory_space<vmem>>, vector<1x16xf32>,
    %swap3A_271 = arith.constant 7 : i32
    %swap3A_272 = arith.index_cast %swap3A_271 : i32 to index
    %swap3A_273 = arith.constant 0 : index
    %swap3A_274 = tpu.vector_load %arg13[%swap3A_272, %swap3A_273] {strides = array<i32>} : memref<80x96xf32, #tpu.memory_space<vmem>>, vector<1x16xf32>,
    %swap3A_275 = vector.shape_cast %swap3A_274 : vector<1x16xf32> to vector<16xf32>
    %swap3A_276 = vector.shape_cast %broadcast_in_dim3A_3 : vector<16xf32> to vector<1x16xf32>
    tpu.vector_store %arg13[%swap3A_272, %swap3A_273], %swap3A_276 {strides = array<i32>} : memref<80x96xf32, #tpu.memory_space<vmem>>, vector<1x16xf32>,
    %swap3A_277 = arith.constant 7 : i32
    %swap3A_278 = arith.index_cast %swap3A_277 : i32 to index
    %swap3A_279 = arith.constant 16 : index
    %swap3A_280 = tpu.vector_load %arg13[%swap3A_278, %swap3A_279] {strides = array<i32>} : memref<80x96xf32, #tpu.memory_space<vmem>>, vector<1x16xf32>,
    %swap3A_281 = vector.shape_cast %swap3A_280 : vector<1x16xf32> to vector<16xf32>
    %swap3A_282 = vector.shape_cast %broadcast_in_dim3A_3 : vector<16xf32> to vector<1x16xf32>
    tpu.vector_store %arg13[%swap3A_278, %swap3A_279], %swap3A_282 {strides = array<i32>} : memref<80x96xf32, #tpu.memory_space<vmem>>, vector<1x16xf32>,
    %swap3A_283 = arith.constant 7 : i32
    %swap3A_284 = arith.index_cast %swap3A_283 : i32 to index
    %swap3A_285 = arith.constant 32 : index
    %swap3A_286 = tpu.vector_load %arg13[%swap3A_284, %swap3A_285] {strides = array<i32>} : memref<80x96xf32, #tpu.memory_space<vmem>>, vector<1x16xf32>,
    %swap3A_287 = vector.shape_cast %swap3A_286 : vector<1x16xf32> to vector<16xf32>
    %swap3A_288 = vector.shape_cast %broadcast_in_dim3A_3 : vector<16xf32> to vector<1x16xf32>
    tpu.vector_store %arg13[%swap3A_284, %swap3A_285], %swap3A_288 {strides = array<i32>} : memref<80x96xf32, #tpu.memory_space<vmem>>, vector<1x16xf32>,
    %swap3A_289 = arith.constant 7 : i32
    %swap3A_290 = arith.index_cast %swap3A_289 : i32 to index
    %swap3A_291 = arith.constant 48 : index
    %swap3A_292 = tpu.vector_load %arg13[%swap3A_290, %swap3A_291] {strides = array<i32>} : memref<80x96xf32, #tpu.memory_space<vmem>>, vector<1x16xf32>,
    %swap3A_293 = vector.shape_cast %swap3A_292 : vector<1x16xf32> to vector<16xf32>
    %swap3A_294 = vector.shape_cast %broadcast_in_dim3A_3 : vector<16xf32> to vector<1x16xf32>
    tpu.vector_store %arg13[%swap3A_290, %swap3A_291], %swap3A_294 {strides = array<i32>} : memref<80x96xf32, #tpu.memory_space<vmem>>, vector<1x16xf32>,
    %swap3A_295 = arith.constant 7 : i32
    %swap3A_296 = arith.index_cast %swap3A_295 : i32 to index
    %swap3A_297 = arith.constant 64 : index
    %swap3A_298 = tpu.vector_load %arg13[%swap3A_296, %swap3A_297] {strides = array<i32>} : memref<80x96xf32, #tpu.memory_space<vmem>>, vector<1x16xf32>,
    %swap3A_299 = vector.shape_cast %swap3A_298 : vector<1x16xf32> to vector<16xf32>
    %swap3A_300 = vector.shape_cast %broadcast_in_dim3A_3 : vector<16xf32> to vector<1x16xf32>
    tpu.vector_store %arg13[%swap3A_296, %swap3A_297], %swap3A_300 {strides = array<i32>} : memref<80x96xf32, #tpu.memory_space<vmem>>, vector<1x16xf32>,
    %swap3A_301 = arith.constant 7 : i32
    %swap3A_302 = arith.index_cast %swap3A_301 : i32 to index
    %swap3A_303 = arith.constant 80 : index
    %swap3A_304 = tpu.vector_load %arg13[%swap3A_302, %swap3A_303] {strides = array<i32>} : memref<80x96xf32, #tpu.memory_space<vmem>>, vector<1x16xf32>,
    %swap3A_305 = vector.shape_cast %swap3A_304 : vector<1x16xf32> to vector<16xf32>
    %swap3A_306 = vector.shape_cast %broadcast_in_dim3A_3 : vector<16xf32> to vector<1x16xf32>
    tpu.vector_store %arg13[%swap3A_302, %swap3A_303], %swap3A_306 {strides = array<i32>} : memref<80x96xf32, #tpu.memory_space<vmem>>, vector<1x16xf32>,
    %while3A_307 = arith.constant 0 : i32
    %while3A_308 = arith.constant 0 : i32
    %while3A_309 = arith.subi %select_n3A, %while3A_308 : i32
    %while3A_310 = arith.addi %while3A_308, %while3A_309 : i32
    %while3A_311 = arith.constant 1 : i32
    %while3A_312 = arith.divsi %while3A_309, %while3A_311 : i32
    %while3A_313 = arith.muli %while3A_312, %while3A_311 : i32
    %while3A_314 = arith.addi %while3A_308, %while3A_313 : i32
    %while3A_315 = arith.constant 1 : i32
    scf.for %while3A_657 = %while3A_308 to %while3A_314 step %while3A_315  : i32 {
      %mul3A_658 = arith.constant 8 : i32
      %mul3A_659 = arith.muli %while3A_657, %mul3A_658 : i32
      %add3A = arith.addi %mul3A_0, %mul3A_659 : i32
      "tpu.region"() ({
        %run_scoped3A = tpu.sem_alloc : memref<!tpu.dma_semaphore, #tpu.memory_space<semaphore_mem>>
        %dma_start3A = arith.constant 0 : i32
        %dma_start3A_660 = arith.constant 0 : i32
        %dma_start3A_661 = tpu.memref_slice %arg13[%dma_start3A, %dma_start3A_660] : memref<80x96xf32, #tpu.memory_space<vmem>> -> memref<8x96xf32, #tpu.memory_space<vmem>>
        %dma_start3A_662 = arith.constant 0 : i32
        %dma_start3A_663 = tpu.memref_slice %arg15[%add3A, %dma_start3A_662] : memref<10000x96xf32, #tpu.memory_space<vmem_shared>> -> memref<8x96xf32, #tpu.memory_space<vmem_shared>>
        %dma_start3A_664 = arith.constant 0 : i32
        %dma_start3A_665 = tpu.memref_slice %arg15[%add3A, %dma_start3A_664] : memref<10000x96xf32, #tpu.memory_space<vmem_shared>> -> memref<8x96xf32, #tpu.memory_space<vmem_shared>>
        %dma_start3A_666 = arith.constant 0 : i32
        %dma_start3A_667 = arith.constant 0 : i32
        %dma_start3A_668 = tpu.memref_slice %arg13[%dma_start3A_666, %dma_start3A_667] : memref<80x96xf32, #tpu.memory_space<vmem>> -> memref<8x96xf32, #tpu.memory_space<vmem>>
        tpu.enqueue_dma source(%dma_start3A_668 : memref<8x96xf32, #tpu.memory_space<vmem>>) target(%dma_start3A_665 : memref<8x96xf32, #tpu.memory_space<vmem_shared>>) target_semaphore(%run_scoped3A : memref<!tpu.dma_semaphore, #tpu.memory_space<semaphore_mem>>)
        %dma_wait3A = arith.constant 0 : i32
        %dma_wait3A_669 = arith.constant 0 : i32
        %dma_wait3A_670 = tpu.memref_slice %arg13[%dma_wait3A, %dma_wait3A_669] : memref<80x96xf32, #tpu.memory_space<vmem>> -> memref<8x96xf32, #tpu.memory_space<vmem>>
        %dma_wait3A_671 = arith.constant 0 : i32
        %dma_wait3A_672 = tpu.memref_slice %arg15[%add3A, %dma_wait3A_671] : memref<10000x96xf32, #tpu.memory_space<vmem_shared>> -> memref<8x96xf32, #tpu.memory_space<vmem_shared>>
        %dma_wait3A_673 = arith.constant 0 : i32
        %dma_wait3A_674 = tpu.memref_slice %arg15[%add3A, %dma_wait3A_673] : memref<10000x96xf32, #tpu.memory_space<vmem_shared>> -> memref<8x96xf32, #tpu.memory_space<vmem_shared>>
        %dma_wait3A_675 = arith.constant 0 : i32
        %dma_wait3A_676 = arith.constant 0 : i32
        %dma_wait3A_677 = tpu.memref_slice %arg13[%dma_wait3A_675, %dma_wait3A_676] : memref<80x96xf32, #tpu.memory_space<vmem>> -> memref<8x96xf32, #tpu.memory_space<vmem>>
        tpu.wait_dma2 semaphore(%run_scoped3A : memref<!tpu.dma_semaphore, #tpu.memory_space<semaphore_mem>>) src(%dma_wait3A_677 : memref<8x96xf32, #tpu.memory_space<vmem>>) dst(%dma_wait3A_674 : memref<8x96xf32, #tpu.memory_space<vmem_shared>>)
        tpu.yield
      }) : () -> ()
    }
    %while3A_316 = arith.constant 1 : i32
    scf.for %while3A_657 = %while3A_314 to %while3A_310 step %while3A_316  : i32 {
      %mul3A_658 = arith.constant 8 : i32
      %mul3A_659 = arith.muli %while3A_657, %mul3A_658 : i32
      %add3A = arith.addi %mul3A_0, %mul3A_659 : i32
      "tpu.region"() ({
        %run_scoped3A = tpu.sem_alloc : memref<!tpu.dma_semaphore, #tpu.memory_space<semaphore_mem>>
        %dma_start3A = arith.constant 0 : i32
        %dma_start3A_660 = arith.constant 0 : i32
        %dma_start3A_661 = tpu.memref_slice %arg13[%dma_start3A, %dma_start3A_660] : memref<80x96xf32, #tpu.memory_space<vmem>> -> memref<8x96xf32, #tpu.memory_space<vmem>>
        %dma_start3A_662 = arith.constant 0 : i32
        %dma_start3A_663 = tpu.memref_slice %arg15[%add3A, %dma_start3A_662] : memref<10000x96xf32, #tpu.memory_space<vmem_shared>> -> memref<8x96xf32, #tpu.memory_space<vmem_shared>>
        %dma_start3A_664 = arith.constant 0 : i32
        %dma_start3A_665 = tpu.memref_slice %arg15[%add3A, %dma_start3A_664] : memref<10000x96xf32, #tpu.memory_space<vmem_shared>> -> memref<8x96xf32, #tpu.memory_space<vmem_shared>>
        %dma_start3A_666 = arith.constant 0 : i32
        %dma_start3A_667 = arith.constant 0 : i32
        %dma_start3A_668 = tpu.memref_slice %arg13[%dma_start3A_666, %dma_start3A_667] : memref<80x96xf32, #tpu.memory_space<vmem>> -> memref<8x96xf32, #tpu.memory_space<vmem>>
        tpu.enqueue_dma source(%dma_start3A_668 : memref<8x96xf32, #tpu.memory_space<vmem>>) target(%dma_start3A_665 : memref<8x96xf32, #tpu.memory_space<vmem_shared>>) target_semaphore(%run_scoped3A : memref<!tpu.dma_semaphore, #tpu.memory_space<semaphore_mem>>)
        %dma_wait3A = arith.constant 0 : i32
        %dma_wait3A_669 = arith.constant 0 : i32
        %dma_wait3A_670 = tpu.memref_slice %arg13[%dma_wait3A, %dma_wait3A_669] : memref<80x96xf32, #tpu.memory_space<vmem>> -> memref<8x96xf32, #tpu.memory_space<vmem>>
        %dma_wait3A_671 = arith.constant 0 : i32
        %dma_wait3A_672 = tpu.memref_slice %arg15[%add3A, %dma_wait3A_671] : memref<10000x96xf32, #tpu.memory_space<vmem_shared>> -> memref<8x96xf32, #tpu.memory_space<vmem_shared>>
        %dma_wait3A_673 = arith.constant 0 : i32
        %dma_wait3A_674 = tpu.memref_slice %arg15[%add3A, %dma_wait3A_673] : memref<10000x96xf32, #tpu.memory_space<vmem_shared>> -> memref<8x96xf32, #tpu.memory_space<vmem_shared>>
        %dma_wait3A_675 = arith.constant 0 : i32
        %dma_wait3A_676 = arith.constant 0 : i32
        %dma_wait3A_677 = tpu.memref_slice %arg13[%dma_wait3A_675, %dma_wait3A_676] : memref<80x96xf32, #tpu.memory_space<vmem>> -> memref<8x96xf32, #tpu.memory_space<vmem>>
        tpu.wait_dma2 semaphore(%run_scoped3A : memref<!tpu.dma_semaphore, #tpu.memory_space<semaphore_mem>>) src(%dma_wait3A_677 : memref<8x96xf32, #tpu.memory_space<vmem>>) dst(%dma_wait3A_674 : memref<8x96xf32, #tpu.memory_space<vmem_shared>>)
        tpu.yield
      }) : () -> ()
    }
    %barrier3A = arith.constant 0 : index
    tpu.barrier barrier_id(%barrier3A)
    %scan3A_317 = arith.constant 0 : i32
    %scan3A_318 = arith.constant 0 : i32
    %scan3A_319 = arith.constant 125 : i32
    %scan3A_320 = arith.addi %scan3A_318, %scan3A_319 : i32
    %scan3A_321 = arith.constant 1 : i32
    scf.for %scan3A_657 = %scan3A_318 to %scan3A_320 step %scan3A_321  : i32 {
      %mul3A_658 = arith.constant 80 : i32
      %mul3A_659 = arith.muli %scan3A_657, %mul3A_658 : i32
      %add3A = arith.addi %mul3A_19, %mul3A_659 : i32
      "tpu.region"() ({
        %run_scoped3A = tpu.sem_alloc : memref<!tpu.dma_semaphore, #tpu.memory_space<semaphore_mem>>
        %dma_start3A_697 = tpu.memref_slice %arg4[%add3A] : memref<160000xi32, #tpu.memory_space<hbm>> -> memref<80xi32, #tpu.memory_space<hbm>>
        %dma_start3A_698 = tpu.memref_slice %arg4[%add3A] : memref<160000xi32, #tpu.memory_space<hbm>> -> memref<80xi32, #tpu.memory_space<hbm>>
        tpu.enqueue_dma source(%dma_start3A_698 : memref<80xi32, #tpu.memory_space<hbm>>) target(%arg8 : memref<80xi32, #tpu.memory_space<vmem>>) target_semaphore(%run_scoped3A : memref<!tpu.dma_semaphore, #tpu.memory_space<semaphore_mem>>)
        %dma_wait3A_699 = tpu.memref_slice %arg4[%add3A] : memref<160000xi32, #tpu.memory_space<hbm>> -> memref<80xi32, #tpu.memory_space<hbm>>
        %dma_wait3A_700 = tpu.memref_slice %arg4[%add3A] : memref<160000xi32, #tpu.memory_space<hbm>> -> memref<80xi32, #tpu.memory_space<hbm>>
        tpu.wait_dma2 semaphore(%run_scoped3A : memref<!tpu.dma_semaphore, #tpu.memory_space<semaphore_mem>>) src(%dma_wait3A_700 : memref<80xi32, #tpu.memory_space<hbm>>) dst(%arg8 : memref<80xi32, #tpu.memory_space<vmem>>)
        tpu.yield
      }) : () -> ()
      "tpu.region"() ({
        %run_scoped3A = tpu.sem_alloc : memref<!tpu.dma_semaphore, #tpu.memory_space<semaphore_mem>>
        %dma_start3A_697 = tpu.memref_slice %arg5[%add3A] : memref<160000xi32, #tpu.memory_space<hbm>> -> memref<80xi32, #tpu.memory_space<hbm>>
        %dma_start3A_698 = tpu.memref_slice %arg5[%add3A] : memref<160000xi32, #tpu.memory_space<hbm>> -> memref<80xi32, #tpu.memory_space<hbm>>
        tpu.enqueue_dma source(%dma_start3A_698 : memref<80xi32, #tpu.memory_space<hbm>>) target(%arg10 : memref<80xi32, #tpu.memory_space<vmem>>) target_semaphore(%run_scoped3A : memref<!tpu.dma_semaphore, #tpu.memory_space<semaphore_mem>>)
        %dma_wait3A_699 = tpu.memref_slice %arg5[%add3A] : memref<160000xi32, #tpu.memory_space<hbm>> -> memref<80xi32, #tpu.memory_space<hbm>>
        %dma_wait3A_700 = tpu.memref_slice %arg5[%add3A] : memref<160000xi32, #tpu.memory_space<hbm>> -> memref<80xi32, #tpu.memory_space<hbm>>
        tpu.wait_dma2 semaphore(%run_scoped3A : memref<!tpu.dma_semaphore, #tpu.memory_space<semaphore_mem>>) src(%dma_wait3A_700 : memref<80xi32, #tpu.memory_space<hbm>>) dst(%arg10 : memref<80xi32, #tpu.memory_space<vmem>>)
        tpu.yield
      }) : () -> ()
      %mul3A_660 = arith.constant 2 : i32
      %mul3A_661 = arith.muli %arg0, %mul3A_660 : i32
      %add3A_662 = arith.constant 0 : i32
      %add3A_663 = arith.addi %mul3A_661, %add3A_662 : i32
      %mul3A_664 = arith.constant 10000 : i32
      %mul3A_665 = arith.muli %add3A_663, %mul3A_664 : i32
      %scan3A_666 = arith.constant 0 : i32
      %scan3A_667 = arith.constant 0 : i32
      %scan3A_668 = arith.constant 5 : i32
      %scan3A_669 = arith.addi %scan3A_667, %scan3A_668 : i32
      %scan3A_670 = arith.constant 1 : i32
      scf.for %scan3A_697 = %scan3A_667 to %scan3A_669 step %scan3A_670  : i32 {
        %mul3A_698 = arith.constant 16 : i32
        %mul3A_699 = arith.muli %scan3A_697, %mul3A_698 : i32
        %get3A = arith.index_cast %mul3A_699 : i32 to index
        %get3A_700 = tpu.vector_load %arg8[%get3A] {strides = array<i32>} : memref<80xi32, #tpu.memory_space<vmem>>, vector<16xi32>,
        %get3A_701 = vector.shape_cast %get3A_700 : vector<16xi32> to vector<16xi32>
        %add3A_702 = vector.broadcast %mul3A_665 : i32 to vector<16xi32>
        %add3A_703 = arith.addi %get3A_701, %add3A_702 : vector<16xi32>
        %swap3A_704 = arith.index_cast %mul3A_699 : i32 to index
        %swap3A_705 = tpu.vector_load %arg9[%swap3A_704] {strides = array<i32>} : memref<80xi32, #tpu.memory_space<vmem>>, vector<16xi32>,
        %swap3A_706 = vector.shape_cast %swap3A_705 : vector<16xi32> to vector<16xi32>
        %swap3A_707 = vector.shape_cast %add3A_703 : vector<16xi32> to vector<16xi32>
        tpu.vector_store %arg9[%swap3A_704], %swap3A_707 {strides = array<i32>} : memref<80xi32, #tpu.memory_space<vmem>>, vector<16xi32>,
      }
      %scan3A_671 = arith.constant 5 : i32
      %dma_start3A = arith.constant 0 : i32
      %dma_start3A_672 = arith.constant 0 : i32
      %dma_start3A_673 = tpu.memref_slice %arg2[%dma_start3A, %dma_start3A_672] : memref<40000x224xf32, #tpu.memory_space<hbm>> -> memref<40000x224xf32, #tpu.memory_space<hbm>>
      tpu.enqueue_indirect_dma source(%dma_start3A_673 : memref<40000x224xf32, #tpu.memory_space<hbm>>) target(%arg11 : memref<80x224xf32, #tpu.memory_space<vmem>>) offsets(%arg9 : memref<80xi32, #tpu.memory_space<vmem>>) semaphore(%arg17 : memref<!tpu.dma_semaphore, #tpu.memory_space<semaphore_mem>>)
      %mul3A_674 = arith.constant 2 : i32
      %mul3A_675 = arith.muli %arg0, %mul3A_674 : i32
      %add3A_676 = arith.constant 0 : i32
      %add3A_677 = arith.addi %mul3A_675, %add3A_676 : i32
      %mul3A_678 = arith.constant 160000 : i32
      %mul3A_679 = arith.muli %add3A_677, %mul3A_678 : i32
      %add3A_680 = arith.addi %mul3A_679, %add3A : i32
      %dma_start3A_681 = arith.constant 0 : i32
      %dma_start3A_682 = tpu.memref_slice %arg3[%add3A_680, %dma_start3A_681] : memref<640000x224xf32, #tpu.memory_space<hbm>> -> memref<80x224xf32, #tpu.memory_space<hbm>>
      %dma_start3A_683 = arith.constant 0 : i32
      %dma_start3A_684 = tpu.memref_slice %arg3[%add3A_680, %dma_start3A_683] : memref<640000x224xf32, #tpu.memory_space<hbm>> -> memref<80x224xf32, #tpu.memory_space<hbm>>
      tpu.enqueue_dma source(%dma_start3A_684 : memref<80x224xf32, #tpu.memory_space<hbm>>) target(%arg12 : memref<80x224xf32, #tpu.memory_space<vmem>>) target_semaphore(%arg18 : memref<!tpu.dma_semaphore, #tpu.memory_space<semaphore_mem>>)
      %dma_wait3A = arith.constant 0 : i32
      %dma_wait3A_685 = arith.constant 0 : i32
      %dma_wait3A_686 = tpu.memref_slice %arg2[%dma_wait3A, %dma_wait3A_685] : memref<40000x224xf32, #tpu.memory_space<hbm>> -> memref<40000x224xf32, #tpu.memory_space<hbm>>
      tpu.wait_indirect_dma semaphore(%arg17 : memref<!tpu.dma_semaphore, #tpu.memory_space<semaphore_mem>>) src(%dma_wait3A_686 : memref<40000x224xf32, #tpu.memory_space<hbm>>) dst(%arg11 : memref<80x224xf32, #tpu.memory_space<vmem>>)
      %dma_wait3A_687 = arith.constant 0 : i32
      %dma_wait3A_688 = tpu.memref_slice %arg3[%add3A_680, %dma_wait3A_687] : memref<640000x224xf32, #tpu.memory_space<hbm>> -> memref<80x224xf32, #tpu.memory_space<hbm>>
      %dma_wait3A_689 = arith.constant 0 : i32
      %dma_wait3A_690 = tpu.memref_slice %arg3[%add3A_680, %dma_wait3A_689] : memref<640000x224xf32, #tpu.memory_space<hbm>> -> memref<80x224xf32, #tpu.memory_space<hbm>>
      tpu.wait_dma2 semaphore(%arg18 : memref<!tpu.dma_semaphore, #tpu.memory_space<semaphore_mem>>) src(%dma_wait3A_690 : memref<80x224xf32, #tpu.memory_space<hbm>>) dst(%arg12 : memref<80x224xf32, #tpu.memory_space<vmem>>)
      %scan3A_691 = arith.constant 0 : i32
      %scan3A_692 = arith.constant 0 : i32
      %scan3A_693 = arith.constant 80 : i32
      %scan3A_694 = arith.addi %scan3A_692, %scan3A_693 : i32
      %scan3A_695 = arith.constant 1 : i32
      scf.for %scan3A_697 = %scan3A_692 to %scan3A_694 step %scan3A_695  : i32 {
        %get3A = arith.index_cast %scan3A_697 : i32 to index
        %get3A_698 = arith.constant 0 : index
        %get3A_699 = tpu.vector_load %arg11[%get3A, %get3A_698] {strides = array<i32>} : memref<80x224xf32, #tpu.memory_space<vmem>>, vector<1x16xf32>,
        %get3A_700 = vector.shape_cast %get3A_699 : vector<1x16xf32> to vector<16xf32>
        %get3A_701 = arith.index_cast %scan3A_697 : i32 to index
        %get3A_702 = arith.constant 0 : index
        %get3A_703 = tpu.vector_load %arg12[%get3A_701, %get3A_702] {strides = array<i32>} : memref<80x224xf32, #tpu.memory_space<vmem>>, vector<1x16xf32>,
        %get3A_704 = vector.shape_cast %get3A_703 : vector<1x16xf32> to vector<16xf32>
        %mul3A_705 = arith.mulf %get3A_700, %get3A_704 : vector<16xf32>
        %get3A_706 = arith.index_cast %scan3A_697 : i32 to index
        %get3A_707 = arith.constant 96 : index
        %get3A_708 = tpu.vector_load %arg11[%get3A_706, %get3A_707] {strides = array<i32>} : memref<80x224xf32, #tpu.memory_space<vmem>>, vector<1x16xf32>,
        %get3A_709 = vector.shape_cast %get3A_708 : vector<1x16xf32> to vector<16xf32>
        %get3A_710 = arith.index_cast %scan3A_697 : i32 to index
        %get3A_711 = arith.constant 96 : index
        %get3A_712 = tpu.vector_load %arg12[%get3A_710, %get3A_711] {strides = array<i32>} : memref<80x224xf32, #tpu.memory_space<vmem>>, vector<1x16xf32>,
        %get3A_713 = vector.shape_cast %get3A_712 : vector<1x16xf32> to vector<16xf32>
        %mul3A_714 = arith.mulf %get3A_709, %get3A_713 : vector<16xf32>
        %add3A_715 = arith.addf %mul3A_705, %mul3A_714 : vector<16xf32>
        %swap3A_716 = arith.index_cast %scan3A_697 : i32 to index
        %swap3A_717 = arith.constant 0 : index
        %swap3A_718 = tpu.vector_load %arg13[%swap3A_716, %swap3A_717] {strides = array<i32>} : memref<80x96xf32, #tpu.memory_space<vmem>>, vector<1x16xf32>,
        %swap3A_719 = vector.shape_cast %swap3A_718 : vector<1x16xf32> to vector<16xf32>
        %swap3A_720 = vector.shape_cast %add3A_715 : vector<16xf32> to vector<1x16xf32>
        tpu.vector_store %arg13[%swap3A_716, %swap3A_717], %swap3A_720 {strides = array<i32>} : memref<80x96xf32, #tpu.memory_space<vmem>>, vector<1x16xf32>,
        %get3A_721 = arith.index_cast %scan3A_697 : i32 to index
        %get3A_722 = arith.constant 16 : index
        %get3A_723 = tpu.vector_load %arg11[%get3A_721, %get3A_722] {strides = array<i32>} : memref<80x224xf32, #tpu.memory_space<vmem>>, vector<1x16xf32>,
        %get3A_724 = vector.shape_cast %get3A_723 : vector<1x16xf32> to vector<16xf32>
        %get3A_725 = arith.index_cast %scan3A_697 : i32 to index
        %get3A_726 = arith.constant 16 : index
        %get3A_727 = tpu.vector_load %arg12[%get3A_725, %get3A_726] {strides = array<i32>} : memref<80x224xf32, #tpu.memory_space<vmem>>, vector<1x16xf32>,
        %get3A_728 = vector.shape_cast %get3A_727 : vector<1x16xf32> to vector<16xf32>
        %mul3A_729 = arith.mulf %get3A_724, %get3A_728 : vector<16xf32>
        %get3A_730 = arith.index_cast %scan3A_697 : i32 to index
        %get3A_731 = arith.constant 112 : index
        %get3A_732 = tpu.vector_load %arg11[%get3A_730, %get3A_731] {strides = array<i32>} : memref<80x224xf32, #tpu.memory_space<vmem>>, vector<1x16xf32>,
        %get3A_733 = vector.shape_cast %get3A_732 : vector<1x16xf32> to vector<16xf32>
        %get3A_734 = arith.index_cast %scan3A_697 : i32 to index
        %get3A_735 = arith.constant 112 : index
        %get3A_736 = tpu.vector_load %arg12[%get3A_734, %get3A_735] {strides = array<i32>} : memref<80x224xf32, #tpu.memory_space<vmem>>, vector<1x16xf32>,
        %get3A_737 = vector.shape_cast %get3A_736 : vector<1x16xf32> to vector<16xf32>
        %mul3A_738 = arith.mulf %get3A_733, %get3A_737 : vector<16xf32>
        %add3A_739 = arith.addf %mul3A_729, %mul3A_738 : vector<16xf32>
        %swap3A_740 = arith.index_cast %scan3A_697 : i32 to index
        %swap3A_741 = arith.constant 16 : index
        %swap3A_742 = tpu.vector_load %arg13[%swap3A_740, %swap3A_741] {strides = array<i32>} : memref<80x96xf32, #tpu.memory_space<vmem>>, vector<1x16xf32>,
        %swap3A_743 = vector.shape_cast %swap3A_742 : vector<1x16xf32> to vector<16xf32>
        %swap3A_744 = vector.shape_cast %add3A_739 : vector<16xf32> to vector<1x16xf32>
        tpu.vector_store %arg13[%swap3A_740, %swap3A_741], %swap3A_744 {strides = array<i32>} : memref<80x96xf32, #tpu.memory_space<vmem>>, vector<1x16xf32>,
        %get3A_745 = arith.index_cast %scan3A_697 : i32 to index
        %get3A_746 = arith.constant 32 : index
        %get3A_747 = tpu.vector_load %arg11[%get3A_745, %get3A_746] {strides = array<i32>} : memref<80x224xf32, #tpu.memory_space<vmem>>, vector<1x16xf32>,
        %get3A_748 = vector.shape_cast %get3A_747 : vector<1x16xf32> to vector<16xf32>
        %get3A_749 = arith.index_cast %scan3A_697 : i32 to index
        %get3A_750 = arith.constant 32 : index
        %get3A_751 = tpu.vector_load %arg12[%get3A_749, %get3A_750] {strides = array<i32>} : memref<80x224xf32, #tpu.memory_space<vmem>>, vector<1x16xf32>,
        %get3A_752 = vector.shape_cast %get3A_751 : vector<1x16xf32> to vector<16xf32>
        %mul3A_753 = arith.mulf %get3A_748, %get3A_752 : vector<16xf32>
        %get3A_754 = arith.index_cast %scan3A_697 : i32 to index
        %get3A_755 = arith.constant 128 : index
        %get3A_756 = tpu.vector_load %arg11[%get3A_754, %get3A_755] {strides = array<i32>} : memref<80x224xf32, #tpu.memory_space<vmem>>, vector<1x16xf32>,
        %get3A_757 = vector.shape_cast %get3A_756 : vector<1x16xf32> to vector<16xf32>
        %get3A_758 = arith.index_cast %scan3A_697 : i32 to index
        %get3A_759 = arith.constant 128 : index
        %get3A_760 = tpu.vector_load %arg12[%get3A_758, %get3A_759] {strides = array<i32>} : memref<80x224xf32, #tpu.memory_space<vmem>>, vector<1x16xf32>,
        %get3A_761 = vector.shape_cast %get3A_760 : vector<1x16xf32> to vector<16xf32>
        %mul3A_762 = arith.mulf %get3A_757, %get3A_761 : vector<16xf32>
        %add3A_763 = arith.addf %mul3A_753, %mul3A_762 : vector<16xf32>
        %swap3A_764 = arith.index_cast %scan3A_697 : i32 to index
        %swap3A_765 = arith.constant 32 : index
        %swap3A_766 = tpu.vector_load %arg13[%swap3A_764, %swap3A_765] {strides = array<i32>} : memref<80x96xf32, #tpu.memory_space<vmem>>, vector<1x16xf32>,
        %swap3A_767 = vector.shape_cast %swap3A_766 : vector<1x16xf32> to vector<16xf32>
        %swap3A_768 = vector.shape_cast %add3A_763 : vector<16xf32> to vector<1x16xf32>
        tpu.vector_store %arg13[%swap3A_764, %swap3A_765], %swap3A_768 {strides = array<i32>} : memref<80x96xf32, #tpu.memory_space<vmem>>, vector<1x16xf32>,
        %get3A_769 = arith.index_cast %scan3A_697 : i32 to index
        %get3A_770 = arith.constant 48 : index
        %get3A_771 = tpu.vector_load %arg11[%get3A_769, %get3A_770] {strides = array<i32>} : memref<80x224xf32, #tpu.memory_space<vmem>>, vector<1x16xf32>,
        %get3A_772 = vector.shape_cast %get3A_771 : vector<1x16xf32> to vector<16xf32>
        %get3A_773 = arith.index_cast %scan3A_697 : i32 to index
        %get3A_774 = arith.constant 48 : index
        %get3A_775 = tpu.vector_load %arg12[%get3A_773, %get3A_774] {strides = array<i32>} : memref<80x224xf32, #tpu.memory_space<vmem>>, vector<1x16xf32>,
        %get3A_776 = vector.shape_cast %get3A_775 : vector<1x16xf32> to vector<16xf32>
        %mul3A_777 = arith.mulf %get3A_772, %get3A_776 : vector<16xf32>
        %get3A_778 = arith.index_cast %scan3A_697 : i32 to index
        %get3A_779 = arith.constant 144 : index
        %get3A_780 = tpu.vector_load %arg11[%get3A_778, %get3A_779] {strides = array<i32>} : memref<80x224xf32, #tpu.memory_space<vmem>>, vector<1x16xf32>,
        %get3A_781 = vector.shape_cast %get3A_780 : vector<1x16xf32> to vector<16xf32>
        %get3A_782 = arith.index_cast %scan3A_697 : i32 to index
        %get3A_783 = arith.constant 144 : index
        %get3A_784 = tpu.vector_load %arg12[%get3A_782, %get3A_783] {strides = array<i32>} : memref<80x224xf32, #tpu.memory_space<vmem>>, vector<1x16xf32>,
        %get3A_785 = vector.shape_cast %get3A_784 : vector<1x16xf32> to vector<16xf32>
        %mul3A_786 = arith.mulf %get3A_781, %get3A_785 : vector<16xf32>
        %add3A_787 = arith.addf %mul3A_777, %mul3A_786 : vector<16xf32>
        %swap3A_788 = arith.index_cast %scan3A_697 : i32 to index
        %swap3A_789 = arith.constant 48 : index
        %swap3A_790 = tpu.vector_load %arg13[%swap3A_788, %swap3A_789] {strides = array<i32>} : memref<80x96xf32, #tpu.memory_space<vmem>>, vector<1x16xf32>,
        %swap3A_791 = vector.shape_cast %swap3A_790 : vector<1x16xf32> to vector<16xf32>
        %swap3A_792 = vector.shape_cast %add3A_787 : vector<16xf32> to vector<1x16xf32>
        tpu.vector_store %arg13[%swap3A_788, %swap3A_789], %swap3A_792 {strides = array<i32>} : memref<80x96xf32, #tpu.memory_space<vmem>>, vector<1x16xf32>,
        %get3A_793 = arith.index_cast %scan3A_697 : i32 to index
        %get3A_794 = arith.constant 64 : index
        %get3A_795 = tpu.vector_load %arg11[%get3A_793, %get3A_794] {strides = array<i32>} : memref<80x224xf32, #tpu.memory_space<vmem>>, vector<1x16xf32>,
        %get3A_796 = vector.shape_cast %get3A_795 : vector<1x16xf32> to vector<16xf32>
        %get3A_797 = arith.index_cast %scan3A_697 : i32 to index
        %get3A_798 = arith.constant 64 : index
        %get3A_799 = tpu.vector_load %arg12[%get3A_797, %get3A_798] {strides = array<i32>} : memref<80x224xf32, #tpu.memory_space<vmem>>, vector<1x16xf32>,
        %get3A_800 = vector.shape_cast %get3A_799 : vector<1x16xf32> to vector<16xf32>
        %mul3A_801 = arith.mulf %get3A_796, %get3A_800 : vector<16xf32>
        %get3A_802 = arith.index_cast %scan3A_697 : i32 to index
        %get3A_803 = arith.constant 160 : index
        %get3A_804 = tpu.vector_load %arg11[%get3A_802, %get3A_803] {strides = array<i32>} : memref<80x224xf32, #tpu.memory_space<vmem>>, vector<1x16xf32>,
        %get3A_805 = vector.shape_cast %get3A_804 : vector<1x16xf32> to vector<16xf32>
        %get3A_806 = arith.index_cast %scan3A_697 : i32 to index
        %get3A_807 = arith.constant 160 : index
        %get3A_808 = tpu.vector_load %arg12[%get3A_806, %get3A_807] {strides = array<i32>} : memref<80x224xf32, #tpu.memory_space<vmem>>, vector<1x16xf32>,
        %get3A_809 = vector.shape_cast %get3A_808 : vector<1x16xf32> to vector<16xf32>
        %mul3A_810 = arith.mulf %get3A_805, %get3A_809 : vector<16xf32>
        %add3A_811 = arith.addf %mul3A_801, %mul3A_810 : vector<16xf32>
        %swap3A_812 = arith.index_cast %scan3A_697 : i32 to index
        %swap3A_813 = arith.constant 64 : index
        %swap3A_814 = tpu.vector_load %arg13[%swap3A_812, %swap3A_813] {strides = array<i32>} : memref<80x96xf32, #tpu.memory_space<vmem>>, vector<1x16xf32>,
        %swap3A_815 = vector.shape_cast %swap3A_814 : vector<1x16xf32> to vector<16xf32>
        %swap3A_816 = vector.shape_cast %add3A_811 : vector<16xf32> to vector<1x16xf32>
        tpu.vector_store %arg13[%swap3A_812, %swap3A_813], %swap3A_816 {strides = array<i32>} : memref<80x96xf32, #tpu.memory_space<vmem>>, vector<1x16xf32>,
        %get3A_817 = arith.index_cast %scan3A_697 : i32 to index
        %get3A_818 = arith.constant 80 : index
        %get3A_819 = tpu.vector_load %arg11[%get3A_817, %get3A_818] {strides = array<i32>} : memref<80x224xf32, #tpu.memory_space<vmem>>, vector<1x16xf32>,
        %get3A_820 = vector.shape_cast %get3A_819 : vector<1x16xf32> to vector<16xf32>
        %get3A_821 = arith.index_cast %scan3A_697 : i32 to index
        %get3A_822 = arith.constant 80 : index
        %get3A_823 = tpu.vector_load %arg12[%get3A_821, %get3A_822] {strides = array<i32>} : memref<80x224xf32, #tpu.memory_space<vmem>>, vector<1x16xf32>,
        %get3A_824 = vector.shape_cast %get3A_823 : vector<1x16xf32> to vector<16xf32>
        %mul3A_825 = arith.mulf %get3A_820, %get3A_824 : vector<16xf32>
        %get3A_826 = arith.index_cast %scan3A_697 : i32 to index
        %get3A_827 = arith.constant 176 : index
        %get3A_828 = tpu.vector_load %arg11[%get3A_826, %get3A_827] {strides = array<i32>} : memref<80x224xf32, #tpu.memory_space<vmem>>, vector<1x16xf32>,
        %get3A_829 = vector.shape_cast %get3A_828 : vector<1x16xf32> to vector<16xf32>
        %get3A_830 = arith.index_cast %scan3A_697 : i32 to index
        %get3A_831 = arith.constant 176 : index
        %get3A_832 = tpu.vector_load %arg12[%get3A_830, %get3A_831] {strides = array<i32>} : memref<80x224xf32, #tpu.memory_space<vmem>>, vector<1x16xf32>,
        %get3A_833 = vector.shape_cast %get3A_832 : vector<1x16xf32> to vector<16xf32>
        %mul3A_834 = arith.mulf %get3A_829, %get3A_833 : vector<16xf32>
        %add3A_835 = arith.addf %mul3A_825, %mul3A_834 : vector<16xf32>
        %swap3A_836 = arith.index_cast %scan3A_697 : i32 to index
        %swap3A_837 = arith.constant 80 : index
        %swap3A_838 = tpu.vector_load %arg13[%swap3A_836, %swap3A_837] {strides = array<i32>} : memref<80x96xf32, #tpu.memory_space<vmem>>, vector<1x16xf32>,
        %swap3A_839 = vector.shape_cast %swap3A_838 : vector<1x16xf32> to vector<16xf32>
        %swap3A_840 = vector.shape_cast %add3A_835 : vector<16xf32> to vector<1x16xf32>
        tpu.vector_store %arg13[%swap3A_836, %swap3A_837], %swap3A_840 {strides = array<i32>} : memref<80x96xf32, #tpu.memory_space<vmem>>, vector<1x16xf32>,
        %broadcast_in_dim3A_841 = arith.constant 0.000000e+00 : f32
        %broadcast_in_dim3A_842 = vector.broadcast %broadcast_in_dim3A_841 : f32 to vector<16xf32>
        %get3A_843 = arith.index_cast %scan3A_697 : i32 to index
        %get3A_844 = arith.constant 192 : index
        %get3A_845 = tpu.vector_load %arg11[%get3A_843, %get3A_844] {strides = array<i32>} : memref<80x224xf32, #tpu.memory_space<vmem>>, vector<1x16xf32>,
        %get3A_846 = vector.shape_cast %get3A_845 : vector<1x16xf32> to vector<16xf32>
        %get3A_847 = arith.index_cast %scan3A_697 : i32 to index
        %get3A_848 = arith.constant 192 : index
        %get3A_849 = tpu.vector_load %arg12[%get3A_847, %get3A_848] {strides = array<i32>} : memref<80x224xf32, #tpu.memory_space<vmem>>, vector<1x16xf32>,
        %get3A_850 = vector.shape_cast %get3A_849 : vector<1x16xf32> to vector<16xf32>
        %mul3A_851 = arith.mulf %get3A_846, %get3A_850 : vector<16xf32>
        %add3A_852 = arith.addf %broadcast_in_dim3A_842, %mul3A_851 : vector<16xf32>
        %get3A_853 = arith.index_cast %scan3A_697 : i32 to index
        %get3A_854 = arith.constant 208 : index
        %get3A_855 = tpu.vector_load %arg11[%get3A_853, %get3A_854] {strides = array<i32>} : memref<80x224xf32, #tpu.memory_space<vmem>>, vector<1x16xf32>,
        %get3A_856 = vector.shape_cast %get3A_855 : vector<1x16xf32> to vector<16xf32>
        %get3A_857 = arith.index_cast %scan3A_697 : i32 to index
        %get3A_858 = arith.constant 208 : index
        %get3A_859 = tpu.vector_load %arg12[%get3A_857, %get3A_858] {strides = array<i32>} : memref<80x224xf32, #tpu.memory_space<vmem>>, vector<1x16xf32>,
        %get3A_860 = vector.shape_cast %get3A_859 : vector<1x16xf32> to vector<16xf32>
        %mul3A_861 = arith.mulf %get3A_856, %get3A_860 : vector<16xf32>
        %add3A_862 = arith.addf %add3A_852, %mul3A_861 : vector<16xf32>
        %swap3A_863 = arith.index_cast %scan3A_697 : i32 to index
        %swap3A_864 = arith.constant 0 : index
        %swap3A_865 = tpu.vector_load %arg14[%swap3A_863, %swap3A_864] {strides = array<i32>} : memref<80x16xf32, #tpu.memory_space<vmem>>, vector<1x16xf32>,
        %swap3A_866 = vector.shape_cast %swap3A_865 : vector<1x16xf32> to vector<16xf32>
        %swap3A_867 = vector.shape_cast %add3A_862 : vector<16xf32> to vector<1x16xf32>
        tpu.vector_store %arg14[%swap3A_863, %swap3A_864], %swap3A_867 {strides = array<i32>} : memref<80x16xf32, #tpu.memory_space<vmem>>, vector<1x16xf32>,
      }
      %scan3A_696 = arith.constant 80 : i32
      "tpu.region"() ({
        %run_scoped3A = tpu.sem_alloc : memref<!tpu.dma_semaphore, #tpu.memory_space<semaphore_mem>>
        %dma_start3A_697 = arith.constant 0 : i32
        %dma_start3A_698 = arith.constant 0 : i32
        %dma_start3A_699 = tpu.memref_slice %arg15[%dma_start3A_697, %dma_start3A_698] : memref<10000x96xf32, #tpu.memory_space<vmem_shared>> -> memref<10000x96xf32, #tpu.memory_space<vmem_shared>>
        tpu.enqueue_indirect_dma source(%arg13 : memref<80x96xf32, #tpu.memory_space<vmem>>) target(%dma_start3A_699 : memref<10000x96xf32, #tpu.memory_space<vmem_shared>>) offsets(%arg10 : memref<80xi32, #tpu.memory_space<vmem>>) semaphore(%run_scoped3A : memref<!tpu.dma_semaphore, #tpu.memory_space<semaphore_mem>>) {add = true}
        %dma_wait3A_700 = arith.constant 0 : i32
        %dma_wait3A_701 = arith.constant 0 : i32
        %dma_wait3A_702 = tpu.memref_slice %arg15[%dma_wait3A_700, %dma_wait3A_701] : memref<10000x96xf32, #tpu.memory_space<vmem_shared>> -> memref<10000x96xf32, #tpu.memory_space<vmem_shared>>
        tpu.wait_indirect_dma semaphore(%run_scoped3A : memref<!tpu.dma_semaphore, #tpu.memory_space<semaphore_mem>>) src(%arg13 : memref<80x96xf32, #tpu.memory_space<vmem>>) dst(%dma_wait3A_702 : memref<10000x96xf32, #tpu.memory_space<vmem_shared>>)
        tpu.yield
      }) : () -> ()
      "tpu.region"() ({
        %run_scoped3A = tpu.sem_alloc : memref<!tpu.dma_semaphore, #tpu.memory_space<semaphore_mem>>
        %dma_start3A_697 = arith.constant 0 : i32
        %dma_start3A_698 = arith.constant 0 : i32
        %dma_start3A_699 = tpu.memref_slice %arg16[%dma_start3A_697, %dma_start3A_698] : memref<10000x16xf32, #tpu.memory_space<vmem_shared>> -> memref<10000x16xf32, #tpu.memory_space<vmem_shared>>
        tpu.enqueue_indirect_dma source(%arg14 : memref<80x16xf32, #tpu.memory_space<vmem>>) target(%dma_start3A_699 : memref<10000x16xf32, #tpu.memory_space<vmem_shared>>) offsets(%arg10 : memref<80xi32, #tpu.memory_space<vmem>>) semaphore(%run_scoped3A : memref<!tpu.dma_semaphore, #tpu.memory_space<semaphore_mem>>) {add = true}
        %dma_wait3A_700 = arith.constant 0 : i32
        %dma_wait3A_701 = arith.constant 0 : i32
        %dma_wait3A_702 = tpu.memref_slice %arg16[%dma_wait3A_700, %dma_wait3A_701] : memref<10000x16xf32, #tpu.memory_space<vmem_shared>> -> memref<10000x16xf32, #tpu.memory_space<vmem_shared>>
        tpu.wait_indirect_dma semaphore(%run_scoped3A : memref<!tpu.dma_semaphore, #tpu.memory_space<semaphore_mem>>) src(%arg14 : memref<80x16xf32, #tpu.memory_space<vmem>>) dst(%dma_wait3A_702 : memref<10000x16xf32, #tpu.memory_space<vmem_shared>>)
        tpu.yield
      }) : () -> ()
    }
    %scan3A_322 = arith.constant 125 : i32
    %barrier3A_323 = arith.constant 0 : index
    tpu.barrier barrier_id(%barrier3A_323)
    %ne3A = arith.constant 15 : i32
    %ne3A_324 = arith.cmpi ne, %arg1, %ne3A : i32
    %convert_element_type3A = arith.extui %ne3A_324 : i1 to i32
    %cond3A = arith.constant 0 : i32
    %cond3A_325 = arith.cmpi ne, %convert_element_type3A, %cond3A : i32
    scf.if %cond3A_325 {
      %run_scoped3A = arith.constant 0 : i32
      "tpu.region"() ({
        %run_scoped3A_657 = tpu.sem_alloc : memref<!tpu.dma_semaphore, #tpu.memory_space<semaphore_mem>>
        %dma_start3A = arith.constant 0 : i32
        %dma_start3A_658 = tpu.memref_slice %arg6[%arg0, %run_scoped3A, %mul3A_0, %dma_start3A] : memref<2x2x10000x96xf32, #tpu.memory_space<hbm>> -> memref<1x1x632x96xf32, #tpu.memory_space<hbm>>
        %dma_start3A_659 = tpu.memref_squeeze %dma_start3A_658 : memref<1x1x632x96xf32, #tpu.memory_space<hbm>> -> memref<632x96xf32, #tpu.memory_space<hbm>>
        %dma_start3A_660 = arith.constant 0 : i32
        %dma_start3A_661 = tpu.memref_slice %arg15[%mul3A_0, %dma_start3A_660] : memref<10000x96xf32, #tpu.memory_space<vmem_shared>> -> memref<632x96xf32, #tpu.memory_space<vmem_shared>>
        tpu.enqueue_dma source(%dma_start3A_661 : memref<632x96xf32, #tpu.memory_space<vmem_shared>>) target(%dma_start3A_659 : memref<632x96xf32, #tpu.memory_space<hbm>>) target_semaphore(%run_scoped3A_657 : memref<!tpu.dma_semaphore, #tpu.memory_space<semaphore_mem>>)
        %dma_wait3A = arith.constant 0 : i32
        %dma_wait3A_662 = tpu.memref_slice %arg6[%arg0, %run_scoped3A, %mul3A_0, %dma_wait3A] : memref<2x2x10000x96xf32, #tpu.memory_space<hbm>> -> memref<1x1x632x96xf32, #tpu.memory_space<hbm>>
        %dma_wait3A_663 = tpu.memref_squeeze %dma_wait3A_662 : memref<1x1x632x96xf32, #tpu.memory_space<hbm>> -> memref<632x96xf32, #tpu.memory_space<hbm>>
        %dma_wait3A_664 = arith.constant 0 : i32
        %dma_wait3A_665 = tpu.memref_slice %arg15[%mul3A_0, %dma_wait3A_664] : memref<10000x96xf32, #tpu.memory_space<vmem_shared>> -> memref<632x96xf32, #tpu.memory_space<vmem_shared>>
        tpu.wait_dma2 semaphore(%run_scoped3A_657 : memref<!tpu.dma_semaphore, #tpu.memory_space<semaphore_mem>>) src(%dma_wait3A_665 : memref<632x96xf32, #tpu.memory_space<vmem_shared>>) dst(%dma_wait3A_663 : memref<632x96xf32, #tpu.memory_space<hbm>>)
        tpu.yield
      }) : () -> ()
    } else {
    }
    %eq3A_326 = arith.constant 15 : i32
    %eq3A_327 = arith.cmpi eq, %arg1, %eq3A_326 : i32
    %convert_element_type3A_328 = arith.extui %eq3A_327 : i1 to i32
    %cond3A_329 = arith.constant 0 : i32
    %cond3A_330 = arith.cmpi ne, %convert_element_type3A_328, %cond3A_329 : i32
    scf.if %cond3A_330 {
      %run_scoped3A = arith.constant 0 : i32
      "tpu.region"() ({
        %run_scoped3A_657 = tpu.sem_alloc : memref<!tpu.dma_semaphore, #tpu.memory_space<semaphore_mem>>
        %dma_start3A = arith.constant 9480 : i32
        %dma_start3A_658 = arith.constant 0 : i32
        %dma_start3A_659 = tpu.memref_slice %arg6[%arg0, %run_scoped3A, %dma_start3A, %dma_start3A_658] : memref<2x2x10000x96xf32, #tpu.memory_space<hbm>> -> memref<1x1x520x96xf32, #tpu.memory_space<hbm>>
        %dma_start3A_660 = tpu.memref_squeeze %dma_start3A_659 : memref<1x1x520x96xf32, #tpu.memory_space<hbm>> -> memref<520x96xf32, #tpu.memory_space<hbm>>
        %dma_start3A_661 = arith.constant 9480 : i32
        %dma_start3A_662 = arith.constant 0 : i32
        %dma_start3A_663 = tpu.memref_slice %arg15[%dma_start3A_661, %dma_start3A_662] : memref<10000x96xf32, #tpu.memory_space<vmem_shared>> -> memref<520x96xf32, #tpu.memory_space<vmem_shared>>
        tpu.enqueue_dma source(%dma_start3A_663 : memref<520x96xf32, #tpu.memory_space<vmem_shared>>) target(%dma_start3A_660 : memref<520x96xf32, #tpu.memory_space<hbm>>) target_semaphore(%run_scoped3A_657 : memref<!tpu.dma_semaphore, #tpu.memory_space<semaphore_mem>>)
        %dma_wait3A = arith.constant 9480 : i32
        %dma_wait3A_664 = arith.constant 0 : i32
        %dma_wait3A_665 = tpu.memref_slice %arg6[%arg0, %run_scoped3A, %dma_wait3A, %dma_wait3A_664] : memref<2x2x10000x96xf32, #tpu.memory_space<hbm>> -> memref<1x1x520x96xf32, #tpu.memory_space<hbm>>
        %dma_wait3A_666 = tpu.memref_squeeze %dma_wait3A_665 : memref<1x1x520x96xf32, #tpu.memory_space<hbm>> -> memref<520x96xf32, #tpu.memory_space<hbm>>
        %dma_wait3A_667 = arith.constant 9480 : i32
        %dma_wait3A_668 = arith.constant 0 : i32
        %dma_wait3A_669 = tpu.memref_slice %arg15[%dma_wait3A_667, %dma_wait3A_668] : memref<10000x96xf32, #tpu.memory_space<vmem_shared>> -> memref<520x96xf32, #tpu.memory_space<vmem_shared>>
        tpu.wait_dma2 semaphore(%run_scoped3A_657 : memref<!tpu.dma_semaphore, #tpu.memory_space<semaphore_mem>>) src(%dma_wait3A_669 : memref<520x96xf32, #tpu.memory_space<vmem_shared>>) dst(%dma_wait3A_666 : memref<520x96xf32, #tpu.memory_space<hbm>>)
        tpu.yield
      }) : () -> ()
    } else {
    }
    %swap3A_331 = arith.constant 0 : i32
    %swap3A_332 = arith.index_cast %swap3A_331 : i32 to index
    %swap3A_333 = arith.constant 0 : index
    %swap3A_334 = tpu.vector_load %arg13[%swap3A_332, %swap3A_333] {strides = array<i32>} : memref<80x96xf32, #tpu.memory_space<vmem>>, vector<1x16xf32>,
    %swap3A_335 = vector.shape_cast %swap3A_334 : vector<1x16xf32> to vector<16xf32>
    %swap3A_336 = vector.shape_cast %broadcast_in_dim3A_3 : vector<16xf32> to vector<1x16xf32>
    tpu.vector_store %arg13[%swap3A_332, %swap3A_333], %swap3A_336 {strides = array<i32>} : memref<80x96xf32, #tpu.memory_space<vmem>>, vector<1x16xf32>,
    %swap3A_337 = arith.constant 0 : i32
    %swap3A_338 = arith.index_cast %swap3A_337 : i32 to index
    %swap3A_339 = arith.constant 16 : index
    %swap3A_340 = tpu.vector_load %arg13[%swap3A_338, %swap3A_339] {strides = array<i32>} : memref<80x96xf32, #tpu.memory_space<vmem>>, vector<1x16xf32>,
    %swap3A_341 = vector.shape_cast %swap3A_340 : vector<1x16xf32> to vector<16xf32>
    %swap3A_342 = vector.shape_cast %broadcast_in_dim3A_3 : vector<16xf32> to vector<1x16xf32>
    tpu.vector_store %arg13[%swap3A_338, %swap3A_339], %swap3A_342 {strides = array<i32>} : memref<80x96xf32, #tpu.memory_space<vmem>>, vector<1x16xf32>,
    %swap3A_343 = arith.constant 0 : i32
    %swap3A_344 = arith.index_cast %swap3A_343 : i32 to index
    %swap3A_345 = arith.constant 32 : index
    %swap3A_346 = tpu.vector_load %arg13[%swap3A_344, %swap3A_345] {strides = array<i32>} : memref<80x96xf32, #tpu.memory_space<vmem>>, vector<1x16xf32>,
    %swap3A_347 = vector.shape_cast %swap3A_346 : vector<1x16xf32> to vector<16xf32>
    %swap3A_348 = vector.shape_cast %broadcast_in_dim3A_3 : vector<16xf32> to vector<1x16xf32>
    tpu.vector_store %arg13[%swap3A_344, %swap3A_345], %swap3A_348 {strides = array<i32>} : memref<80x96xf32, #tpu.memory_space<vmem>>, vector<1x16xf32>,
    %swap3A_349 = arith.constant 0 : i32
    %swap3A_350 = arith.index_cast %swap3A_349 : i32 to index
    %swap3A_351 = arith.constant 48 : index
    %swap3A_352 = tpu.vector_load %arg13[%swap3A_350, %swap3A_351] {strides = array<i32>} : memref<80x96xf32, #tpu.memory_space<vmem>>, vector<1x16xf32>,
    %swap3A_353 = vector.shape_cast %swap3A_352 : vector<1x16xf32> to vector<16xf32>
    %swap3A_354 = vector.shape_cast %broadcast_in_dim3A_3 : vector<16xf32> to vector<1x16xf32>
    tpu.vector_store %arg13[%swap3A_350, %swap3A_351], %swap3A_354 {strides = array<i32>} : memref<80x96xf32, #tpu.memory_space<vmem>>, vector<1x16xf32>,
    %swap3A_355 = arith.constant 0 : i32
    %swap3A_356 = arith.index_cast %swap3A_355 : i32 to index
    %swap3A_357 = arith.constant 64 : index
    %swap3A_358 = tpu.vector_load %arg13[%swap3A_356, %swap3A_357] {strides = array<i32>} : memref<80x96xf32, #tpu.memory_space<vmem>>, vector<1x16xf32>,
    %swap3A_359 = vector.shape_cast %swap3A_358 : vector<1x16xf32> to vector<16xf32>
    %swap3A_360 = vector.shape_cast %broadcast_in_dim3A_3 : vector<16xf32> to vector<1x16xf32>
    tpu.vector_store %arg13[%swap3A_356, %swap3A_357], %swap3A_360 {strides = array<i32>} : memref<80x96xf32, #tpu.memory_space<vmem>>, vector<1x16xf32>,
    %swap3A_361 = arith.constant 0 : i32
    %swap3A_362 = arith.index_cast %swap3A_361 : i32 to index
    %swap3A_363 = arith.constant 80 : index
    %swap3A_364 = tpu.vector_load %arg13[%swap3A_362, %swap3A_363] {strides = array<i32>} : memref<80x96xf32, #tpu.memory_space<vmem>>, vector<1x16xf32>,
    %swap3A_365 = vector.shape_cast %swap3A_364 : vector<1x16xf32> to vector<16xf32>
    %swap3A_366 = vector.shape_cast %broadcast_in_dim3A_3 : vector<16xf32> to vector<1x16xf32>
    tpu.vector_store %arg13[%swap3A_362, %swap3A_363], %swap3A_366 {strides = array<i32>} : memref<80x96xf32, #tpu.memory_space<vmem>>, vector<1x16xf32>,
    %swap3A_367 = arith.constant 1 : i32
    %swap3A_368 = arith.index_cast %swap3A_367 : i32 to index
    %swap3A_369 = arith.constant 0 : index
    %swap3A_370 = tpu.vector_load %arg13[%swap3A_368, %swap3A_369] {strides = array<i32>} : memref<80x96xf32, #tpu.memory_space<vmem>>, vector<1x16xf32>,
    %swap3A_371 = vector.shape_cast %swap3A_370 : vector<1x16xf32> to vector<16xf32>
    %swap3A_372 = vector.shape_cast %broadcast_in_dim3A_3 : vector<16xf32> to vector<1x16xf32>
    tpu.vector_store %arg13[%swap3A_368, %swap3A_369], %swap3A_372 {strides = array<i32>} : memref<80x96xf32, #tpu.memory_space<vmem>>, vector<1x16xf32>,
    %swap3A_373 = arith.constant 1 : i32
    %swap3A_374 = arith.index_cast %swap3A_373 : i32 to index
    %swap3A_375 = arith.constant 16 : index
    %swap3A_376 = tpu.vector_load %arg13[%swap3A_374, %swap3A_375] {strides = array<i32>} : memref<80x96xf32, #tpu.memory_space<vmem>>, vector<1x16xf32>,
    %swap3A_377 = vector.shape_cast %swap3A_376 : vector<1x16xf32> to vector<16xf32>
    %swap3A_378 = vector.shape_cast %broadcast_in_dim3A_3 : vector<16xf32> to vector<1x16xf32>
    tpu.vector_store %arg13[%swap3A_374, %swap3A_375], %swap3A_378 {strides = array<i32>} : memref<80x96xf32, #tpu.memory_space<vmem>>, vector<1x16xf32>,
    %swap3A_379 = arith.constant 1 : i32
    %swap3A_380 = arith.index_cast %swap3A_379 : i32 to index
    %swap3A_381 = arith.constant 32 : index
    %swap3A_382 = tpu.vector_load %arg13[%swap3A_380, %swap3A_381] {strides = array<i32>} : memref<80x96xf32, #tpu.memory_space<vmem>>, vector<1x16xf32>,
    %swap3A_383 = vector.shape_cast %swap3A_382 : vector<1x16xf32> to vector<16xf32>
    %swap3A_384 = vector.shape_cast %broadcast_in_dim3A_3 : vector<16xf32> to vector<1x16xf32>
    tpu.vector_store %arg13[%swap3A_380, %swap3A_381], %swap3A_384 {strides = array<i32>} : memref<80x96xf32, #tpu.memory_space<vmem>>, vector<1x16xf32>,
    %swap3A_385 = arith.constant 1 : i32
    %swap3A_386 = arith.index_cast %swap3A_385 : i32 to index
    %swap3A_387 = arith.constant 48 : index
    %swap3A_388 = tpu.vector_load %arg13[%swap3A_386, %swap3A_387] {strides = array<i32>} : memref<80x96xf32, #tpu.memory_space<vmem>>, vector<1x16xf32>,
    %swap3A_389 = vector.shape_cast %swap3A_388 : vector<1x16xf32> to vector<16xf32>
    %swap3A_390 = vector.shape_cast %broadcast_in_dim3A_3 : vector<16xf32> to vector<1x16xf32>
    tpu.vector_store %arg13[%swap3A_386, %swap3A_387], %swap3A_390 {strides = array<i32>} : memref<80x96xf32, #tpu.memory_space<vmem>>, vector<1x16xf32>,
    %swap3A_391 = arith.constant 1 : i32
    %swap3A_392 = arith.index_cast %swap3A_391 : i32 to index
    %swap3A_393 = arith.constant 64 : index
    %swap3A_394 = tpu.vector_load %arg13[%swap3A_392, %swap3A_393] {strides = array<i32>} : memref<80x96xf32, #tpu.memory_space<vmem>>, vector<1x16xf32>,
    %swap3A_395 = vector.shape_cast %swap3A_394 : vector<1x16xf32> to vector<16xf32>
    %swap3A_396 = vector.shape_cast %broadcast_in_dim3A_3 : vector<16xf32> to vector<1x16xf32>
    tpu.vector_store %arg13[%swap3A_392, %swap3A_393], %swap3A_396 {strides = array<i32>} : memref<80x96xf32, #tpu.memory_space<vmem>>, vector<1x16xf32>,
    %swap3A_397 = arith.constant 1 : i32
    %swap3A_398 = arith.index_cast %swap3A_397 : i32 to index
    %swap3A_399 = arith.constant 80 : index
    %swap3A_400 = tpu.vector_load %arg13[%swap3A_398, %swap3A_399] {strides = array<i32>} : memref<80x96xf32, #tpu.memory_space<vmem>>, vector<1x16xf32>,
    %swap3A_401 = vector.shape_cast %swap3A_400 : vector<1x16xf32> to vector<16xf32>
    %swap3A_402 = vector.shape_cast %broadcast_in_dim3A_3 : vector<16xf32> to vector<1x16xf32>
    tpu.vector_store %arg13[%swap3A_398, %swap3A_399], %swap3A_402 {strides = array<i32>} : memref<80x96xf32, #tpu.memory_space<vmem>>, vector<1x16xf32>,
    %swap3A_403 = arith.constant 2 : i32
    %swap3A_404 = arith.index_cast %swap3A_403 : i32 to index
    %swap3A_405 = arith.constant 0 : index
    %swap3A_406 = tpu.vector_load %arg13[%swap3A_404, %swap3A_405] {strides = array<i32>} : memref<80x96xf32, #tpu.memory_space<vmem>>, vector<1x16xf32>,
    %swap3A_407 = vector.shape_cast %swap3A_406 : vector<1x16xf32> to vector<16xf32>
    %swap3A_408 = vector.shape_cast %broadcast_in_dim3A_3 : vector<16xf32> to vector<1x16xf32>
    tpu.vector_store %arg13[%swap3A_404, %swap3A_405], %swap3A_408 {strides = array<i32>} : memref<80x96xf32, #tpu.memory_space<vmem>>, vector<1x16xf32>,
    %swap3A_409 = arith.constant 2 : i32
    %swap3A_410 = arith.index_cast %swap3A_409 : i32 to index
    %swap3A_411 = arith.constant 16 : index
    %swap3A_412 = tpu.vector_load %arg13[%swap3A_410, %swap3A_411] {strides = array<i32>} : memref<80x96xf32, #tpu.memory_space<vmem>>, vector<1x16xf32>,
    %swap3A_413 = vector.shape_cast %swap3A_412 : vector<1x16xf32> to vector<16xf32>
    %swap3A_414 = vector.shape_cast %broadcast_in_dim3A_3 : vector<16xf32> to vector<1x16xf32>
    tpu.vector_store %arg13[%swap3A_410, %swap3A_411], %swap3A_414 {strides = array<i32>} : memref<80x96xf32, #tpu.memory_space<vmem>>, vector<1x16xf32>,
    %swap3A_415 = arith.constant 2 : i32
    %swap3A_416 = arith.index_cast %swap3A_415 : i32 to index
    %swap3A_417 = arith.constant 32 : index
    %swap3A_418 = tpu.vector_load %arg13[%swap3A_416, %swap3A_417] {strides = array<i32>} : memref<80x96xf32, #tpu.memory_space<vmem>>, vector<1x16xf32>,
    %swap3A_419 = vector.shape_cast %swap3A_418 : vector<1x16xf32> to vector<16xf32>
    %swap3A_420 = vector.shape_cast %broadcast_in_dim3A_3 : vector<16xf32> to vector<1x16xf32>
    tpu.vector_store %arg13[%swap3A_416, %swap3A_417], %swap3A_420 {strides = array<i32>} : memref<80x96xf32, #tpu.memory_space<vmem>>, vector<1x16xf32>,
    %swap3A_421 = arith.constant 2 : i32
    %swap3A_422 = arith.index_cast %swap3A_421 : i32 to index
    %swap3A_423 = arith.constant 48 : index
    %swap3A_424 = tpu.vector_load %arg13[%swap3A_422, %swap3A_423] {strides = array<i32>} : memref<80x96xf32, #tpu.memory_space<vmem>>, vector<1x16xf32>,
    %swap3A_425 = vector.shape_cast %swap3A_424 : vector<1x16xf32> to vector<16xf32>
    %swap3A_426 = vector.shape_cast %broadcast_in_dim3A_3 : vector<16xf32> to vector<1x16xf32>
    tpu.vector_store %arg13[%swap3A_422, %swap3A_423], %swap3A_426 {strides = array<i32>} : memref<80x96xf32, #tpu.memory_space<vmem>>, vector<1x16xf32>,
    %swap3A_427 = arith.constant 2 : i32
    %swap3A_428 = arith.index_cast %swap3A_427 : i32 to index
    %swap3A_429 = arith.constant 64 : index
    %swap3A_430 = tpu.vector_load %arg13[%swap3A_428, %swap3A_429] {strides = array<i32>} : memref<80x96xf32, #tpu.memory_space<vmem>>, vector<1x16xf32>,
    %swap3A_431 = vector.shape_cast %swap3A_430 : vector<1x16xf32> to vector<16xf32>
    %swap3A_432 = vector.shape_cast %broadcast_in_dim3A_3 : vector<16xf32> to vector<1x16xf32>
    tpu.vector_store %arg13[%swap3A_428, %swap3A_429], %swap3A_432 {strides = array<i32>} : memref<80x96xf32, #tpu.memory_space<vmem>>, vector<1x16xf32>,
    %swap3A_433 = arith.constant 2 : i32
    %swap3A_434 = arith.index_cast %swap3A_433 : i32 to index
    %swap3A_435 = arith.constant 80 : index
    %swap3A_436 = tpu.vector_load %arg13[%swap3A_434, %swap3A_435] {strides = array<i32>} : memref<80x96xf32, #tpu.memory_space<vmem>>, vector<1x16xf32>,
    %swap3A_437 = vector.shape_cast %swap3A_436 : vector<1x16xf32> to vector<16xf32>
    %swap3A_438 = vector.shape_cast %broadcast_in_dim3A_3 : vector<16xf32> to vector<1x16xf32>
    tpu.vector_store %arg13[%swap3A_434, %swap3A_435], %swap3A_438 {strides = array<i32>} : memref<80x96xf32, #tpu.memory_space<vmem>>, vector<1x16xf32>,
    %swap3A_439 = arith.constant 3 : i32
    %swap3A_440 = arith.index_cast %swap3A_439 : i32 to index
    %swap3A_441 = arith.constant 0 : index
    %swap3A_442 = tpu.vector_load %arg13[%swap3A_440, %swap3A_441] {strides = array<i32>} : memref<80x96xf32, #tpu.memory_space<vmem>>, vector<1x16xf32>,
    %swap3A_443 = vector.shape_cast %swap3A_442 : vector<1x16xf32> to vector<16xf32>
    %swap3A_444 = vector.shape_cast %broadcast_in_dim3A_3 : vector<16xf32> to vector<1x16xf32>
    tpu.vector_store %arg13[%swap3A_440, %swap3A_441], %swap3A_444 {strides = array<i32>} : memref<80x96xf32, #tpu.memory_space<vmem>>, vector<1x16xf32>,
    %swap3A_445 = arith.constant 3 : i32
    %swap3A_446 = arith.index_cast %swap3A_445 : i32 to index
    %swap3A_447 = arith.constant 16 : index
    %swap3A_448 = tpu.vector_load %arg13[%swap3A_446, %swap3A_447] {strides = array<i32>} : memref<80x96xf32, #tpu.memory_space<vmem>>, vector<1x16xf32>,
    %swap3A_449 = vector.shape_cast %swap3A_448 : vector<1x16xf32> to vector<16xf32>
    %swap3A_450 = vector.shape_cast %broadcast_in_dim3A_3 : vector<16xf32> to vector<1x16xf32>
    tpu.vector_store %arg13[%swap3A_446, %swap3A_447], %swap3A_450 {strides = array<i32>} : memref<80x96xf32, #tpu.memory_space<vmem>>, vector<1x16xf32>,
    %swap3A_451 = arith.constant 3 : i32
    %swap3A_452 = arith.index_cast %swap3A_451 : i32 to index
    %swap3A_453 = arith.constant 32 : index
    %swap3A_454 = tpu.vector_load %arg13[%swap3A_452, %swap3A_453] {strides = array<i32>} : memref<80x96xf32, #tpu.memory_space<vmem>>, vector<1x16xf32>,
    %swap3A_455 = vector.shape_cast %swap3A_454 : vector<1x16xf32> to vector<16xf32>
    %swap3A_456 = vector.shape_cast %broadcast_in_dim3A_3 : vector<16xf32> to vector<1x16xf32>
    tpu.vector_store %arg13[%swap3A_452, %swap3A_453], %swap3A_456 {strides = array<i32>} : memref<80x96xf32, #tpu.memory_space<vmem>>, vector<1x16xf32>,
    %swap3A_457 = arith.constant 3 : i32
    %swap3A_458 = arith.index_cast %swap3A_457 : i32 to index
    %swap3A_459 = arith.constant 48 : index
    %swap3A_460 = tpu.vector_load %arg13[%swap3A_458, %swap3A_459] {strides = array<i32>} : memref<80x96xf32, #tpu.memory_space<vmem>>, vector<1x16xf32>,
    %swap3A_461 = vector.shape_cast %swap3A_460 : vector<1x16xf32> to vector<16xf32>
    %swap3A_462 = vector.shape_cast %broadcast_in_dim3A_3 : vector<16xf32> to vector<1x16xf32>
    tpu.vector_store %arg13[%swap3A_458, %swap3A_459], %swap3A_462 {strides = array<i32>} : memref<80x96xf32, #tpu.memory_space<vmem>>, vector<1x16xf32>,
    %swap3A_463 = arith.constant 3 : i32
    %swap3A_464 = arith.index_cast %swap3A_463 : i32 to index
    %swap3A_465 = arith.constant 64 : index
    %swap3A_466 = tpu.vector_load %arg13[%swap3A_464, %swap3A_465] {strides = array<i32>} : memref<80x96xf32, #tpu.memory_space<vmem>>, vector<1x16xf32>,
    %swap3A_467 = vector.shape_cast %swap3A_466 : vector<1x16xf32> to vector<16xf32>
    %swap3A_468 = vector.shape_cast %broadcast_in_dim3A_3 : vector<16xf32> to vector<1x16xf32>
    tpu.vector_store %arg13[%swap3A_464, %swap3A_465], %swap3A_468 {strides = array<i32>} : memref<80x96xf32, #tpu.memory_space<vmem>>, vector<1x16xf32>,
    %swap3A_469 = arith.constant 3 : i32
    %swap3A_470 = arith.index_cast %swap3A_469 : i32 to index
    %swap3A_471 = arith.constant 80 : index
    %swap3A_472 = tpu.vector_load %arg13[%swap3A_470, %swap3A_471] {strides = array<i32>} : memref<80x96xf32, #tpu.memory_space<vmem>>, vector<1x16xf32>,
    %swap3A_473 = vector.shape_cast %swap3A_472 : vector<1x16xf32> to vector<16xf32>
    %swap3A_474 = vector.shape_cast %broadcast_in_dim3A_3 : vector<16xf32> to vector<1x16xf32>
    tpu.vector_store %arg13[%swap3A_470, %swap3A_471], %swap3A_474 {strides = array<i32>} : memref<80x96xf32, #tpu.memory_space<vmem>>, vector<1x16xf32>,
    %swap3A_475 = arith.constant 4 : i32
    %swap3A_476 = arith.index_cast %swap3A_475 : i32 to index
    %swap3A_477 = arith.constant 0 : index
    %swap3A_478 = tpu.vector_load %arg13[%swap3A_476, %swap3A_477] {strides = array<i32>} : memref<80x96xf32, #tpu.memory_space<vmem>>, vector<1x16xf32>,
    %swap3A_479 = vector.shape_cast %swap3A_478 : vector<1x16xf32> to vector<16xf32>
    %swap3A_480 = vector.shape_cast %broadcast_in_dim3A_3 : vector<16xf32> to vector<1x16xf32>
    tpu.vector_store %arg13[%swap3A_476, %swap3A_477], %swap3A_480 {strides = array<i32>} : memref<80x96xf32, #tpu.memory_space<vmem>>, vector<1x16xf32>,
    %swap3A_481 = arith.constant 4 : i32
    %swap3A_482 = arith.index_cast %swap3A_481 : i32 to index
    %swap3A_483 = arith.constant 16 : index
    %swap3A_484 = tpu.vector_load %arg13[%swap3A_482, %swap3A_483] {strides = array<i32>} : memref<80x96xf32, #tpu.memory_space<vmem>>, vector<1x16xf32>,
    %swap3A_485 = vector.shape_cast %swap3A_484 : vector<1x16xf32> to vector<16xf32>
    %swap3A_486 = vector.shape_cast %broadcast_in_dim3A_3 : vector<16xf32> to vector<1x16xf32>
    tpu.vector_store %arg13[%swap3A_482, %swap3A_483], %swap3A_486 {strides = array<i32>} : memref<80x96xf32, #tpu.memory_space<vmem>>, vector<1x16xf32>,
    %swap3A_487 = arith.constant 4 : i32
    %swap3A_488 = arith.index_cast %swap3A_487 : i32 to index
    %swap3A_489 = arith.constant 32 : index
    %swap3A_490 = tpu.vector_load %arg13[%swap3A_488, %swap3A_489] {strides = array<i32>} : memref<80x96xf32, #tpu.memory_space<vmem>>, vector<1x16xf32>,
    %swap3A_491 = vector.shape_cast %swap3A_490 : vector<1x16xf32> to vector<16xf32>
    %swap3A_492 = vector.shape_cast %broadcast_in_dim3A_3 : vector<16xf32> to vector<1x16xf32>
    tpu.vector_store %arg13[%swap3A_488, %swap3A_489], %swap3A_492 {strides = array<i32>} : memref<80x96xf32, #tpu.memory_space<vmem>>, vector<1x16xf32>,
    %swap3A_493 = arith.constant 4 : i32
    %swap3A_494 = arith.index_cast %swap3A_493 : i32 to index
    %swap3A_495 = arith.constant 48 : index
    %swap3A_496 = tpu.vector_load %arg13[%swap3A_494, %swap3A_495] {strides = array<i32>} : memref<80x96xf32, #tpu.memory_space<vmem>>, vector<1x16xf32>,
    %swap3A_497 = vector.shape_cast %swap3A_496 : vector<1x16xf32> to vector<16xf32>
    %swap3A_498 = vector.shape_cast %broadcast_in_dim3A_3 : vector<16xf32> to vector<1x16xf32>
    tpu.vector_store %arg13[%swap3A_494, %swap3A_495], %swap3A_498 {strides = array<i32>} : memref<80x96xf32, #tpu.memory_space<vmem>>, vector<1x16xf32>,
    %swap3A_499 = arith.constant 4 : i32
    %swap3A_500 = arith.index_cast %swap3A_499 : i32 to index
    %swap3A_501 = arith.constant 64 : index
    %swap3A_502 = tpu.vector_load %arg13[%swap3A_500, %swap3A_501] {strides = array<i32>} : memref<80x96xf32, #tpu.memory_space<vmem>>, vector<1x16xf32>,
    %swap3A_503 = vector.shape_cast %swap3A_502 : vector<1x16xf32> to vector<16xf32>
    %swap3A_504 = vector.shape_cast %broadcast_in_dim3A_3 : vector<16xf32> to vector<1x16xf32>
    tpu.vector_store %arg13[%swap3A_500, %swap3A_501], %swap3A_504 {strides = array<i32>} : memref<80x96xf32, #tpu.memory_space<vmem>>, vector<1x16xf32>,
    %swap3A_505 = arith.constant 4 : i32
    %swap3A_506 = arith.index_cast %swap3A_505 : i32 to index
    %swap3A_507 = arith.constant 80 : index
    %swap3A_508 = tpu.vector_load %arg13[%swap3A_506, %swap3A_507] {strides = array<i32>} : memref<80x96xf32, #tpu.memory_space<vmem>>, vector<1x16xf32>,
    %swap3A_509 = vector.shape_cast %swap3A_508 : vector<1x16xf32> to vector<16xf32>
    %swap3A_510 = vector.shape_cast %broadcast_in_dim3A_3 : vector<16xf32> to vector<1x16xf32>
    tpu.vector_store %arg13[%swap3A_506, %swap3A_507], %swap3A_510 {strides = array<i32>} : memref<80x96xf32, #tpu.memory_space<vmem>>, vector<1x16xf32>,
    %swap3A_511 = arith.constant 5 : i32
    %swap3A_512 = arith.index_cast %swap3A_511 : i32 to index
    %swap3A_513 = arith.constant 0 : index
    %swap3A_514 = tpu.vector_load %arg13[%swap3A_512, %swap3A_513] {strides = array<i32>} : memref<80x96xf32, #tpu.memory_space<vmem>>, vector<1x16xf32>,
    %swap3A_515 = vector.shape_cast %swap3A_514 : vector<1x16xf32> to vector<16xf32>
    %swap3A_516 = vector.shape_cast %broadcast_in_dim3A_3 : vector<16xf32> to vector<1x16xf32>
    tpu.vector_store %arg13[%swap3A_512, %swap3A_513], %swap3A_516 {strides = array<i32>} : memref<80x96xf32, #tpu.memory_space<vmem>>, vector<1x16xf32>,
    %swap3A_517 = arith.constant 5 : i32
    %swap3A_518 = arith.index_cast %swap3A_517 : i32 to index
    %swap3A_519 = arith.constant 16 : index
    %swap3A_520 = tpu.vector_load %arg13[%swap3A_518, %swap3A_519] {strides = array<i32>} : memref<80x96xf32, #tpu.memory_space<vmem>>, vector<1x16xf32>,
    %swap3A_521 = vector.shape_cast %swap3A_520 : vector<1x16xf32> to vector<16xf32>
    %swap3A_522 = vector.shape_cast %broadcast_in_dim3A_3 : vector<16xf32> to vector<1x16xf32>
    tpu.vector_store %arg13[%swap3A_518, %swap3A_519], %swap3A_522 {strides = array<i32>} : memref<80x96xf32, #tpu.memory_space<vmem>>, vector<1x16xf32>,
    %swap3A_523 = arith.constant 5 : i32
    %swap3A_524 = arith.index_cast %swap3A_523 : i32 to index
    %swap3A_525 = arith.constant 32 : index
    %swap3A_526 = tpu.vector_load %arg13[%swap3A_524, %swap3A_525] {strides = array<i32>} : memref<80x96xf32, #tpu.memory_space<vmem>>, vector<1x16xf32>,
    %swap3A_527 = vector.shape_cast %swap3A_526 : vector<1x16xf32> to vector<16xf32>
    %swap3A_528 = vector.shape_cast %broadcast_in_dim3A_3 : vector<16xf32> to vector<1x16xf32>
    tpu.vector_store %arg13[%swap3A_524, %swap3A_525], %swap3A_528 {strides = array<i32>} : memref<80x96xf32, #tpu.memory_space<vmem>>, vector<1x16xf32>,
    %swap3A_529 = arith.constant 5 : i32
    %swap3A_530 = arith.index_cast %swap3A_529 : i32 to index
    %swap3A_531 = arith.constant 48 : index
    %swap3A_532 = tpu.vector_load %arg13[%swap3A_530, %swap3A_531] {strides = array<i32>} : memref<80x96xf32, #tpu.memory_space<vmem>>, vector<1x16xf32>,
    %swap3A_533 = vector.shape_cast %swap3A_532 : vector<1x16xf32> to vector<16xf32>
    %swap3A_534 = vector.shape_cast %broadcast_in_dim3A_3 : vector<16xf32> to vector<1x16xf32>
    tpu.vector_store %arg13[%swap3A_530, %swap3A_531], %swap3A_534 {strides = array<i32>} : memref<80x96xf32, #tpu.memory_space<vmem>>, vector<1x16xf32>,
    %swap3A_535 = arith.constant 5 : i32
    %swap3A_536 = arith.index_cast %swap3A_535 : i32 to index
    %swap3A_537 = arith.constant 64 : index
    %swap3A_538 = tpu.vector_load %arg13[%swap3A_536, %swap3A_537] {strides = array<i32>} : memref<80x96xf32, #tpu.memory_space<vmem>>, vector<1x16xf32>,
    %swap3A_539 = vector.shape_cast %swap3A_538 : vector<1x16xf32> to vector<16xf32>
    %swap3A_540 = vector.shape_cast %broadcast_in_dim3A_3 : vector<16xf32> to vector<1x16xf32>
    tpu.vector_store %arg13[%swap3A_536, %swap3A_537], %swap3A_540 {strides = array<i32>} : memref<80x96xf32, #tpu.memory_space<vmem>>, vector<1x16xf32>,
    %swap3A_541 = arith.constant 5 : i32
    %swap3A_542 = arith.index_cast %swap3A_541 : i32 to index
    %swap3A_543 = arith.constant 80 : index
    %swap3A_544 = tpu.vector_load %arg13[%swap3A_542, %swap3A_543] {strides = array<i32>} : memref<80x96xf32, #tpu.memory_space<vmem>>, vector<1x16xf32>,
    %swap3A_545 = vector.shape_cast %swap3A_544 : vector<1x16xf32> to vector<16xf32>
    %swap3A_546 = vector.shape_cast %broadcast_in_dim3A_3 : vector<16xf32> to vector<1x16xf32>
    tpu.vector_store %arg13[%swap3A_542, %swap3A_543], %swap3A_546 {strides = array<i32>} : memref<80x96xf32, #tpu.memory_space<vmem>>, vector<1x16xf32>,
    %swap3A_547 = arith.constant 6 : i32
    %swap3A_548 = arith.index_cast %swap3A_547 : i32 to index
    %swap3A_549 = arith.constant 0 : index
    %swap3A_550 = tpu.vector_load %arg13[%swap3A_548, %swap3A_549] {strides = array<i32>} : memref<80x96xf32, #tpu.memory_space<vmem>>, vector<1x16xf32>,
    %swap3A_551 = vector.shape_cast %swap3A_550 : vector<1x16xf32> to vector<16xf32>
    %swap3A_552 = vector.shape_cast %broadcast_in_dim3A_3 : vector<16xf32> to vector<1x16xf32>
    tpu.vector_store %arg13[%swap3A_548, %swap3A_549], %swap3A_552 {strides = array<i32>} : memref<80x96xf32, #tpu.memory_space<vmem>>, vector<1x16xf32>,
    %swap3A_553 = arith.constant 6 : i32
    %swap3A_554 = arith.index_cast %swap3A_553 : i32 to index
    %swap3A_555 = arith.constant 16 : index
    %swap3A_556 = tpu.vector_load %arg13[%swap3A_554, %swap3A_555] {strides = array<i32>} : memref<80x96xf32, #tpu.memory_space<vmem>>, vector<1x16xf32>,
    %swap3A_557 = vector.shape_cast %swap3A_556 : vector<1x16xf32> to vector<16xf32>
    %swap3A_558 = vector.shape_cast %broadcast_in_dim3A_3 : vector<16xf32> to vector<1x16xf32>
    tpu.vector_store %arg13[%swap3A_554, %swap3A_555], %swap3A_558 {strides = array<i32>} : memref<80x96xf32, #tpu.memory_space<vmem>>, vector<1x16xf32>,
    %swap3A_559 = arith.constant 6 : i32
    %swap3A_560 = arith.index_cast %swap3A_559 : i32 to index
    %swap3A_561 = arith.constant 32 : index
    %swap3A_562 = tpu.vector_load %arg13[%swap3A_560, %swap3A_561] {strides = array<i32>} : memref<80x96xf32, #tpu.memory_space<vmem>>, vector<1x16xf32>,
    %swap3A_563 = vector.shape_cast %swap3A_562 : vector<1x16xf32> to vector<16xf32>
    %swap3A_564 = vector.shape_cast %broadcast_in_dim3A_3 : vector<16xf32> to vector<1x16xf32>
    tpu.vector_store %arg13[%swap3A_560, %swap3A_561], %swap3A_564 {strides = array<i32>} : memref<80x96xf32, #tpu.memory_space<vmem>>, vector<1x16xf32>,
    %swap3A_565 = arith.constant 6 : i32
    %swap3A_566 = arith.index_cast %swap3A_565 : i32 to index
    %swap3A_567 = arith.constant 48 : index
    %swap3A_568 = tpu.vector_load %arg13[%swap3A_566, %swap3A_567] {strides = array<i32>} : memref<80x96xf32, #tpu.memory_space<vmem>>, vector<1x16xf32>,
    %swap3A_569 = vector.shape_cast %swap3A_568 : vector<1x16xf32> to vector<16xf32>
    %swap3A_570 = vector.shape_cast %broadcast_in_dim3A_3 : vector<16xf32> to vector<1x16xf32>
    tpu.vector_store %arg13[%swap3A_566, %swap3A_567], %swap3A_570 {strides = array<i32>} : memref<80x96xf32, #tpu.memory_space<vmem>>, vector<1x16xf32>,
    %swap3A_571 = arith.constant 6 : i32
    %swap3A_572 = arith.index_cast %swap3A_571 : i32 to index
    %swap3A_573 = arith.constant 64 : index
    %swap3A_574 = tpu.vector_load %arg13[%swap3A_572, %swap3A_573] {strides = array<i32>} : memref<80x96xf32, #tpu.memory_space<vmem>>, vector<1x16xf32>,
    %swap3A_575 = vector.shape_cast %swap3A_574 : vector<1x16xf32> to vector<16xf32>
    %swap3A_576 = vector.shape_cast %broadcast_in_dim3A_3 : vector<16xf32> to vector<1x16xf32>
    tpu.vector_store %arg13[%swap3A_572, %swap3A_573], %swap3A_576 {strides = array<i32>} : memref<80x96xf32, #tpu.memory_space<vmem>>, vector<1x16xf32>,
    %swap3A_577 = arith.constant 6 : i32
    %swap3A_578 = arith.index_cast %swap3A_577 : i32 to index
    %swap3A_579 = arith.constant 80 : index
    %swap3A_580 = tpu.vector_load %arg13[%swap3A_578, %swap3A_579] {strides = array<i32>} : memref<80x96xf32, #tpu.memory_space<vmem>>, vector<1x16xf32>,
    %swap3A_581 = vector.shape_cast %swap3A_580 : vector<1x16xf32> to vector<16xf32>
    %swap3A_582 = vector.shape_cast %broadcast_in_dim3A_3 : vector<16xf32> to vector<1x16xf32>
    tpu.vector_store %arg13[%swap3A_578, %swap3A_579], %swap3A_582 {strides = array<i32>} : memref<80x96xf32, #tpu.memory_space<vmem>>, vector<1x16xf32>,
    %swap3A_583 = arith.constant 7 : i32
    %swap3A_584 = arith.index_cast %swap3A_583 : i32 to index
    %swap3A_585 = arith.constant 0 : index
    %swap3A_586 = tpu.vector_load %arg13[%swap3A_584, %swap3A_585] {strides = array<i32>} : memref<80x96xf32, #tpu.memory_space<vmem>>, vector<1x16xf32>,
    %swap3A_587 = vector.shape_cast %swap3A_586 : vector<1x16xf32> to vector<16xf32>
    %swap3A_588 = vector.shape_cast %broadcast_in_dim3A_3 : vector<16xf32> to vector<1x16xf32>
    tpu.vector_store %arg13[%swap3A_584, %swap3A_585], %swap3A_588 {strides = array<i32>} : memref<80x96xf32, #tpu.memory_space<vmem>>, vector<1x16xf32>,
    %swap3A_589 = arith.constant 7 : i32
    %swap3A_590 = arith.index_cast %swap3A_589 : i32 to index
    %swap3A_591 = arith.constant 16 : index
    %swap3A_592 = tpu.vector_load %arg13[%swap3A_590, %swap3A_591] {strides = array<i32>} : memref<80x96xf32, #tpu.memory_space<vmem>>, vector<1x16xf32>,
    %swap3A_593 = vector.shape_cast %swap3A_592 : vector<1x16xf32> to vector<16xf32>
    %swap3A_594 = vector.shape_cast %broadcast_in_dim3A_3 : vector<16xf32> to vector<1x16xf32>
    tpu.vector_store %arg13[%swap3A_590, %swap3A_591], %swap3A_594 {strides = array<i32>} : memref<80x96xf32, #tpu.memory_space<vmem>>, vector<1x16xf32>,
    %swap3A_595 = arith.constant 7 : i32
    %swap3A_596 = arith.index_cast %swap3A_595 : i32 to index
    %swap3A_597 = arith.constant 32 : index
    %swap3A_598 = tpu.vector_load %arg13[%swap3A_596, %swap3A_597] {strides = array<i32>} : memref<80x96xf32, #tpu.memory_space<vmem>>, vector<1x16xf32>,
    %swap3A_599 = vector.shape_cast %swap3A_598 : vector<1x16xf32> to vector<16xf32>
    %swap3A_600 = vector.shape_cast %broadcast_in_dim3A_3 : vector<16xf32> to vector<1x16xf32>
    tpu.vector_store %arg13[%swap3A_596, %swap3A_597], %swap3A_600 {strides = array<i32>} : memref<80x96xf32, #tpu.memory_space<vmem>>, vector<1x16xf32>,
    %swap3A_601 = arith.constant 7 : i32
    %swap3A_602 = arith.index_cast %swap3A_601 : i32 to index
    %swap3A_603 = arith.constant 48 : index
    %swap3A_604 = tpu.vector_load %arg13[%swap3A_602, %swap3A_603] {strides = array<i32>} : memref<80x96xf32, #tpu.memory_space<vmem>>, vector<1x16xf32>,
    %swap3A_605 = vector.shape_cast %swap3A_604 : vector<1x16xf32> to vector<16xf32>
    %swap3A_606 = vector.shape_cast %broadcast_in_dim3A_3 : vector<16xf32> to vector<1x16xf32>
    tpu.vector_store %arg13[%swap3A_602, %swap3A_603], %swap3A_606 {strides = array<i32>} : memref<80x96xf32, #tpu.memory_space<vmem>>, vector<1x16xf32>,
    %swap3A_607 = arith.constant 7 : i32
    %swap3A_608 = arith.index_cast %swap3A_607 : i32 to index
    %swap3A_609 = arith.constant 64 : index
    %swap3A_610 = tpu.vector_load %arg13[%swap3A_608, %swap3A_609] {strides = array<i32>} : memref<80x96xf32, #tpu.memory_space<vmem>>, vector<1x16xf32>,
    %swap3A_611 = vector.shape_cast %swap3A_610 : vector<1x16xf32> to vector<16xf32>
    %swap3A_612 = vector.shape_cast %broadcast_in_dim3A_3 : vector<16xf32> to vector<1x16xf32>
    tpu.vector_store %arg13[%swap3A_608, %swap3A_609], %swap3A_612 {strides = array<i32>} : memref<80x96xf32, #tpu.memory_space<vmem>>, vector<1x16xf32>,
    %swap3A_613 = arith.constant 7 : i32
    %swap3A_614 = arith.index_cast %swap3A_613 : i32 to index
    %swap3A_615 = arith.constant 80 : index
    %swap3A_616 = tpu.vector_load %arg13[%swap3A_614, %swap3A_615] {strides = array<i32>} : memref<80x96xf32, #tpu.memory_space<vmem>>, vector<1x16xf32>,
    %swap3A_617 = vector.shape_cast %swap3A_616 : vector<1x16xf32> to vector<16xf32>
    %swap3A_618 = vector.shape_cast %broadcast_in_dim3A_3 : vector<16xf32> to vector<1x16xf32>
    tpu.vector_store %arg13[%swap3A_614, %swap3A_615], %swap3A_618 {strides = array<i32>} : memref<80x96xf32, #tpu.memory_space<vmem>>, vector<1x16xf32>,
    %while3A_619 = arith.constant 0 : i32
    %while3A_620 = arith.constant 0 : i32
    %while3A_621 = arith.subi %select_n3A, %while3A_620 : i32
    %while3A_622 = arith.addi %while3A_620, %while3A_621 : i32
    %while3A_623 = arith.constant 1 : i32
    %while3A_624 = arith.divsi %while3A_621, %while3A_623 : i32
    %while3A_625 = arith.muli %while3A_624, %while3A_623 : i32
    %while3A_626 = arith.addi %while3A_620, %while3A_625 : i32
    %while3A_627 = arith.constant 1 : i32
    scf.for %while3A_657 = %while3A_620 to %while3A_626 step %while3A_627  : i32 {
      %mul3A_658 = arith.constant 8 : i32
      %mul3A_659 = arith.muli %while3A_657, %mul3A_658 : i32
      %add3A = arith.addi %mul3A_0, %mul3A_659 : i32
      "tpu.region"() ({
        %run_scoped3A = tpu.sem_alloc : memref<!tpu.dma_semaphore, #tpu.memory_space<semaphore_mem>>
        %dma_start3A = arith.constant 0 : i32
        %dma_start3A_660 = arith.constant 0 : i32
        %dma_start3A_661 = tpu.memref_slice %arg13[%dma_start3A, %dma_start3A_660] : memref<80x96xf32, #tpu.memory_space<vmem>> -> memref<8x96xf32, #tpu.memory_space<vmem>>
        %dma_start3A_662 = arith.constant 0 : i32
        %dma_start3A_663 = tpu.memref_slice %arg15[%add3A, %dma_start3A_662] : memref<10000x96xf32, #tpu.memory_space<vmem_shared>> -> memref<8x96xf32, #tpu.memory_space<vmem_shared>>
        %dma_start3A_664 = arith.constant 0 : i32
        %dma_start3A_665 = tpu.memref_slice %arg15[%add3A, %dma_start3A_664] : memref<10000x96xf32, #tpu.memory_space<vmem_shared>> -> memref<8x96xf32, #tpu.memory_space<vmem_shared>>
        %dma_start3A_666 = arith.constant 0 : i32
        %dma_start3A_667 = arith.constant 0 : i32
        %dma_start3A_668 = tpu.memref_slice %arg13[%dma_start3A_666, %dma_start3A_667] : memref<80x96xf32, #tpu.memory_space<vmem>> -> memref<8x96xf32, #tpu.memory_space<vmem>>
        tpu.enqueue_dma source(%dma_start3A_668 : memref<8x96xf32, #tpu.memory_space<vmem>>) target(%dma_start3A_665 : memref<8x96xf32, #tpu.memory_space<vmem_shared>>) target_semaphore(%run_scoped3A : memref<!tpu.dma_semaphore, #tpu.memory_space<semaphore_mem>>)
        %dma_wait3A = arith.constant 0 : i32
        %dma_wait3A_669 = arith.constant 0 : i32
        %dma_wait3A_670 = tpu.memref_slice %arg13[%dma_wait3A, %dma_wait3A_669] : memref<80x96xf32, #tpu.memory_space<vmem>> -> memref<8x96xf32, #tpu.memory_space<vmem>>
        %dma_wait3A_671 = arith.constant 0 : i32
        %dma_wait3A_672 = tpu.memref_slice %arg15[%add3A, %dma_wait3A_671] : memref<10000x96xf32, #tpu.memory_space<vmem_shared>> -> memref<8x96xf32, #tpu.memory_space<vmem_shared>>
        %dma_wait3A_673 = arith.constant 0 : i32
        %dma_wait3A_674 = tpu.memref_slice %arg15[%add3A, %dma_wait3A_673] : memref<10000x96xf32, #tpu.memory_space<vmem_shared>> -> memref<8x96xf32, #tpu.memory_space<vmem_shared>>
        %dma_wait3A_675 = arith.constant 0 : i32
        %dma_wait3A_676 = arith.constant 0 : i32
        %dma_wait3A_677 = tpu.memref_slice %arg13[%dma_wait3A_675, %dma_wait3A_676] : memref<80x96xf32, #tpu.memory_space<vmem>> -> memref<8x96xf32, #tpu.memory_space<vmem>>
        tpu.wait_dma2 semaphore(%run_scoped3A : memref<!tpu.dma_semaphore, #tpu.memory_space<semaphore_mem>>) src(%dma_wait3A_677 : memref<8x96xf32, #tpu.memory_space<vmem>>) dst(%dma_wait3A_674 : memref<8x96xf32, #tpu.memory_space<vmem_shared>>)
        tpu.yield
      }) : () -> ()
    }
    %while3A_628 = arith.constant 1 : i32
    scf.for %while3A_657 = %while3A_626 to %while3A_622 step %while3A_628  : i32 {
      %mul3A_658 = arith.constant 8 : i32
      %mul3A_659 = arith.muli %while3A_657, %mul3A_658 : i32
      %add3A = arith.addi %mul3A_0, %mul3A_659 : i32
      "tpu.region"() ({
        %run_scoped3A = tpu.sem_alloc : memref<!tpu.dma_semaphore, #tpu.memory_space<semaphore_mem>>
        %dma_start3A = arith.constant 0 : i32
        %dma_start3A_660 = arith.constant 0 : i32
        %dma_start3A_661 = tpu.memref_slice %arg13[%dma_start3A, %dma_start3A_660] : memref<80x96xf32, #tpu.memory_space<vmem>> -> memref<8x96xf32, #tpu.memory_space<vmem>>
        %dma_start3A_662 = arith.constant 0 : i32
        %dma_start3A_663 = tpu.memref_slice %arg15[%add3A, %dma_start3A_662] : memref<10000x96xf32, #tpu.memory_space<vmem_shared>> -> memref<8x96xf32, #tpu.memory_space<vmem_shared>>
        %dma_start3A_664 = arith.constant 0 : i32
        %dma_start3A_665 = tpu.memref_slice %arg15[%add3A, %dma_start3A_664] : memref<10000x96xf32, #tpu.memory_space<vmem_shared>> -> memref<8x96xf32, #tpu.memory_space<vmem_shared>>
        %dma_start3A_666 = arith.constant 0 : i32
        %dma_start3A_667 = arith.constant 0 : i32
        %dma_start3A_668 = tpu.memref_slice %arg13[%dma_start3A_666, %dma_start3A_667] : memref<80x96xf32, #tpu.memory_space<vmem>> -> memref<8x96xf32, #tpu.memory_space<vmem>>
        tpu.enqueue_dma source(%dma_start3A_668 : memref<8x96xf32, #tpu.memory_space<vmem>>) target(%dma_start3A_665 : memref<8x96xf32, #tpu.memory_space<vmem_shared>>) target_semaphore(%run_scoped3A : memref<!tpu.dma_semaphore, #tpu.memory_space<semaphore_mem>>)
        %dma_wait3A = arith.constant 0 : i32
        %dma_wait3A_669 = arith.constant 0 : i32
        %dma_wait3A_670 = tpu.memref_slice %arg13[%dma_wait3A, %dma_wait3A_669] : memref<80x96xf32, #tpu.memory_space<vmem>> -> memref<8x96xf32, #tpu.memory_space<vmem>>
        %dma_wait3A_671 = arith.constant 0 : i32
        %dma_wait3A_672 = tpu.memref_slice %arg15[%add3A, %dma_wait3A_671] : memref<10000x96xf32, #tpu.memory_space<vmem_shared>> -> memref<8x96xf32, #tpu.memory_space<vmem_shared>>
        %dma_wait3A_673 = arith.constant 0 : i32
        %dma_wait3A_674 = tpu.memref_slice %arg15[%add3A, %dma_wait3A_673] : memref<10000x96xf32, #tpu.memory_space<vmem_shared>> -> memref<8x96xf32, #tpu.memory_space<vmem_shared>>
        %dma_wait3A_675 = arith.constant 0 : i32
        %dma_wait3A_676 = arith.constant 0 : i32
        %dma_wait3A_677 = tpu.memref_slice %arg13[%dma_wait3A_675, %dma_wait3A_676] : memref<80x96xf32, #tpu.memory_space<vmem>> -> memref<8x96xf32, #tpu.memory_space<vmem>>
        tpu.wait_dma2 semaphore(%run_scoped3A : memref<!tpu.dma_semaphore, #tpu.memory_space<semaphore_mem>>) src(%dma_wait3A_677 : memref<8x96xf32, #tpu.memory_space<vmem>>) dst(%dma_wait3A_674 : memref<8x96xf32, #tpu.memory_space<vmem_shared>>)
        tpu.yield
      }) : () -> ()
    }
    %barrier3A_629 = arith.constant 0 : index
    tpu.barrier barrier_id(%barrier3A_629)
    %scan3A_630 = arith.constant 0 : i32
    %scan3A_631 = arith.constant 0 : i32
    %scan3A_632 = arith.constant 125 : i32
    %scan3A_633 = arith.addi %scan3A_631, %scan3A_632 : i32
    %scan3A_634 = arith.constant 1 : i32
    scf.for %scan3A_657 = %scan3A_631 to %scan3A_633 step %scan3A_634  : i32 {
      %mul3A_658 = arith.constant 80 : i32
      %mul3A_659 = arith.muli %scan3A_657, %mul3A_658 : i32
      %add3A = arith.addi %mul3A_19, %mul3A_659 : i32
      "tpu.region"() ({
        %run_scoped3A = tpu.sem_alloc : memref<!tpu.dma_semaphore, #tpu.memory_space<semaphore_mem>>
        %dma_start3A_697 = tpu.memref_slice %arg4[%add3A] : memref<160000xi32, #tpu.memory_space<hbm>> -> memref<80xi32, #tpu.memory_space<hbm>>
        %dma_start3A_698 = tpu.memref_slice %arg4[%add3A] : memref<160000xi32, #tpu.memory_space<hbm>> -> memref<80xi32, #tpu.memory_space<hbm>>
        tpu.enqueue_dma source(%dma_start3A_698 : memref<80xi32, #tpu.memory_space<hbm>>) target(%arg8 : memref<80xi32, #tpu.memory_space<vmem>>) target_semaphore(%run_scoped3A : memref<!tpu.dma_semaphore, #tpu.memory_space<semaphore_mem>>)
        %dma_wait3A_699 = tpu.memref_slice %arg4[%add3A] : memref<160000xi32, #tpu.memory_space<hbm>> -> memref<80xi32, #tpu.memory_space<hbm>>
        %dma_wait3A_700 = tpu.memref_slice %arg4[%add3A] : memref<160000xi32, #tpu.memory_space<hbm>> -> memref<80xi32, #tpu.memory_space<hbm>>
        tpu.wait_dma2 semaphore(%run_scoped3A : memref<!tpu.dma_semaphore, #tpu.memory_space<semaphore_mem>>) src(%dma_wait3A_700 : memref<80xi32, #tpu.memory_space<hbm>>) dst(%arg8 : memref<80xi32, #tpu.memory_space<vmem>>)
        tpu.yield
      }) : () -> ()
      "tpu.region"() ({
        %run_scoped3A = tpu.sem_alloc : memref<!tpu.dma_semaphore, #tpu.memory_space<semaphore_mem>>
        %dma_start3A_697 = tpu.memref_slice %arg5[%add3A] : memref<160000xi32, #tpu.memory_space<hbm>> -> memref<80xi32, #tpu.memory_space<hbm>>
        %dma_start3A_698 = tpu.memref_slice %arg5[%add3A] : memref<160000xi32, #tpu.memory_space<hbm>> -> memref<80xi32, #tpu.memory_space<hbm>>
        tpu.enqueue_dma source(%dma_start3A_698 : memref<80xi32, #tpu.memory_space<hbm>>) target(%arg10 : memref<80xi32, #tpu.memory_space<vmem>>) target_semaphore(%run_scoped3A : memref<!tpu.dma_semaphore, #tpu.memory_space<semaphore_mem>>)
        %dma_wait3A_699 = tpu.memref_slice %arg5[%add3A] : memref<160000xi32, #tpu.memory_space<hbm>> -> memref<80xi32, #tpu.memory_space<hbm>>
        %dma_wait3A_700 = tpu.memref_slice %arg5[%add3A] : memref<160000xi32, #tpu.memory_space<hbm>> -> memref<80xi32, #tpu.memory_space<hbm>>
        tpu.wait_dma2 semaphore(%run_scoped3A : memref<!tpu.dma_semaphore, #tpu.memory_space<semaphore_mem>>) src(%dma_wait3A_700 : memref<80xi32, #tpu.memory_space<hbm>>) dst(%arg10 : memref<80xi32, #tpu.memory_space<vmem>>)
        tpu.yield
      }) : () -> ()
      %mul3A_660 = arith.constant 2 : i32
      %mul3A_661 = arith.muli %arg0, %mul3A_660 : i32
      %add3A_662 = arith.constant 1 : i32
      %add3A_663 = arith.addi %mul3A_661, %add3A_662 : i32
      %mul3A_664 = arith.constant 10000 : i32
      %mul3A_665 = arith.muli %add3A_663, %mul3A_664 : i32
      %scan3A_666 = arith.constant 0 : i32
      %scan3A_667 = arith.constant 0 : i32
      %scan3A_668 = arith.constant 5 : i32
      %scan3A_669 = arith.addi %scan3A_667, %scan3A_668 : i32
      %scan3A_670 = arith.constant 1 : i32
      scf.for %scan3A_697 = %scan3A_667 to %scan3A_669 step %scan3A_670  : i32 {
        %mul3A_698 = arith.constant 16 : i32
        %mul3A_699 = arith.muli %scan3A_697, %mul3A_698 : i32
        %get3A = arith.index_cast %mul3A_699 : i32 to index
        %get3A_700 = tpu.vector_load %arg8[%get3A] {strides = array<i32>} : memref<80xi32, #tpu.memory_space<vmem>>, vector<16xi32>,
        %get3A_701 = vector.shape_cast %get3A_700 : vector<16xi32> to vector<16xi32>
        %add3A_702 = vector.broadcast %mul3A_665 : i32 to vector<16xi32>
        %add3A_703 = arith.addi %get3A_701, %add3A_702 : vector<16xi32>
        %swap3A_704 = arith.index_cast %mul3A_699 : i32 to index
        %swap3A_705 = tpu.vector_load %arg9[%swap3A_704] {strides = array<i32>} : memref<80xi32, #tpu.memory_space<vmem>>, vector<16xi32>,
        %swap3A_706 = vector.shape_cast %swap3A_705 : vector<16xi32> to vector<16xi32>
        %swap3A_707 = vector.shape_cast %add3A_703 : vector<16xi32> to vector<16xi32>
        tpu.vector_store %arg9[%swap3A_704], %swap3A_707 {strides = array<i32>} : memref<80xi32, #tpu.memory_space<vmem>>, vector<16xi32>,
      }
      %scan3A_671 = arith.constant 5 : i32
      %dma_start3A = arith.constant 0 : i32
      %dma_start3A_672 = arith.constant 0 : i32
      %dma_start3A_673 = tpu.memref_slice %arg2[%dma_start3A, %dma_start3A_672] : memref<40000x224xf32, #tpu.memory_space<hbm>> -> memref<40000x224xf32, #tpu.memory_space<hbm>>
      tpu.enqueue_indirect_dma source(%dma_start3A_673 : memref<40000x224xf32, #tpu.memory_space<hbm>>) target(%arg11 : memref<80x224xf32, #tpu.memory_space<vmem>>) offsets(%arg9 : memref<80xi32, #tpu.memory_space<vmem>>) semaphore(%arg17 : memref<!tpu.dma_semaphore, #tpu.memory_space<semaphore_mem>>)
      %mul3A_674 = arith.constant 2 : i32
      %mul3A_675 = arith.muli %arg0, %mul3A_674 : i32
      %add3A_676 = arith.constant 1 : i32
      %add3A_677 = arith.addi %mul3A_675, %add3A_676 : i32
      %mul3A_678 = arith.constant 160000 : i32
      %mul3A_679 = arith.muli %add3A_677, %mul3A_678 : i32
      %add3A_680 = arith.addi %mul3A_679, %add3A : i32
      %dma_start3A_681 = arith.constant 0 : i32
      %dma_start3A_682 = tpu.memref_slice %arg3[%add3A_680, %dma_start3A_681] : memref<640000x224xf32, #tpu.memory_space<hbm>> -> memref<80x224xf32, #tpu.memory_space<hbm>>
      %dma_start3A_683 = arith.constant 0 : i32
      %dma_start3A_684 = tpu.memref_slice %arg3[%add3A_680, %dma_start3A_683] : memref<640000x224xf32, #tpu.memory_space<hbm>> -> memref<80x224xf32, #tpu.memory_space<hbm>>
      tpu.enqueue_dma source(%dma_start3A_684 : memref<80x224xf32, #tpu.memory_space<hbm>>) target(%arg12 : memref<80x224xf32, #tpu.memory_space<vmem>>) target_semaphore(%arg18 : memref<!tpu.dma_semaphore, #tpu.memory_space<semaphore_mem>>)
      %dma_wait3A = arith.constant 0 : i32
      %dma_wait3A_685 = arith.constant 0 : i32
      %dma_wait3A_686 = tpu.memref_slice %arg2[%dma_wait3A, %dma_wait3A_685] : memref<40000x224xf32, #tpu.memory_space<hbm>> -> memref<40000x224xf32, #tpu.memory_space<hbm>>
      tpu.wait_indirect_dma semaphore(%arg17 : memref<!tpu.dma_semaphore, #tpu.memory_space<semaphore_mem>>) src(%dma_wait3A_686 : memref<40000x224xf32, #tpu.memory_space<hbm>>) dst(%arg11 : memref<80x224xf32, #tpu.memory_space<vmem>>)
      %dma_wait3A_687 = arith.constant 0 : i32
      %dma_wait3A_688 = tpu.memref_slice %arg3[%add3A_680, %dma_wait3A_687] : memref<640000x224xf32, #tpu.memory_space<hbm>> -> memref<80x224xf32, #tpu.memory_space<hbm>>
      %dma_wait3A_689 = arith.constant 0 : i32
      %dma_wait3A_690 = tpu.memref_slice %arg3[%add3A_680, %dma_wait3A_689] : memref<640000x224xf32, #tpu.memory_space<hbm>> -> memref<80x224xf32, #tpu.memory_space<hbm>>
      tpu.wait_dma2 semaphore(%arg18 : memref<!tpu.dma_semaphore, #tpu.memory_space<semaphore_mem>>) src(%dma_wait3A_690 : memref<80x224xf32, #tpu.memory_space<hbm>>) dst(%arg12 : memref<80x224xf32, #tpu.memory_space<vmem>>)
      %scan3A_691 = arith.constant 0 : i32
      %scan3A_692 = arith.constant 0 : i32
      %scan3A_693 = arith.constant 80 : i32
      %scan3A_694 = arith.addi %scan3A_692, %scan3A_693 : i32
      %scan3A_695 = arith.constant 1 : i32
      scf.for %scan3A_697 = %scan3A_692 to %scan3A_694 step %scan3A_695  : i32 {
        %get3A = arith.index_cast %scan3A_697 : i32 to index
        %get3A_698 = arith.constant 0 : index
        %get3A_699 = tpu.vector_load %arg11[%get3A, %get3A_698] {strides = array<i32>} : memref<80x224xf32, #tpu.memory_space<vmem>>, vector<1x16xf32>,
        %get3A_700 = vector.shape_cast %get3A_699 : vector<1x16xf32> to vector<16xf32>
        %get3A_701 = arith.index_cast %scan3A_697 : i32 to index
        %get3A_702 = arith.constant 0 : index
        %get3A_703 = tpu.vector_load %arg12[%get3A_701, %get3A_702] {strides = array<i32>} : memref<80x224xf32, #tpu.memory_space<vmem>>, vector<1x16xf32>,
        %get3A_704 = vector.shape_cast %get3A_703 : vector<1x16xf32> to vector<16xf32>
        %mul3A_705 = arith.mulf %get3A_700, %get3A_704 : vector<16xf32>
        %get3A_706 = arith.index_cast %scan3A_697 : i32 to index
        %get3A_707 = arith.constant 96 : index
        %get3A_708 = tpu.vector_load %arg11[%get3A_706, %get3A_707] {strides = array<i32>} : memref<80x224xf32, #tpu.memory_space<vmem>>, vector<1x16xf32>,
        %get3A_709 = vector.shape_cast %get3A_708 : vector<1x16xf32> to vector<16xf32>
        %get3A_710 = arith.index_cast %scan3A_697 : i32 to index
        %get3A_711 = arith.constant 96 : index
        %get3A_712 = tpu.vector_load %arg12[%get3A_710, %get3A_711] {strides = array<i32>} : memref<80x224xf32, #tpu.memory_space<vmem>>, vector<1x16xf32>,
        %get3A_713 = vector.shape_cast %get3A_712 : vector<1x16xf32> to vector<16xf32>
        %mul3A_714 = arith.mulf %get3A_709, %get3A_713 : vector<16xf32>
        %add3A_715 = arith.addf %mul3A_705, %mul3A_714 : vector<16xf32>
        %swap3A_716 = arith.index_cast %scan3A_697 : i32 to index
        %swap3A_717 = arith.constant 0 : index
        %swap3A_718 = tpu.vector_load %arg13[%swap3A_716, %swap3A_717] {strides = array<i32>} : memref<80x96xf32, #tpu.memory_space<vmem>>, vector<1x16xf32>,
        %swap3A_719 = vector.shape_cast %swap3A_718 : vector<1x16xf32> to vector<16xf32>
        %swap3A_720 = vector.shape_cast %add3A_715 : vector<16xf32> to vector<1x16xf32>
        tpu.vector_store %arg13[%swap3A_716, %swap3A_717], %swap3A_720 {strides = array<i32>} : memref<80x96xf32, #tpu.memory_space<vmem>>, vector<1x16xf32>,
        %get3A_721 = arith.index_cast %scan3A_697 : i32 to index
        %get3A_722 = arith.constant 16 : index
        %get3A_723 = tpu.vector_load %arg11[%get3A_721, %get3A_722] {strides = array<i32>} : memref<80x224xf32, #tpu.memory_space<vmem>>, vector<1x16xf32>,
        %get3A_724 = vector.shape_cast %get3A_723 : vector<1x16xf32> to vector<16xf32>
        %get3A_725 = arith.index_cast %scan3A_697 : i32 to index
        %get3A_726 = arith.constant 16 : index
        %get3A_727 = tpu.vector_load %arg12[%get3A_725, %get3A_726] {strides = array<i32>} : memref<80x224xf32, #tpu.memory_space<vmem>>, vector<1x16xf32>,
        %get3A_728 = vector.shape_cast %get3A_727 : vector<1x16xf32> to vector<16xf32>
        %mul3A_729 = arith.mulf %get3A_724, %get3A_728 : vector<16xf32>
        %get3A_730 = arith.index_cast %scan3A_697 : i32 to index
        %get3A_731 = arith.constant 112 : index
        %get3A_732 = tpu.vector_load %arg11[%get3A_730, %get3A_731] {strides = array<i32>} : memref<80x224xf32, #tpu.memory_space<vmem>>, vector<1x16xf32>,
        %get3A_733 = vector.shape_cast %get3A_732 : vector<1x16xf32> to vector<16xf32>
        %get3A_734 = arith.index_cast %scan3A_697 : i32 to index
        %get3A_735 = arith.constant 112 : index
        %get3A_736 = tpu.vector_load %arg12[%get3A_734, %get3A_735] {strides = array<i32>} : memref<80x224xf32, #tpu.memory_space<vmem>>, vector<1x16xf32>,
        %get3A_737 = vector.shape_cast %get3A_736 : vector<1x16xf32> to vector<16xf32>
        %mul3A_738 = arith.mulf %get3A_733, %get3A_737 : vector<16xf32>
        %add3A_739 = arith.addf %mul3A_729, %mul3A_738 : vector<16xf32>
        %swap3A_740 = arith.index_cast %scan3A_697 : i32 to index
        %swap3A_741 = arith.constant 16 : index
        %swap3A_742 = tpu.vector_load %arg13[%swap3A_740, %swap3A_741] {strides = array<i32>} : memref<80x96xf32, #tpu.memory_space<vmem>>, vector<1x16xf32>,
        %swap3A_743 = vector.shape_cast %swap3A_742 : vector<1x16xf32> to vector<16xf32>
        %swap3A_744 = vector.shape_cast %add3A_739 : vector<16xf32> to vector<1x16xf32>
        tpu.vector_store %arg13[%swap3A_740, %swap3A_741], %swap3A_744 {strides = array<i32>} : memref<80x96xf32, #tpu.memory_space<vmem>>, vector<1x16xf32>,
        %get3A_745 = arith.index_cast %scan3A_697 : i32 to index
        %get3A_746 = arith.constant 32 : index
        %get3A_747 = tpu.vector_load %arg11[%get3A_745, %get3A_746] {strides = array<i32>} : memref<80x224xf32, #tpu.memory_space<vmem>>, vector<1x16xf32>,
        %get3A_748 = vector.shape_cast %get3A_747 : vector<1x16xf32> to vector<16xf32>
        %get3A_749 = arith.index_cast %scan3A_697 : i32 to index
        %get3A_750 = arith.constant 32 : index
        %get3A_751 = tpu.vector_load %arg12[%get3A_749, %get3A_750] {strides = array<i32>} : memref<80x224xf32, #tpu.memory_space<vmem>>, vector<1x16xf32>,
        %get3A_752 = vector.shape_cast %get3A_751 : vector<1x16xf32> to vector<16xf32>
        %mul3A_753 = arith.mulf %get3A_748, %get3A_752 : vector<16xf32>
        %get3A_754 = arith.index_cast %scan3A_697 : i32 to index
        %get3A_755 = arith.constant 128 : index
        %get3A_756 = tpu.vector_load %arg11[%get3A_754, %get3A_755] {strides = array<i32>} : memref<80x224xf32, #tpu.memory_space<vmem>>, vector<1x16xf32>,
        %get3A_757 = vector.shape_cast %get3A_756 : vector<1x16xf32> to vector<16xf32>
        %get3A_758 = arith.index_cast %scan3A_697 : i32 to index
        %get3A_759 = arith.constant 128 : index
        %get3A_760 = tpu.vector_load %arg12[%get3A_758, %get3A_759] {strides = array<i32>} : memref<80x224xf32, #tpu.memory_space<vmem>>, vector<1x16xf32>,
        %get3A_761 = vector.shape_cast %get3A_760 : vector<1x16xf32> to vector<16xf32>
        %mul3A_762 = arith.mulf %get3A_757, %get3A_761 : vector<16xf32>
        %add3A_763 = arith.addf %mul3A_753, %mul3A_762 : vector<16xf32>
        %swap3A_764 = arith.index_cast %scan3A_697 : i32 to index
        %swap3A_765 = arith.constant 32 : index
        %swap3A_766 = tpu.vector_load %arg13[%swap3A_764, %swap3A_765] {strides = array<i32>} : memref<80x96xf32, #tpu.memory_space<vmem>>, vector<1x16xf32>,
        %swap3A_767 = vector.shape_cast %swap3A_766 : vector<1x16xf32> to vector<16xf32>
        %swap3A_768 = vector.shape_cast %add3A_763 : vector<16xf32> to vector<1x16xf32>
        tpu.vector_store %arg13[%swap3A_764, %swap3A_765], %swap3A_768 {strides = array<i32>} : memref<80x96xf32, #tpu.memory_space<vmem>>, vector<1x16xf32>,
        %get3A_769 = arith.index_cast %scan3A_697 : i32 to index
        %get3A_770 = arith.constant 48 : index
        %get3A_771 = tpu.vector_load %arg11[%get3A_769, %get3A_770] {strides = array<i32>} : memref<80x224xf32, #tpu.memory_space<vmem>>, vector<1x16xf32>,
        %get3A_772 = vector.shape_cast %get3A_771 : vector<1x16xf32> to vector<16xf32>
        %get3A_773 = arith.index_cast %scan3A_697 : i32 to index
        %get3A_774 = arith.constant 48 : index
        %get3A_775 = tpu.vector_load %arg12[%get3A_773, %get3A_774] {strides = array<i32>} : memref<80x224xf32, #tpu.memory_space<vmem>>, vector<1x16xf32>,
        %get3A_776 = vector.shape_cast %get3A_775 : vector<1x16xf32> to vector<16xf32>
        %mul3A_777 = arith.mulf %get3A_772, %get3A_776 : vector<16xf32>
        %get3A_778 = arith.index_cast %scan3A_697 : i32 to index
        %get3A_779 = arith.constant 144 : index
        %get3A_780 = tpu.vector_load %arg11[%get3A_778, %get3A_779] {strides = array<i32>} : memref<80x224xf32, #tpu.memory_space<vmem>>, vector<1x16xf32>,
        %get3A_781 = vector.shape_cast %get3A_780 : vector<1x16xf32> to vector<16xf32>
        %get3A_782 = arith.index_cast %scan3A_697 : i32 to index
        %get3A_783 = arith.constant 144 : index
        %get3A_784 = tpu.vector_load %arg12[%get3A_782, %get3A_783] {strides = array<i32>} : memref<80x224xf32, #tpu.memory_space<vmem>>, vector<1x16xf32>,
        %get3A_785 = vector.shape_cast %get3A_784 : vector<1x16xf32> to vector<16xf32>
        %mul3A_786 = arith.mulf %get3A_781, %get3A_785 : vector<16xf32>
        %add3A_787 = arith.addf %mul3A_777, %mul3A_786 : vector<16xf32>
        %swap3A_788 = arith.index_cast %scan3A_697 : i32 to index
        %swap3A_789 = arith.constant 48 : index
        %swap3A_790 = tpu.vector_load %arg13[%swap3A_788, %swap3A_789] {strides = array<i32>} : memref<80x96xf32, #tpu.memory_space<vmem>>, vector<1x16xf32>,
        %swap3A_791 = vector.shape_cast %swap3A_790 : vector<1x16xf32> to vector<16xf32>
        %swap3A_792 = vector.shape_cast %add3A_787 : vector<16xf32> to vector<1x16xf32>
        tpu.vector_store %arg13[%swap3A_788, %swap3A_789], %swap3A_792 {strides = array<i32>} : memref<80x96xf32, #tpu.memory_space<vmem>>, vector<1x16xf32>,
        %get3A_793 = arith.index_cast %scan3A_697 : i32 to index
        %get3A_794 = arith.constant 64 : index
        %get3A_795 = tpu.vector_load %arg11[%get3A_793, %get3A_794] {strides = array<i32>} : memref<80x224xf32, #tpu.memory_space<vmem>>, vector<1x16xf32>,
        %get3A_796 = vector.shape_cast %get3A_795 : vector<1x16xf32> to vector<16xf32>
        %get3A_797 = arith.index_cast %scan3A_697 : i32 to index
        %get3A_798 = arith.constant 64 : index
        %get3A_799 = tpu.vector_load %arg12[%get3A_797, %get3A_798] {strides = array<i32>} : memref<80x224xf32, #tpu.memory_space<vmem>>, vector<1x16xf32>,
        %get3A_800 = vector.shape_cast %get3A_799 : vector<1x16xf32> to vector<16xf32>
        %mul3A_801 = arith.mulf %get3A_796, %get3A_800 : vector<16xf32>
        %get3A_802 = arith.index_cast %scan3A_697 : i32 to index
        %get3A_803 = arith.constant 160 : index
        %get3A_804 = tpu.vector_load %arg11[%get3A_802, %get3A_803] {strides = array<i32>} : memref<80x224xf32, #tpu.memory_space<vmem>>, vector<1x16xf32>,
        %get3A_805 = vector.shape_cast %get3A_804 : vector<1x16xf32> to vector<16xf32>
        %get3A_806 = arith.index_cast %scan3A_697 : i32 to index
        %get3A_807 = arith.constant 160 : index
        %get3A_808 = tpu.vector_load %arg12[%get3A_806, %get3A_807] {strides = array<i32>} : memref<80x224xf32, #tpu.memory_space<vmem>>, vector<1x16xf32>,
        %get3A_809 = vector.shape_cast %get3A_808 : vector<1x16xf32> to vector<16xf32>
        %mul3A_810 = arith.mulf %get3A_805, %get3A_809 : vector<16xf32>
        %add3A_811 = arith.addf %mul3A_801, %mul3A_810 : vector<16xf32>
        %swap3A_812 = arith.index_cast %scan3A_697 : i32 to index
        %swap3A_813 = arith.constant 64 : index
        %swap3A_814 = tpu.vector_load %arg13[%swap3A_812, %swap3A_813] {strides = array<i32>} : memref<80x96xf32, #tpu.memory_space<vmem>>, vector<1x16xf32>,
        %swap3A_815 = vector.shape_cast %swap3A_814 : vector<1x16xf32> to vector<16xf32>
        %swap3A_816 = vector.shape_cast %add3A_811 : vector<16xf32> to vector<1x16xf32>
        tpu.vector_store %arg13[%swap3A_812, %swap3A_813], %swap3A_816 {strides = array<i32>} : memref<80x96xf32, #tpu.memory_space<vmem>>, vector<1x16xf32>,
        %get3A_817 = arith.index_cast %scan3A_697 : i32 to index
        %get3A_818 = arith.constant 80 : index
        %get3A_819 = tpu.vector_load %arg11[%get3A_817, %get3A_818] {strides = array<i32>} : memref<80x224xf32, #tpu.memory_space<vmem>>, vector<1x16xf32>,
        %get3A_820 = vector.shape_cast %get3A_819 : vector<1x16xf32> to vector<16xf32>
        %get3A_821 = arith.index_cast %scan3A_697 : i32 to index
        %get3A_822 = arith.constant 80 : index
        %get3A_823 = tpu.vector_load %arg12[%get3A_821, %get3A_822] {strides = array<i32>} : memref<80x224xf32, #tpu.memory_space<vmem>>, vector<1x16xf32>,
        %get3A_824 = vector.shape_cast %get3A_823 : vector<1x16xf32> to vector<16xf32>
        %mul3A_825 = arith.mulf %get3A_820, %get3A_824 : vector<16xf32>
        %get3A_826 = arith.index_cast %scan3A_697 : i32 to index
        %get3A_827 = arith.constant 176 : index
        %get3A_828 = tpu.vector_load %arg11[%get3A_826, %get3A_827] {strides = array<i32>} : memref<80x224xf32, #tpu.memory_space<vmem>>, vector<1x16xf32>,
        %get3A_829 = vector.shape_cast %get3A_828 : vector<1x16xf32> to vector<16xf32>
        %get3A_830 = arith.index_cast %scan3A_697 : i32 to index
        %get3A_831 = arith.constant 176 : index
        %get3A_832 = tpu.vector_load %arg12[%get3A_830, %get3A_831] {strides = array<i32>} : memref<80x224xf32, #tpu.memory_space<vmem>>, vector<1x16xf32>,
        %get3A_833 = vector.shape_cast %get3A_832 : vector<1x16xf32> to vector<16xf32>
        %mul3A_834 = arith.mulf %get3A_829, %get3A_833 : vector<16xf32>
        %add3A_835 = arith.addf %mul3A_825, %mul3A_834 : vector<16xf32>
        %swap3A_836 = arith.index_cast %scan3A_697 : i32 to index
        %swap3A_837 = arith.constant 80 : index
        %swap3A_838 = tpu.vector_load %arg13[%swap3A_836, %swap3A_837] {strides = array<i32>} : memref<80x96xf32, #tpu.memory_space<vmem>>, vector<1x16xf32>,
        %swap3A_839 = vector.shape_cast %swap3A_838 : vector<1x16xf32> to vector<16xf32>
        %swap3A_840 = vector.shape_cast %add3A_835 : vector<16xf32> to vector<1x16xf32>
        tpu.vector_store %arg13[%swap3A_836, %swap3A_837], %swap3A_840 {strides = array<i32>} : memref<80x96xf32, #tpu.memory_space<vmem>>, vector<1x16xf32>,
        %broadcast_in_dim3A_841 = arith.constant 0.000000e+00 : f32
        %broadcast_in_dim3A_842 = vector.broadcast %broadcast_in_dim3A_841 : f32 to vector<16xf32>
        %get3A_843 = arith.index_cast %scan3A_697 : i32 to index
        %get3A_844 = arith.constant 192 : index
        %get3A_845 = tpu.vector_load %arg11[%get3A_843, %get3A_844] {strides = array<i32>} : memref<80x224xf32, #tpu.memory_space<vmem>>, vector<1x16xf32>,
        %get3A_846 = vector.shape_cast %get3A_845 : vector<1x16xf32> to vector<16xf32>
        %get3A_847 = arith.index_cast %scan3A_697 : i32 to index
        %get3A_848 = arith.constant 192 : index
        %get3A_849 = tpu.vector_load %arg12[%get3A_847, %get3A_848] {strides = array<i32>} : memref<80x224xf32, #tpu.memory_space<vmem>>, vector<1x16xf32>,
        %get3A_850 = vector.shape_cast %get3A_849 : vector<1x16xf32> to vector<16xf32>
        %mul3A_851 = arith.mulf %get3A_846, %get3A_850 : vector<16xf32>
        %add3A_852 = arith.addf %broadcast_in_dim3A_842, %mul3A_851 : vector<16xf32>
        %get3A_853 = arith.index_cast %scan3A_697 : i32 to index
        %get3A_854 = arith.constant 208 : index
        %get3A_855 = tpu.vector_load %arg11[%get3A_853, %get3A_854] {strides = array<i32>} : memref<80x224xf32, #tpu.memory_space<vmem>>, vector<1x16xf32>,
        %get3A_856 = vector.shape_cast %get3A_855 : vector<1x16xf32> to vector<16xf32>
        %get3A_857 = arith.index_cast %scan3A_697 : i32 to index
        %get3A_858 = arith.constant 208 : index
        %get3A_859 = tpu.vector_load %arg12[%get3A_857, %get3A_858] {strides = array<i32>} : memref<80x224xf32, #tpu.memory_space<vmem>>, vector<1x16xf32>,
        %get3A_860 = vector.shape_cast %get3A_859 : vector<1x16xf32> to vector<16xf32>
        %mul3A_861 = arith.mulf %get3A_856, %get3A_860 : vector<16xf32>
        %add3A_862 = arith.addf %add3A_852, %mul3A_861 : vector<16xf32>
        %swap3A_863 = arith.index_cast %scan3A_697 : i32 to index
        %swap3A_864 = arith.constant 0 : index
        %swap3A_865 = tpu.vector_load %arg14[%swap3A_863, %swap3A_864] {strides = array<i32>} : memref<80x16xf32, #tpu.memory_space<vmem>>, vector<1x16xf32>,
        %swap3A_866 = vector.shape_cast %swap3A_865 : vector<1x16xf32> to vector<16xf32>
        %swap3A_867 = vector.shape_cast %add3A_862 : vector<16xf32> to vector<1x16xf32>
        tpu.vector_store %arg14[%swap3A_863, %swap3A_864], %swap3A_867 {strides = array<i32>} : memref<80x16xf32, #tpu.memory_space<vmem>>, vector<1x16xf32>,
      }
      %scan3A_696 = arith.constant 80 : i32
      "tpu.region"() ({
        %run_scoped3A = tpu.sem_alloc : memref<!tpu.dma_semaphore, #tpu.memory_space<semaphore_mem>>
        %dma_start3A_697 = arith.constant 0 : i32
        %dma_start3A_698 = arith.constant 0 : i32
        %dma_start3A_699 = tpu.memref_slice %arg15[%dma_start3A_697, %dma_start3A_698] : memref<10000x96xf32, #tpu.memory_space<vmem_shared>> -> memref<10000x96xf32, #tpu.memory_space<vmem_shared>>
        tpu.enqueue_indirect_dma source(%arg13 : memref<80x96xf32, #tpu.memory_space<vmem>>) target(%dma_start3A_699 : memref<10000x96xf32, #tpu.memory_space<vmem_shared>>) offsets(%arg10 : memref<80xi32, #tpu.memory_space<vmem>>) semaphore(%run_scoped3A : memref<!tpu.dma_semaphore, #tpu.memory_space<semaphore_mem>>) {add = true}
        %dma_wait3A_700 = arith.constant 0 : i32
        %dma_wait3A_701 = arith.constant 0 : i32
        %dma_wait3A_702 = tpu.memref_slice %arg15[%dma_wait3A_700, %dma_wait3A_701] : memref<10000x96xf32, #tpu.memory_space<vmem_shared>> -> memref<10000x96xf32, #tpu.memory_space<vmem_shared>>
        tpu.wait_indirect_dma semaphore(%run_scoped3A : memref<!tpu.dma_semaphore, #tpu.memory_space<semaphore_mem>>) src(%arg13 : memref<80x96xf32, #tpu.memory_space<vmem>>) dst(%dma_wait3A_702 : memref<10000x96xf32, #tpu.memory_space<vmem_shared>>)
        tpu.yield
      }) : () -> ()
      "tpu.region"() ({
        %run_scoped3A = tpu.sem_alloc : memref<!tpu.dma_semaphore, #tpu.memory_space<semaphore_mem>>
        %dma_start3A_697 = arith.constant 0 : i32
        %dma_start3A_698 = arith.constant 0 : i32
        %dma_start3A_699 = tpu.memref_slice %arg16[%dma_start3A_697, %dma_start3A_698] : memref<10000x16xf32, #tpu.memory_space<vmem_shared>> -> memref<10000x16xf32, #tpu.memory_space<vmem_shared>>
        tpu.enqueue_indirect_dma source(%arg14 : memref<80x16xf32, #tpu.memory_space<vmem>>) target(%dma_start3A_699 : memref<10000x16xf32, #tpu.memory_space<vmem_shared>>) offsets(%arg10 : memref<80xi32, #tpu.memory_space<vmem>>) semaphore(%run_scoped3A : memref<!tpu.dma_semaphore, #tpu.memory_space<semaphore_mem>>) {add = true}
        %dma_wait3A_700 = arith.constant 0 : i32
        %dma_wait3A_701 = arith.constant 0 : i32
        %dma_wait3A_702 = tpu.memref_slice %arg16[%dma_wait3A_700, %dma_wait3A_701] : memref<10000x16xf32, #tpu.memory_space<vmem_shared>> -> memref<10000x16xf32, #tpu.memory_space<vmem_shared>>
        tpu.wait_indirect_dma semaphore(%run_scoped3A : memref<!tpu.dma_semaphore, #tpu.memory_space<semaphore_mem>>) src(%arg14 : memref<80x16xf32, #tpu.memory_space<vmem>>) dst(%dma_wait3A_702 : memref<10000x16xf32, #tpu.memory_space<vmem_shared>>)
        tpu.yield
      }) : () -> ()
    }
    %scan3A_635 = arith.constant 125 : i32
    %barrier3A_636 = arith.constant 0 : index
    tpu.barrier barrier_id(%barrier3A_636)
    %ne3A_637 = arith.constant 15 : i32
    %ne3A_638 = arith.cmpi ne, %arg1, %ne3A_637 : i32
    %convert_element_type3A_639 = arith.extui %ne3A_638 : i1 to i32
    %cond3A_640 = arith.constant 0 : i32
    %cond3A_641 = arith.cmpi ne, %convert_element_type3A_639, %cond3A_640 : i32
    scf.if %cond3A_641 {
      %run_scoped3A = arith.constant 1 : i32
      "tpu.region"() ({
        %run_scoped3A_657 = tpu.sem_alloc : memref<!tpu.dma_semaphore, #tpu.memory_space<semaphore_mem>>
        %dma_start3A = arith.constant 0 : i32
        %dma_start3A_658 = tpu.memref_slice %arg6[%arg0, %run_scoped3A, %mul3A_0, %dma_start3A] : memref<2x2x10000x96xf32, #tpu.memory_space<hbm>> -> memref<1x1x632x96xf32, #tpu.memory_space<hbm>>
        %dma_start3A_659 = tpu.memref_squeeze %dma_start3A_658 : memref<1x1x632x96xf32, #tpu.memory_space<hbm>> -> memref<632x96xf32, #tpu.memory_space<hbm>>
        %dma_start3A_660 = arith.constant 0 : i32
        %dma_start3A_661 = tpu.memref_slice %arg15[%mul3A_0, %dma_start3A_660] : memref<10000x96xf32, #tpu.memory_space<vmem_shared>> -> memref<632x96xf32, #tpu.memory_space<vmem_shared>>
        tpu.enqueue_dma source(%dma_start3A_661 : memref<632x96xf32, #tpu.memory_space<vmem_shared>>) target(%dma_start3A_659 : memref<632x96xf32, #tpu.memory_space<hbm>>) target_semaphore(%run_scoped3A_657 : memref<!tpu.dma_semaphore, #tpu.memory_space<semaphore_mem>>)
        %dma_wait3A = arith.constant 0 : i32
        %dma_wait3A_662 = tpu.memref_slice %arg6[%arg0, %run_scoped3A, %mul3A_0, %dma_wait3A] : memref<2x2x10000x96xf32, #tpu.memory_space<hbm>> -> memref<1x1x632x96xf32, #tpu.memory_space<hbm>>
        %dma_wait3A_663 = tpu.memref_squeeze %dma_wait3A_662 : memref<1x1x632x96xf32, #tpu.memory_space<hbm>> -> memref<632x96xf32, #tpu.memory_space<hbm>>
        %dma_wait3A_664 = arith.constant 0 : i32
        %dma_wait3A_665 = tpu.memref_slice %arg15[%mul3A_0, %dma_wait3A_664] : memref<10000x96xf32, #tpu.memory_space<vmem_shared>> -> memref<632x96xf32, #tpu.memory_space<vmem_shared>>
        tpu.wait_dma2 semaphore(%run_scoped3A_657 : memref<!tpu.dma_semaphore, #tpu.memory_space<semaphore_mem>>) src(%dma_wait3A_665 : memref<632x96xf32, #tpu.memory_space<vmem_shared>>) dst(%dma_wait3A_663 : memref<632x96xf32, #tpu.memory_space<hbm>>)
        tpu.yield
      }) : () -> ()
    } else {
    }
    %eq3A_642 = arith.constant 15 : i32
    %eq3A_643 = arith.cmpi eq, %arg1, %eq3A_642 : i32
    %convert_element_type3A_644 = arith.extui %eq3A_643 : i1 to i32
    %cond3A_645 = arith.constant 0 : i32
    %cond3A_646 = arith.cmpi ne, %convert_element_type3A_644, %cond3A_645 : i32
    scf.if %cond3A_646 {
      %run_scoped3A = arith.constant 1 : i32
      "tpu.region"() ({
        %run_scoped3A_657 = tpu.sem_alloc : memref<!tpu.dma_semaphore, #tpu.memory_space<semaphore_mem>>
        %dma_start3A = arith.constant 9480 : i32
        %dma_start3A_658 = arith.constant 0 : i32
        %dma_start3A_659 = tpu.memref_slice %arg6[%arg0, %run_scoped3A, %dma_start3A, %dma_start3A_658] : memref<2x2x10000x96xf32, #tpu.memory_space<hbm>> -> memref<1x1x520x96xf32, #tpu.memory_space<hbm>>
        %dma_start3A_660 = tpu.memref_squeeze %dma_start3A_659 : memref<1x1x520x96xf32, #tpu.memory_space<hbm>> -> memref<520x96xf32, #tpu.memory_space<hbm>>
        %dma_start3A_661 = arith.constant 9480 : i32
        %dma_start3A_662 = arith.constant 0 : i32
        %dma_start3A_663 = tpu.memref_slice %arg15[%dma_start3A_661, %dma_start3A_662] : memref<10000x96xf32, #tpu.memory_space<vmem_shared>> -> memref<520x96xf32, #tpu.memory_space<vmem_shared>>
        tpu.enqueue_dma source(%dma_start3A_663 : memref<520x96xf32, #tpu.memory_space<vmem_shared>>) target(%dma_start3A_660 : memref<520x96xf32, #tpu.memory_space<hbm>>) target_semaphore(%run_scoped3A_657 : memref<!tpu.dma_semaphore, #tpu.memory_space<semaphore_mem>>)
        %dma_wait3A = arith.constant 9480 : i32
        %dma_wait3A_664 = arith.constant 0 : i32
        %dma_wait3A_665 = tpu.memref_slice %arg6[%arg0, %run_scoped3A, %dma_wait3A, %dma_wait3A_664] : memref<2x2x10000x96xf32, #tpu.memory_space<hbm>> -> memref<1x1x520x96xf32, #tpu.memory_space<hbm>>
        %dma_wait3A_666 = tpu.memref_squeeze %dma_wait3A_665 : memref<1x1x520x96xf32, #tpu.memory_space<hbm>> -> memref<520x96xf32, #tpu.memory_space<hbm>>
        %dma_wait3A_667 = arith.constant 9480 : i32
        %dma_wait3A_668 = arith.constant 0 : i32
        %dma_wait3A_669 = tpu.memref_slice %arg15[%dma_wait3A_667, %dma_wait3A_668] : memref<10000x96xf32, #tpu.memory_space<vmem_shared>> -> memref<520x96xf32, #tpu.memory_space<vmem_shared>>
        tpu.wait_dma2 semaphore(%run_scoped3A_657 : memref<!tpu.dma_semaphore, #tpu.memory_space<semaphore_mem>>) src(%dma_wait3A_669 : memref<520x96xf32, #tpu.memory_space<vmem_shared>>) dst(%dma_wait3A_666 : memref<520x96xf32, #tpu.memory_space<hbm>>)
        tpu.yield
      }) : () -> ()
    } else {
    }
    %ne3A_647 = arith.constant 15 : i32
    %ne3A_648 = arith.cmpi ne, %arg1, %ne3A_647 : i32
    %convert_element_type3A_649 = arith.extui %ne3A_648 : i1 to i32
    %cond3A_650 = arith.constant 0 : i32
    %cond3A_651 = arith.cmpi ne, %convert_element_type3A_649, %cond3A_650 : i32
    scf.if %cond3A_651 {
      "tpu.region"() ({
        %run_scoped3A = tpu.sem_alloc : memref<!tpu.dma_semaphore, #tpu.memory_space<semaphore_mem>>
        %dma_start3A = arith.constant 0 : i32
        %dma_start3A_657 = tpu.memref_slice %arg7[%arg0, %mul3A_0, %dma_start3A] : memref<2x10000x16xf32, #tpu.memory_space<hbm>> -> memref<1x632x16xf32, #tpu.memory_space<hbm>>
        %dma_start3A_658 = tpu.memref_squeeze %dma_start3A_657 : memref<1x632x16xf32, #tpu.memory_space<hbm>> -> memref<632x16xf32, #tpu.memory_space<hbm>>
        %dma_start3A_659 = arith.constant 0 : i32
        %dma_start3A_660 = tpu.memref_slice %arg16[%mul3A_0, %dma_start3A_659] : memref<10000x16xf32, #tpu.memory_space<vmem_shared>> -> memref<632x16xf32, #tpu.memory_space<vmem_shared>>
        tpu.enqueue_dma source(%dma_start3A_660 : memref<632x16xf32, #tpu.memory_space<vmem_shared>>) target(%dma_start3A_658 : memref<632x16xf32, #tpu.memory_space<hbm>>) target_semaphore(%run_scoped3A : memref<!tpu.dma_semaphore, #tpu.memory_space<semaphore_mem>>)
        %dma_wait3A = arith.constant 0 : i32
        %dma_wait3A_661 = tpu.memref_slice %arg7[%arg0, %mul3A_0, %dma_wait3A] : memref<2x10000x16xf32, #tpu.memory_space<hbm>> -> memref<1x632x16xf32, #tpu.memory_space<hbm>>
        %dma_wait3A_662 = tpu.memref_squeeze %dma_wait3A_661 : memref<1x632x16xf32, #tpu.memory_space<hbm>> -> memref<632x16xf32, #tpu.memory_space<hbm>>
        %dma_wait3A_663 = arith.constant 0 : i32
        %dma_wait3A_664 = tpu.memref_slice %arg16[%mul3A_0, %dma_wait3A_663] : memref<10000x16xf32, #tpu.memory_space<vmem_shared>> -> memref<632x16xf32, #tpu.memory_space<vmem_shared>>
        tpu.wait_dma2 semaphore(%run_scoped3A : memref<!tpu.dma_semaphore, #tpu.memory_space<semaphore_mem>>) src(%dma_wait3A_664 : memref<632x16xf32, #tpu.memory_space<vmem_shared>>) dst(%dma_wait3A_662 : memref<632x16xf32, #tpu.memory_space<hbm>>)
        tpu.yield
      }) : () -> ()
    } else {
    }
    %eq3A_652 = arith.constant 15 : i32
    %eq3A_653 = arith.cmpi eq, %arg1, %eq3A_652 : i32
    %convert_element_type3A_654 = arith.extui %eq3A_653 : i1 to i32
    %cond3A_655 = arith.constant 0 : i32
    %cond3A_656 = arith.cmpi ne, %convert_element_type3A_654, %cond3A_655 : i32
    scf.if %cond3A_656 {
      "tpu.region"() ({
        %run_scoped3A = tpu.sem_alloc : memref<!tpu.dma_semaphore, #tpu.memory_space<semaphore_mem>>
        %dma_start3A = arith.constant 9480 : i32
        %dma_start3A_657 = arith.constant 0 : i32
        %dma_start3A_658 = tpu.memref_slice %arg7[%arg0, %dma_start3A, %dma_start3A_657] : memref<2x10000x16xf32, #tpu.memory_space<hbm>> -> memref<1x520x16xf32, #tpu.memory_space<hbm>>
        %dma_start3A_659 = tpu.memref_squeeze %dma_start3A_658 : memref<1x520x16xf32, #tpu.memory_space<hbm>> -> memref<520x16xf32, #tpu.memory_space<hbm>>
        %dma_start3A_660 = arith.constant 9480 : i32
        %dma_start3A_661 = arith.constant 0 : i32
        %dma_start3A_662 = tpu.memref_slice %arg16[%dma_start3A_660, %dma_start3A_661] : memref<10000x16xf32, #tpu.memory_space<vmem_shared>> -> memref<520x16xf32, #tpu.memory_space<vmem_shared>>
        tpu.enqueue_dma source(%dma_start3A_662 : memref<520x16xf32, #tpu.memory_space<vmem_shared>>) target(%dma_start3A_659 : memref<520x16xf32, #tpu.memory_space<hbm>>) target_semaphore(%run_scoped3A : memref<!tpu.dma_semaphore, #tpu.memory_space<semaphore_mem>>)
        %dma_wait3A = arith.constant 9480 : i32
        %dma_wait3A_663 = arith.constant 0 : i32
        %dma_wait3A_664 = tpu.memref_slice %arg7[%arg0, %dma_wait3A, %dma_wait3A_663] : memref<2x10000x16xf32, #tpu.memory_space<hbm>> -> memref<1x520x16xf32, #tpu.memory_space<hbm>>
        %dma_wait3A_665 = tpu.memref_squeeze %dma_wait3A_664 : memref<1x520x16xf32, #tpu.memory_space<hbm>> -> memref<520x16xf32, #tpu.memory_space<hbm>>
        %dma_wait3A_666 = arith.constant 9480 : i32
        %dma_wait3A_667 = arith.constant 0 : i32
        %dma_wait3A_668 = tpu.memref_slice %arg16[%dma_wait3A_666, %dma_wait3A_667] : memref<10000x16xf32, #tpu.memory_space<vmem_shared>> -> memref<520x16xf32, #tpu.memory_space<vmem_shared>>
        tpu.wait_dma2 semaphore(%run_scoped3A : memref<!tpu.dma_semaphore, #tpu.memory_space<semaphore_mem>>) src(%dma_wait3A_668 : memref<520x16xf32, #tpu.memory_space<vmem_shared>>) dst(%dma_wait3A_665 : memref<520x16xf32, #tpu.memory_space<hbm>>)
        tpu.yield
      }) : () -> ()
    } else {
    }
    return
  }
}

module attributes {stable_mosaic.version = 14 : i64} {
  func.func @_edge_tables_body(%arg0: i32, %arg1: memref<3x1280xf32, #tpu.memory_space<vmem>>, %arg2: memref<20x896xf32, #tpu.memory_space<vmem>>, %arg3: memref<1x896xf32, #tpu.memory_space<vmem>>, %arg4: memref<3x384xf32, #tpu.memory_space<vmem>>, %arg5: memref<1x1xf32, #tpu.memory_space<vmem>>, %arg6: memref<2x2x1280x224xf32, #tpu.memory_space<vmem>>) attributes {dimension_semantics = [#tpu.dimension_semantics<arbitrary>], iteration_bounds = array<i64: 125>, scalar_prefetch = 0 : i64, scratch_operands = 0 : i64, tpu.core_type = #tpu.core_type<tc>, window_params = [{transform_indices = @transform_0, window_bounds = array<i64: 3, 1280>}, {pipeline_mode = #tpu.pipeline_mode<synchronous>, transform_indices = @transform_1, window_bounds = array<i64: 20, 896>}, {pipeline_mode = #tpu.pipeline_mode<synchronous>, transform_indices = @transform_2, window_bounds = array<i64: 1, 896>}, {pipeline_mode = #tpu.pipeline_mode<synchronous>, transform_indices = @transform_3, window_bounds = array<i64: 3, 384>}, {pipeline_mode = #tpu.pipeline_mode<synchronous>, transform_indices = @transform_4, window_bounds = array<i64: 1, 1>}, {transform_indices = @transform_5, window_bounds = array<i64: 2, 2, 1280, 224>}]} {
    %get3A = arith.constant 0 : index
    %get3A_0 = arith.constant 0 : index
    %get3A_1 = vector.load %arg1[%get3A, %get3A_0] : memref<3x1280xf32, #tpu.memory_space<vmem>>, vector<3x1280xf32>
    %mul3A = arith.mulf %get3A_1, %get3A_1 : vector<3x1280xf32>
    %reduce_sum3A = arith.constant dense<0.000000e+00> : vector<1280xf32>
    %reduce_sum3A_2 = vector.multi_reduction <add>, %mul3A, %reduce_sum3A [0] : vector<3x1280xf32> to vector<1280xf32>
    %broadcast_in_dim3A = vector.shape_cast %reduce_sum3A_2 : vector<1280xf32> to vector<1x1280xf32>
    %sqrt3A = math.sqrt %broadcast_in_dim3A : vector<1x1280xf32>
    %iota3A = tpu.iota {dimensions = array<i32: 0>} : vector<20x1280xi32>
    %convert_element_type3A = arith.sitofp %iota3A : vector<20x1280xi32> to vector<20x1280xf32>
    %mul3A_3 = arith.constant 0.263157904 : f32
    %mul3A_4 = vector.broadcast %mul3A_3 : f32 to vector<20x1280xf32>
    %mul3A_5 = arith.mulf %convert_element_type3A, %mul3A_4 : vector<20x1280xf32>
    %sub3A = vector.broadcast %sqrt3A : vector<1x1280xf32> to vector<20x1280xf32>
    %sub3A_6 = arith.subf %sub3A, %mul3A_5 : vector<20x1280xf32>
    %integer_pow3A = arith.mulf %sub3A_6, %sub3A_6 : vector<20x1280xf32>
    %mul3A_7 = arith.constant -5.000000e-01 : f32
    %mul3A_8 = vector.broadcast %mul3A_7 : f32 to vector<20x1280xf32>
    %mul3A_9 = arith.mulf %mul3A_8, %integer_pow3A : vector<20x1280xf32>
    %mul3A_10 = arith.constant 1.600000e+01 : f32
    %mul3A_11 = vector.broadcast %mul3A_10 : f32 to vector<20x1280xf32>
    %mul3A_12 = arith.mulf %mul3A_9, %mul3A_11 : vector<20x1280xf32>
    %exp3A = math.exp %mul3A_12 : vector<20x1280xf32>
    %mul3A_13 = arith.constant 3.14159274 : f32
    %mul3A_14 = vector.broadcast %mul3A_13 : f32 to vector<1x1280xf32>
    %mul3A_15 = arith.mulf %mul3A_14, %sqrt3A : vector<1x1280xf32>
    %div3A = arith.constant 5.000000e+00 : f32
    %div3A_16 = vector.broadcast %div3A : f32 to vector<1x1280xf32>
    %div3A_17 = arith.divf %mul3A_15, %div3A_16 : vector<1x1280xf32>
    %cos3A = math.cos %div3A_17 : vector<1x1280xf32>
    %add3A = arith.constant 1.000000e+00 : f32
    %add3A_18 = vector.broadcast %add3A : f32 to vector<1x1280xf32>
    %add3A_19 = arith.addf %cos3A, %add3A_18 : vector<1x1280xf32>
    %mul3A_20 = arith.constant 5.000000e-01 : f32
    %mul3A_21 = vector.broadcast %mul3A_20 : f32 to vector<1x1280xf32>
    %mul3A_22 = arith.mulf %mul3A_21, %add3A_19 : vector<1x1280xf32>
    %lt3A = arith.constant 5.000000e+00 : f32
    %lt3A_23 = vector.broadcast %lt3A : f32 to vector<1x1280xf32>
    %lt3A_24 = arith.cmpf olt, %sqrt3A, %lt3A_23 : vector<1x1280xf32>
    %convert_element_type3A_25 = arith.extui %lt3A_24 : vector<1x1280xi1> to vector<1x1280xi32>
    %convert_element_type3A_26 = arith.sitofp %convert_element_type3A_25 : vector<1x1280xi32> to vector<1x1280xf32>
    %mul3A_27 = arith.mulf %mul3A_22, %convert_element_type3A_26 : vector<1x1280xf32>
    %mul3A_28 = vector.broadcast %mul3A_27 : vector<1x1280xf32> to vector<20x1280xf32>
    %mul3A_29 = arith.mulf %exp3A, %mul3A_28 : vector<20x1280xf32>
    %get3A_30 = arith.constant 0 : index
    %get3A_31 = arith.constant 0 : index
    %get3A_32 = vector.load %arg2[%get3A_30, %get3A_31] : memref<20x896xf32, #tpu.memory_space<vmem>>, vector<20x896xf32>
    %dot_general3A = arith.constant dense<0.000000e+00> : vector<1280x896xf32>
    %dot_general3A_33 = tpu.matmul %mul3A_29, %get3A_32, %dot_general3A {dimension_numbers = #tpu.dot_dimension_numbers<[0], [0], [1], [1], [0, 1, 1, 1], [], []>, transpose_lhs_hint = false} : vector<20x1280xf32>, vector<20x896xf32>, vector<1280x896xf32> -> vector<1280x896xf32>
    %get3A_34 = arith.constant 0 : index
    %get3A_35 = arith.constant 0 : index
    %get3A_36 = vector.load %arg3[%get3A_34, %get3A_35] : memref<1x896xf32, #tpu.memory_space<vmem>>, vector<1x896xf32>
    %add3A_37 = vector.broadcast %get3A_36 : vector<1x896xf32> to vector<1280x896xf32>
    %add3A_38 = arith.addf %dot_general3A_33, %add3A_37 : vector<1280x896xf32>
    %add3A_39 = arith.constant 9.99999993E-9 : f32
    %add3A_40 = vector.broadcast %add3A_39 : f32 to vector<1x1280xf32>
    %add3A_41 = arith.addf %sqrt3A, %add3A_40 : vector<1x1280xf32>
    %div3A_42 = arith.constant 1.000000e+00 : f32
    %div3A_43 = vector.broadcast %div3A_42 : f32 to vector<1x1280xf32>
    %div3A_44 = arith.divf %div3A_43, %add3A_41 : vector<1x1280xf32>
    %mul3A_45 = vector.broadcast %div3A_44 : vector<1x1280xf32> to vector<3x1280xf32>
    %mul3A_46 = arith.mulf %get3A_1, %mul3A_45 : vector<3x1280xf32>
    %get3A_47 = arith.constant 0 : index
    %get3A_48 = arith.constant 0 : index
    %get3A_49 = vector.load %arg4[%get3A_47, %get3A_48] : memref<3x384xf32, #tpu.memory_space<vmem>>, vector<3x384xf32>
    %dot_general3A_50 = arith.constant dense<0.000000e+00> : vector<1280x384xf32>
    %dot_general3A_51 = tpu.matmul %mul3A_46, %get3A_49, %dot_general3A_50 {dimension_numbers = #tpu.dot_dimension_numbers<[0], [0], [1], [1], [0, 1, 1, 1], [], []>, transpose_lhs_hint = false} : vector<3x1280xf32>, vector<3x384xf32>, vector<1280x384xf32> -> vector<1280x384xf32>
    %get3A_52 = arith.constant 0 : index
    %get3A_53 = arith.constant 0 : index
    %get3A_54 = vector.load %arg5[%get3A_52, %get3A_53] : memref<1x1xf32, #tpu.memory_space<vmem>>, vector<1x1xf32>
    %dot_general3A_55 = arith.constant dense<0.000000e+00> : vector<1280x1xf32>
    %dot_general3A_56 = tpu.matmul %mul3A_27, %get3A_54, %dot_general3A_55 {dimension_numbers = #tpu.dot_dimension_numbers<[0], [0], [1], [1], [0, 1, 1, 1], [], []>, transpose_lhs_hint = false} : vector<1x1280xf32>, vector<1x1xf32>, vector<1280x1xf32> -> vector<1280x1xf32>
    %slice3A = vector.extract_strided_slice %add3A_38 {offsets = [0, 0], sizes = [1280, 384], strides = [1, 1]} : vector<1280x896xf32> to vector<1280x384xf32>
    %slice3A_57 = vector.extract_strided_slice %add3A_38 {offsets = [0, 384], sizes = [1280, 384], strides = [1, 1]} : vector<1280x896xf32> to vector<1280x384xf32>
    %mul3A_58 = arith.mulf %slice3A_57, %dot_general3A_51 : vector<1280x384xf32>
    %slice3A_59 = vector.extract_strided_slice %add3A_38 {offsets = [0, 768], sizes = [1280, 128], strides = [1, 1]} : vector<1280x896xf32> to vector<1280x128xf32>
    %mul3A_60 = vector.broadcast %dot_general3A_56 : vector<1280x1xf32> to vector<1280x128xf32>
    %mul3A_61 = arith.mulf %slice3A_59, %mul3A_60 : vector<1280x128xf32>
    %slice3A_62 = vector.extract_strided_slice %slice3A {offsets = [0, 0], sizes = [1280, 96], strides = [1, 1]} : vector<1280x384xf32> to vector<1280x96xf32>
    %slice3A_63 = vector.extract_strided_slice %mul3A_58 {offsets = [0, 0], sizes = [1280, 96], strides = [1, 1]} : vector<1280x384xf32> to vector<1280x96xf32>
    %slice3A_64 = vector.extract_strided_slice %mul3A_61 {offsets = [0, 0], sizes = [1280, 32], strides = [1, 1]} : vector<1280x128xf32> to vector<1280x32xf32>
    %concatenate3A = tpu.concatenate %slice3A_62, %slice3A_63, %slice3A_64 in 1 : vector<1280x96xf32>, vector<1280x96xf32>, vector<1280x32xf32> -> vector<1280x224xf32>
    %swap3A = arith.constant 0 : index
    %swap3A_65 = arith.constant 0 : index
    %swap3A_66 = arith.constant 0 : index
    %swap3A_67 = arith.constant 0 : index
    %swap3A_68 = vector.load %arg6[%swap3A, %swap3A_65, %swap3A_66, %swap3A_67] : memref<2x2x1280x224xf32, #tpu.memory_space<vmem>>, vector<1x1x1280x224xf32>
    %swap3A_69 = vector.shape_cast %swap3A_68 : vector<1x1x1280x224xf32> to vector<1280x224xf32>
    %swap3A_70 = vector.shape_cast %concatenate3A : vector<1280x224xf32> to vector<1x1x1280x224xf32>
    tpu.vector_store %arg6[%swap3A, %swap3A_65, %swap3A_66, %swap3A_67], %swap3A_70 {strides = array<i32>} : memref<2x2x1280x224xf32, #tpu.memory_space<vmem>>, vector<1x1x1280x224xf32>,
    %slice3A_71 = vector.extract_strided_slice %slice3A {offsets = [0, 96], sizes = [1280, 96], strides = [1, 1]} : vector<1280x384xf32> to vector<1280x96xf32>
    %slice3A_72 = vector.extract_strided_slice %mul3A_58 {offsets = [0, 96], sizes = [1280, 96], strides = [1, 1]} : vector<1280x384xf32> to vector<1280x96xf32>
    %slice3A_73 = vector.extract_strided_slice %mul3A_61 {offsets = [0, 32], sizes = [1280, 32], strides = [1, 1]} : vector<1280x128xf32> to vector<1280x32xf32>
    %concatenate3A_74 = tpu.concatenate %slice3A_71, %slice3A_72, %slice3A_73 in 1 : vector<1280x96xf32>, vector<1280x96xf32>, vector<1280x32xf32> -> vector<1280x224xf32>
    %swap3A_75 = arith.constant 0 : index
    %swap3A_76 = arith.constant 1 : index
    %swap3A_77 = arith.constant 0 : index
    %swap3A_78 = arith.constant 0 : index
    %swap3A_79 = vector.load %arg6[%swap3A_75, %swap3A_76, %swap3A_77, %swap3A_78] : memref<2x2x1280x224xf32, #tpu.memory_space<vmem>>, vector<1x1x1280x224xf32>
    %swap3A_80 = vector.shape_cast %swap3A_79 : vector<1x1x1280x224xf32> to vector<1280x224xf32>
    %swap3A_81 = vector.shape_cast %concatenate3A_74 : vector<1280x224xf32> to vector<1x1x1280x224xf32>
    tpu.vector_store %arg6[%swap3A_75, %swap3A_76, %swap3A_77, %swap3A_78], %swap3A_81 {strides = array<i32>} : memref<2x2x1280x224xf32, #tpu.memory_space<vmem>>, vector<1x1x1280x224xf32>,
    %slice3A_82 = vector.extract_strided_slice %slice3A {offsets = [0, 192], sizes = [1280, 96], strides = [1, 1]} : vector<1280x384xf32> to vector<1280x96xf32>
    %slice3A_83 = vector.extract_strided_slice %mul3A_58 {offsets = [0, 192], sizes = [1280, 96], strides = [1, 1]} : vector<1280x384xf32> to vector<1280x96xf32>
    %slice3A_84 = vector.extract_strided_slice %mul3A_61 {offsets = [0, 64], sizes = [1280, 32], strides = [1, 1]} : vector<1280x128xf32> to vector<1280x32xf32>
    %concatenate3A_85 = tpu.concatenate %slice3A_82, %slice3A_83, %slice3A_84 in 1 : vector<1280x96xf32>, vector<1280x96xf32>, vector<1280x32xf32> -> vector<1280x224xf32>
    %swap3A_86 = arith.constant 1 : index
    %swap3A_87 = arith.constant 0 : index
    %swap3A_88 = arith.constant 0 : index
    %swap3A_89 = arith.constant 0 : index
    %swap3A_90 = vector.load %arg6[%swap3A_86, %swap3A_87, %swap3A_88, %swap3A_89] : memref<2x2x1280x224xf32, #tpu.memory_space<vmem>>, vector<1x1x1280x224xf32>
    %swap3A_91 = vector.shape_cast %swap3A_90 : vector<1x1x1280x224xf32> to vector<1280x224xf32>
    %swap3A_92 = vector.shape_cast %concatenate3A_85 : vector<1280x224xf32> to vector<1x1x1280x224xf32>
    tpu.vector_store %arg6[%swap3A_86, %swap3A_87, %swap3A_88, %swap3A_89], %swap3A_92 {strides = array<i32>} : memref<2x2x1280x224xf32, #tpu.memory_space<vmem>>, vector<1x1x1280x224xf32>,
    %slice3A_93 = vector.extract_strided_slice %slice3A {offsets = [0, 288], sizes = [1280, 96], strides = [1, 1]} : vector<1280x384xf32> to vector<1280x96xf32>
    %slice3A_94 = vector.extract_strided_slice %mul3A_58 {offsets = [0, 288], sizes = [1280, 96], strides = [1, 1]} : vector<1280x384xf32> to vector<1280x96xf32>
    %slice3A_95 = vector.extract_strided_slice %mul3A_61 {offsets = [0, 96], sizes = [1280, 32], strides = [1, 1]} : vector<1280x128xf32> to vector<1280x32xf32>
    %concatenate3A_96 = tpu.concatenate %slice3A_93, %slice3A_94, %slice3A_95 in 1 : vector<1280x96xf32>, vector<1280x96xf32>, vector<1280x32xf32> -> vector<1280x224xf32>
    %swap3A_97 = arith.constant 1 : index
    %swap3A_98 = arith.constant 1 : index
    %swap3A_99 = arith.constant 0 : index
    %swap3A_100 = arith.constant 0 : index
    %swap3A_101 = vector.load %arg6[%swap3A_97, %swap3A_98, %swap3A_99, %swap3A_100] : memref<2x2x1280x224xf32, #tpu.memory_space<vmem>>, vector<1x1x1280x224xf32>
    %swap3A_102 = vector.shape_cast %swap3A_101 : vector<1x1x1280x224xf32> to vector<1280x224xf32>
    %swap3A_103 = vector.shape_cast %concatenate3A_96 : vector<1280x224xf32> to vector<1x1x1280x224xf32>
    tpu.vector_store %arg6[%swap3A_97, %swap3A_98, %swap3A_99, %swap3A_100], %swap3A_103 {strides = array<i32>} : memref<2x2x1280x224xf32, #tpu.memory_space<vmem>>, vector<1x1x1280x224xf32>,
    return
  }
  func.func @transform_0(%arg0: i32) -> (i32, i32) {
    %c0_i32 = arith.constant 0 : i32
    %c0_i32_0 = arith.constant 0 : i32
    return %c0_i32, %arg0 : i32, i32
  }
  func.func @transform_1(%arg0: i32) -> (i32, i32) {
    %c0_i32 = arith.constant 0 : i32
    %c0_i32_0 = arith.constant 0 : i32
    %c0_i32_1 = arith.constant 0 : i32
    return %c0_i32, %c0_i32_0 : i32, i32
  }
  func.func @transform_2(%arg0: i32) -> (i32, i32) {
    %c0_i32 = arith.constant 0 : i32
    %c0_i32_0 = arith.constant 0 : i32
    %c0_i32_1 = arith.constant 0 : i32
    return %c0_i32, %c0_i32_0 : i32, i32
  }
  func.func @transform_3(%arg0: i32) -> (i32, i32) {
    %c0_i32 = arith.constant 0 : i32
    %c0_i32_0 = arith.constant 0 : i32
    %c0_i32_1 = arith.constant 0 : i32
    return %c0_i32, %c0_i32_0 : i32, i32
  }
  func.func @transform_4(%arg0: i32) -> (i32, i32) {
    %c0_i32 = arith.constant 0 : i32
    %c0_i32_0 = arith.constant 0 : i32
    %c0_i32_1 = arith.constant 0 : i32
    return %c0_i32, %c0_i32_0 : i32, i32
  }
  func.func @transform_5(%arg0: i32) -> (i32, i32, i32, i32) {
    %c0_i32 = arith.constant 0 : i32
    %c0_i32_0 = arith.constant 0 : i32
    %c0_i32_1 = arith.constant 0 : i32
    %c0_i32_2 = arith.constant 0 : i32
    return %c0_i32, %c0_i32_0, %arg0, %c0_i32_1 : i32, i32, i32, i32
  }
}

module attributes {stable_mosaic.version = 14 : i64} {
  func.func @_node_tables_body(%arg0: i32, %arg1: memref<400x128xf32, #tpu.memory_space<vmem>>, %arg2: memref<400x384xf32, #tpu.memory_space<vmem>>, %arg3: memref<128x128xf32, #tpu.memory_space<vmem>>, %arg4: memref<1x128xf32, #tpu.memory_space<vmem>>, %arg5: memref<128x256xf32, #tpu.memory_space<vmem>>, %arg6: memref<1x256xf32, #tpu.memory_space<vmem>>, %arg7: memref<128x384xf32, #tpu.memory_space<vmem>>, %arg8: memref<2x2x400x224xf32, #tpu.memory_space<vmem>>) attributes {dimension_semantics = [#tpu.dimension_semantics<arbitrary>], iteration_bounds = array<i64: 25>, scalar_prefetch = 0 : i64, scratch_operands = 0 : i64, tpu.core_type = #tpu.core_type<tc>, window_params = [{transform_indices = @transform_0, window_bounds = array<i64: 400, 128>}, {transform_indices = @transform_1, window_bounds = array<i64: 400, 384>}, {pipeline_mode = #tpu.pipeline_mode<synchronous>, transform_indices = @transform_2, window_bounds = array<i64: 128, 128>}, {pipeline_mode = #tpu.pipeline_mode<synchronous>, transform_indices = @transform_3, window_bounds = array<i64: 1, 128>}, {pipeline_mode = #tpu.pipeline_mode<synchronous>, transform_indices = @transform_4, window_bounds = array<i64: 128, 256>}, {pipeline_mode = #tpu.pipeline_mode<synchronous>, transform_indices = @transform_5, window_bounds = array<i64: 1, 256>}, {pipeline_mode = #tpu.pipeline_mode<synchronous>, transform_indices = @transform_6, window_bounds = array<i64: 128, 384>}, {transform_indices = @transform_7, window_bounds = array<i64: 2, 2, 400, 224>}]} {
    %get3A = arith.constant 0 : index
    %get3A_0 = arith.constant 0 : index
    %get3A_1 = vector.load %arg1[%get3A, %get3A_0] : memref<400x128xf32, #tpu.memory_space<vmem>>, vector<400x128xf32>
    %get3A_2 = arith.constant 0 : index
    %get3A_3 = arith.constant 0 : index
    %get3A_4 = vector.load %arg3[%get3A_2, %get3A_3] : memref<128x128xf32, #tpu.memory_space<vmem>>, vector<128x128xf32>
    %dot_general3A = arith.constant dense<0.000000e+00> : vector<400x128xf32>
    %dot_general3A_5 = tpu.matmul %get3A_1, %get3A_4, %dot_general3A {dimension_numbers = #tpu.dot_dimension_numbers<[1], [0], [0], [1], [0, 0, 1, 1], [], []>, transpose_lhs_hint = false} : vector<400x128xf32>, vector<128x128xf32>, vector<400x128xf32> -> vector<400x128xf32>
    %get3A_6 = arith.constant 0 : index
    %get3A_7 = arith.constant 0 : index
    %get3A_8 = vector.load %arg4[%get3A_6, %get3A_7] : memref<1x128xf32, #tpu.memory_space<vmem>>, vector<1x128xf32>
    %add3A = vector.broadcast %get3A_8 : vector<1x128xf32> to vector<400x128xf32>
    %add3A_9 = arith.addf %dot_general3A_5, %add3A : vector<400x128xf32>
    %logistic3A = arith.negf %add3A_9 : vector<400x128xf32>
    %logistic3A_10 = math.exp %logistic3A : vector<400x128xf32>
    %logistic3A_11 = arith.constant 1.000000e+00 : f32
    %logistic3A_12 = vector.broadcast %logistic3A_11 : f32 to vector<400x128xf32>
    %logistic3A_13 = arith.addf %logistic3A_12, %logistic3A_10 : vector<400x128xf32>
    %logistic3A_14 = arith.divf %logistic3A_12, %logistic3A_13 : vector<400x128xf32>
    %mul3A = arith.mulf %add3A_9, %logistic3A_14 : vector<400x128xf32>
    %get3A_15 = arith.constant 0 : index
    %get3A_16 = arith.constant 0 : index
    %get3A_17 = vector.load %arg5[%get3A_15, %get3A_16] : memref<128x256xf32, #tpu.memory_space<vmem>>, vector<128x256xf32>
    %dot_general3A_18 = arith.constant dense<0.000000e+00> : vector<400x256xf32>
    %dot_general3A_19 = tpu.matmul %get3A_1, %get3A_17, %dot_general3A_18 {dimension_numbers = #tpu.dot_dimension_numbers<[1], [0], [0], [1], [0, 0, 1, 1], [], []>, transpose_lhs_hint = false} : vector<400x128xf32>, vector<128x256xf32>, vector<400x256xf32> -> vector<400x256xf32>
    %get3A_20 = arith.constant 0 : index
    %get3A_21 = arith.constant 0 : index
    %get3A_22 = vector.load %arg6[%get3A_20, %get3A_21] : memref<1x256xf32, #tpu.memory_space<vmem>>, vector<1x256xf32>
    %add3A_23 = vector.broadcast %get3A_22 : vector<1x256xf32> to vector<400x256xf32>
    %add3A_24 = arith.addf %dot_general3A_19, %add3A_23 : vector<400x256xf32>
    %logistic3A_25 = arith.negf %add3A_24 : vector<400x256xf32>
    %logistic3A_26 = math.exp %logistic3A_25 : vector<400x256xf32>
    %logistic3A_27 = arith.constant 1.000000e+00 : f32
    %logistic3A_28 = vector.broadcast %logistic3A_27 : f32 to vector<400x256xf32>
    %logistic3A_29 = arith.addf %logistic3A_28, %logistic3A_26 : vector<400x256xf32>
    %logistic3A_30 = arith.divf %logistic3A_28, %logistic3A_29 : vector<400x256xf32>
    %mul3A_31 = arith.mulf %add3A_24, %logistic3A_30 : vector<400x256xf32>
    %get3A_32 = arith.constant 0 : index
    %get3A_33 = arith.constant 0 : index
    %get3A_34 = vector.load %arg7[%get3A_32, %get3A_33] : memref<128x384xf32, #tpu.memory_space<vmem>>, vector<128x384xf32>
    %slice3A = vector.extract_strided_slice %mul3A_31 {offsets = [0, 0], sizes = [400, 128], strides = [1, 1]} : vector<400x256xf32> to vector<400x128xf32>
    %dot_general3A_35 = arith.constant dense<0.000000e+00> : vector<400x384xf32>
    %dot_general3A_36 = tpu.matmul %slice3A, %get3A_34, %dot_general3A_35 {dimension_numbers = #tpu.dot_dimension_numbers<[1], [0], [0], [1], [0, 0, 1, 1], [], []>, transpose_lhs_hint = false} : vector<400x128xf32>, vector<128x384xf32>, vector<400x384xf32> -> vector<400x384xf32>
    %slice3A_37 = vector.extract_strided_slice %mul3A_31 {offsets = [0, 128], sizes = [400, 128], strides = [1, 1]} : vector<400x256xf32> to vector<400x128xf32>
    %dot_general3A_38 = arith.constant dense<0.000000e+00> : vector<400x384xf32>
    %dot_general3A_39 = tpu.matmul %slice3A_37, %get3A_34, %dot_general3A_38 {dimension_numbers = #tpu.dot_dimension_numbers<[1], [0], [0], [1], [0, 0, 1, 1], [], []>, transpose_lhs_hint = false} : vector<400x128xf32>, vector<128x384xf32>, vector<400x384xf32> -> vector<400x384xf32>
    %get3A_40 = arith.constant 0 : index
    %get3A_41 = arith.constant 0 : index
    %get3A_42 = vector.load %arg2[%get3A_40, %get3A_41] : memref<400x384xf32, #tpu.memory_space<vmem>>, vector<400x384xf32>
    %mul3A_43 = arith.mulf %get3A_42, %dot_general3A_36 : vector<400x384xf32>
    %slice3A_44 = vector.extract_strided_slice %mul3A_43 {offsets = [0, 0], sizes = [400, 96], strides = [1, 1]} : vector<400x384xf32> to vector<400x96xf32>
    %slice3A_45 = vector.extract_strided_slice %dot_general3A_39 {offsets = [0, 0], sizes = [400, 96], strides = [1, 1]} : vector<400x384xf32> to vector<400x96xf32>
    %slice3A_46 = vector.extract_strided_slice %mul3A {offsets = [0, 0], sizes = [400, 32], strides = [1, 1]} : vector<400x128xf32> to vector<400x32xf32>
    %concatenate3A = tpu.concatenate %slice3A_44, %slice3A_45, %slice3A_46 in 1 : vector<400x96xf32>, vector<400x96xf32>, vector<400x32xf32> -> vector<400x224xf32>
    %swap3A = arith.constant 0 : index
    %swap3A_47 = arith.constant 0 : index
    %swap3A_48 = arith.constant 0 : index
    %swap3A_49 = arith.constant 0 : index
    %swap3A_50 = vector.load %arg8[%swap3A, %swap3A_47, %swap3A_48, %swap3A_49] : memref<2x2x400x224xf32, #tpu.memory_space<vmem>>, vector<1x1x400x224xf32>
    %swap3A_51 = vector.shape_cast %swap3A_50 : vector<1x1x400x224xf32> to vector<400x224xf32>
    %swap3A_52 = vector.shape_cast %concatenate3A : vector<400x224xf32> to vector<1x1x400x224xf32>
    tpu.vector_store %arg8[%swap3A, %swap3A_47, %swap3A_48, %swap3A_49], %swap3A_52 {strides = array<i32>} : memref<2x2x400x224xf32, #tpu.memory_space<vmem>>, vector<1x1x400x224xf32>,
    %slice3A_53 = vector.extract_strided_slice %mul3A_43 {offsets = [0, 96], sizes = [400, 96], strides = [1, 1]} : vector<400x384xf32> to vector<400x96xf32>
    %slice3A_54 = vector.extract_strided_slice %dot_general3A_39 {offsets = [0, 96], sizes = [400, 96], strides = [1, 1]} : vector<400x384xf32> to vector<400x96xf32>
    %slice3A_55 = vector.extract_strided_slice %mul3A {offsets = [0, 32], sizes = [400, 32], strides = [1, 1]} : vector<400x128xf32> to vector<400x32xf32>
    %concatenate3A_56 = tpu.concatenate %slice3A_53, %slice3A_54, %slice3A_55 in 1 : vector<400x96xf32>, vector<400x96xf32>, vector<400x32xf32> -> vector<400x224xf32>
    %swap3A_57 = arith.constant 0 : index
    %swap3A_58 = arith.constant 1 : index
    %swap3A_59 = arith.constant 0 : index
    %swap3A_60 = arith.constant 0 : index
    %swap3A_61 = vector.load %arg8[%swap3A_57, %swap3A_58, %swap3A_59, %swap3A_60] : memref<2x2x400x224xf32, #tpu.memory_space<vmem>>, vector<1x1x400x224xf32>
    %swap3A_62 = vector.shape_cast %swap3A_61 : vector<1x1x400x224xf32> to vector<400x224xf32>
    %swap3A_63 = vector.shape_cast %concatenate3A_56 : vector<400x224xf32> to vector<1x1x400x224xf32>
    tpu.vector_store %arg8[%swap3A_57, %swap3A_58, %swap3A_59, %swap3A_60], %swap3A_63 {strides = array<i32>} : memref<2x2x400x224xf32, #tpu.memory_space<vmem>>, vector<1x1x400x224xf32>,
    %slice3A_64 = vector.extract_strided_slice %mul3A_43 {offsets = [0, 192], sizes = [400, 96], strides = [1, 1]} : vector<400x384xf32> to vector<400x96xf32>
    %slice3A_65 = vector.extract_strided_slice %dot_general3A_39 {offsets = [0, 192], sizes = [400, 96], strides = [1, 1]} : vector<400x384xf32> to vector<400x96xf32>
    %slice3A_66 = vector.extract_strided_slice %mul3A {offsets = [0, 64], sizes = [400, 32], strides = [1, 1]} : vector<400x128xf32> to vector<400x32xf32>
    %concatenate3A_67 = tpu.concatenate %slice3A_64, %slice3A_65, %slice3A_66 in 1 : vector<400x96xf32>, vector<400x96xf32>, vector<400x32xf32> -> vector<400x224xf32>
    %swap3A_68 = arith.constant 1 : index
    %swap3A_69 = arith.constant 0 : index
    %swap3A_70 = arith.constant 0 : index
    %swap3A_71 = arith.constant 0 : index
    %swap3A_72 = vector.load %arg8[%swap3A_68, %swap3A_69, %swap3A_70, %swap3A_71] : memref<2x2x400x224xf32, #tpu.memory_space<vmem>>, vector<1x1x400x224xf32>
    %swap3A_73 = vector.shape_cast %swap3A_72 : vector<1x1x400x224xf32> to vector<400x224xf32>
    %swap3A_74 = vector.shape_cast %concatenate3A_67 : vector<400x224xf32> to vector<1x1x400x224xf32>
    tpu.vector_store %arg8[%swap3A_68, %swap3A_69, %swap3A_70, %swap3A_71], %swap3A_74 {strides = array<i32>} : memref<2x2x400x224xf32, #tpu.memory_space<vmem>>, vector<1x1x400x224xf32>,
    %slice3A_75 = vector.extract_strided_slice %mul3A_43 {offsets = [0, 288], sizes = [400, 96], strides = [1, 1]} : vector<400x384xf32> to vector<400x96xf32>
    %slice3A_76 = vector.extract_strided_slice %dot_general3A_39 {offsets = [0, 288], sizes = [400, 96], strides = [1, 1]} : vector<400x384xf32> to vector<400x96xf32>
    %slice3A_77 = vector.extract_strided_slice %mul3A {offsets = [0, 96], sizes = [400, 32], strides = [1, 1]} : vector<400x128xf32> to vector<400x32xf32>
    %concatenate3A_78 = tpu.concatenate %slice3A_75, %slice3A_76, %slice3A_77 in 1 : vector<400x96xf32>, vector<400x96xf32>, vector<400x32xf32> -> vector<400x224xf32>
    %swap3A_79 = arith.constant 1 : index
    %swap3A_80 = arith.constant 1 : index
    %swap3A_81 = arith.constant 0 : index
    %swap3A_82 = arith.constant 0 : index
    %swap3A_83 = vector.load %arg8[%swap3A_79, %swap3A_80, %swap3A_81, %swap3A_82] : memref<2x2x400x224xf32, #tpu.memory_space<vmem>>, vector<1x1x400x224xf32>
    %swap3A_84 = vector.shape_cast %swap3A_83 : vector<1x1x400x224xf32> to vector<400x224xf32>
    %swap3A_85 = vector.shape_cast %concatenate3A_78 : vector<400x224xf32> to vector<1x1x400x224xf32>
    tpu.vector_store %arg8[%swap3A_79, %swap3A_80, %swap3A_81, %swap3A_82], %swap3A_85 {strides = array<i32>} : memref<2x2x400x224xf32, #tpu.memory_space<vmem>>, vector<1x1x400x224xf32>,
    return
  }
  func.func @transform_0(%arg0: i32) -> (i32, i32) {
    %c0_i32 = arith.constant 0 : i32
    %c0_i32_0 = arith.constant 0 : i32
    return %arg0, %c0_i32 : i32, i32
  }
  func.func @transform_1(%arg0: i32) -> (i32, i32) {
    %c0_i32 = arith.constant 0 : i32
    %c0_i32_0 = arith.constant 0 : i32
    return %arg0, %c0_i32 : i32, i32
  }
  func.func @transform_2(%arg0: i32) -> (i32, i32) {
    %c0_i32 = arith.constant 0 : i32
    %c0_i32_0 = arith.constant 0 : i32
    %c0_i32_1 = arith.constant 0 : i32
    return %c0_i32, %c0_i32_0 : i32, i32
  }
  func.func @transform_3(%arg0: i32) -> (i32, i32) {
    %c0_i32 = arith.constant 0 : i32
    %c0_i32_0 = arith.constant 0 : i32
    %c0_i32_1 = arith.constant 0 : i32
    return %c0_i32, %c0_i32_0 : i32, i32
  }
  func.func @transform_4(%arg0: i32) -> (i32, i32) {
    %c0_i32 = arith.constant 0 : i32
    %c0_i32_0 = arith.constant 0 : i32
    %c0_i32_1 = arith.constant 0 : i32
    return %c0_i32, %c0_i32_0 : i32, i32
  }
  func.func @transform_5(%arg0: i32) -> (i32, i32) {
    %c0_i32 = arith.constant 0 : i32
    %c0_i32_0 = arith.constant 0 : i32
    %c0_i32_1 = arith.constant 0 : i32
    return %c0_i32, %c0_i32_0 : i32, i32
  }
  func.func @transform_6(%arg0: i32) -> (i32, i32) {
    %c0_i32 = arith.constant 0 : i32
    %c0_i32_0 = arith.constant 0 : i32
    %c0_i32_1 = arith.constant 0 : i32
    return %c0_i32, %c0_i32_0 : i32, i32
  }
  func.func @transform_7(%arg0: i32) -> (i32, i32, i32, i32) {
    %c0_i32 = arith.constant 0 : i32
    %c0_i32_0 = arith.constant 0 : i32
    %c0_i32_1 = arith.constant 0 : i32
    %c0_i32_2 = arith.constant 0 : i32
    return %c0_i32, %c0_i32_0, %arg0, %c0_i32_1 : i32, i32, i32, i32
  }
}

module attributes {stable_mosaic.version = 14 : i64} {
  func.func @_finalize_body(%arg0: i32, %arg1: memref<2x2x2000x96xf32, #tpu.memory_space<vmem>>, %arg2: memref<2x10000x16xf32, #tpu.memory_space<vmem>>, %arg3: memref<2000x384xf32, #tpu.memory_space<vmem>>, %arg4: memref<1x10000xf32, #tpu.memory_space<vmem>>) attributes {dimension_semantics = [#tpu.dimension_semantics<arbitrary>], iteration_bounds = array<i64: 5>, scalar_prefetch = 0 : i64, scratch_operands = 0 : i64, tpu.core_type = #tpu.core_type<tc>, window_params = [{transform_indices = @transform_0, window_bounds = array<i64: 2, 2, 2000, 96>}, {pipeline_mode = #tpu.pipeline_mode<synchronous>, transform_indices = @transform_1, window_bounds = array<i64: 2, 10000, 16>}, {transform_indices = @transform_2, window_bounds = array<i64: 2000, 384>}, {pipeline_mode = #tpu.pipeline_mode<synchronous>, transform_indices = @transform_3, window_bounds = array<i64: 1, 10000>}]} {
    %get3A = arith.constant 0 : index
    %get3A_0 = arith.constant 0 : index
    %get3A_1 = arith.constant 0 : index
    %get3A_2 = arith.constant 0 : index
    %get3A_3 = vector.load %arg1[%get3A, %get3A_0, %get3A_1, %get3A_2] : memref<2x2x2000x96xf32, #tpu.memory_space<vmem>>, vector<1x1x2000x96xf32>
    %get3A_4 = vector.shape_cast %get3A_3 : vector<1x1x2000x96xf32> to vector<2000x96xf32>
    %get3A_5 = arith.constant 0 : index
    %get3A_6 = arith.constant 1 : index
    %get3A_7 = arith.constant 0 : index
    %get3A_8 = arith.constant 0 : index
    %get3A_9 = vector.load %arg1[%get3A_5, %get3A_6, %get3A_7, %get3A_8] : memref<2x2x2000x96xf32, #tpu.memory_space<vmem>>, vector<1x1x2000x96xf32>
    %get3A_10 = vector.shape_cast %get3A_9 : vector<1x1x2000x96xf32> to vector<2000x96xf32>
    %get3A_11 = arith.constant 1 : index
    %get3A_12 = arith.constant 0 : index
    %get3A_13 = arith.constant 0 : index
    %get3A_14 = arith.constant 0 : index
    %get3A_15 = vector.load %arg1[%get3A_11, %get3A_12, %get3A_13, %get3A_14] : memref<2x2x2000x96xf32, #tpu.memory_space<vmem>>, vector<1x1x2000x96xf32>
    %get3A_16 = vector.shape_cast %get3A_15 : vector<1x1x2000x96xf32> to vector<2000x96xf32>
    %get3A_17 = arith.constant 1 : index
    %get3A_18 = arith.constant 1 : index
    %get3A_19 = arith.constant 0 : index
    %get3A_20 = arith.constant 0 : index
    %get3A_21 = vector.load %arg1[%get3A_17, %get3A_18, %get3A_19, %get3A_20] : memref<2x2x2000x96xf32, #tpu.memory_space<vmem>>, vector<1x1x2000x96xf32>
    %get3A_22 = vector.shape_cast %get3A_21 : vector<1x1x2000x96xf32> to vector<2000x96xf32>
    %concatenate3A = tpu.concatenate %get3A_4, %get3A_10, %get3A_16, %get3A_22 in 1 : vector<2000x96xf32>, vector<2000x96xf32>, vector<2000x96xf32>, vector<2000x96xf32> -> vector<2000x384xf32>
    %swap3A = arith.constant 0 : index
    %swap3A_23 = arith.constant 0 : index
    %swap3A_24 = vector.load %arg3[%swap3A, %swap3A_23] : memref<2000x384xf32, #tpu.memory_space<vmem>>, vector<2000x384xf32>
    tpu.vector_store %arg3[%swap3A, %swap3A_23], %concatenate3A {strides = array<i32>} : memref<2000x384xf32, #tpu.memory_space<vmem>>, vector<2000x384xf32>,
    %get3A_25 = arith.constant 0 : index
    %get3A_26 = arith.constant 0 : index
    %get3A_27 = arith.constant 0 : index
    %get3A_28 = vector.load %arg2[%get3A_25, %get3A_26, %get3A_27] : memref<2x10000x16xf32, #tpu.memory_space<vmem>>, vector<2x10000x16xf32>
    %reduce_sum3A = arith.constant dense<0.000000e+00> : vector<10000xf32>
    %reduce_sum3A_29 = vector.multi_reduction <add>, %get3A_28, %reduce_sum3A [0, 2] : vector<2x10000x16xf32> to vector<10000xf32>
    %broadcast_in_dim3A = vector.shape_cast %reduce_sum3A_29 : vector<10000xf32> to vector<1x10000xf32>
    %swap3A_30 = arith.constant 0 : index
    %swap3A_31 = arith.constant 0 : index
    %swap3A_32 = vector.load %arg4[%swap3A_30, %swap3A_31] : memref<1x10000xf32, #tpu.memory_space<vmem>>, vector<1x10000xf32>
    tpu.vector_store %arg4[%swap3A_30, %swap3A_31], %broadcast_in_dim3A {strides = array<i32>} : memref<1x10000xf32, #tpu.memory_space<vmem>>, vector<1x10000xf32>,
    return
  }
  func.func @transform_0(%arg0: i32) -> (i32, i32, i32, i32) {
    %c0_i32 = arith.constant 0 : i32
    %c0_i32_0 = arith.constant 0 : i32
    %c0_i32_1 = arith.constant 0 : i32
    %c0_i32_2 = arith.constant 0 : i32
    return %c0_i32, %c0_i32_0, %arg0, %c0_i32_1 : i32, i32, i32, i32
  }
  func.func @transform_1(%arg0: i32) -> (i32, i32, i32) {
    %c0_i32 = arith.constant 0 : i32
    %c0_i32_0 = arith.constant 0 : i32
    %c0_i32_1 = arith.constant 0 : i32
    %c0_i32_2 = arith.constant 0 : i32
    return %c0_i32, %c0_i32_0, %c0_i32_1 : i32, i32, i32
  }
  func.func @transform_2(%arg0: i32) -> (i32, i32) {
    %c0_i32 = arith.constant 0 : i32
    %c0_i32_0 = arith.constant 0 : i32
    return %arg0, %c0_i32 : i32, i32
  }
  func.func @transform_3(%arg0: i32) -> (i32, i32) {
    %c0_i32 = arith.constant 0 : i32
    %c0_i32_0 = arith.constant 0 : i32
    %c0_i32_1 = arith.constant 0 : i32
    return %c0_i32, %c0_i32_0 : i32, i32
  }
}

</mosaic_0001>

<sc_bundles>
// kernel: kernel.6.cloned.1.call-start
scs
__scs_entry_jumppad:
0x0: {  	(pc) =	sbr.rel $0x88, $3  }
0x1: {  	(tag) =	ssettag $0x0;
	lr =	simm.s32 $0x1  }
0x2: {  	[smem:$0x3F93] =	sst lr;
	_ =	strace $0xD0000000  }
0x3: {  	_ = 	snop  }
0x4: {  	_ = 	snop  }
0x5: {  	_ = 	snop  }
0x6: {  	_ = 	snop  }
0x7: {  	_ = 	snop  }
__scs_overlays_trampoline_lowered:
0x8: {  	[smem:$0x3FA2] =	sst s0  }
0x9: {  	[smem:$0x3FA3] =	sst s1  }
0xa: {  	[smem:$0x3FA4] =	sst s2  }
0xb: {  	[smem:$0x3FA5] =	sst s3  }
0xc: {  	[smem:$0x3FA6] =	sst s4  }
0xd: {  	[smem:$0x3FA7] =	sst s5  }
0xe: {  	[smem:$0x3FA8] =	sst s6  }
0xf: {  	[smem:$0x3FA9] =	sst s7  }
0x10: {  	[smem:$0x3FAA] =	sst s8  }
0x11: {  	[smem:$0x3FAB] =	sst s9;
	s0 =	simm.s32 @!p0 $0x0  }
0x12: {  	s1 =	sld [smem:$0x3F91];
	s0 =	simm.s32 @p0 $0x1  }
0x13: {  	[smem:$0x3FAC] =	sst s0;
	s0 =	simm.s32 @!p1 $0x0  }
0x14: {  	s2 =	sld [smem:$0x3F90];
	s0 =	simm.s32 @p1 $0x1  }
0x15: {  	[smem:$0x3FAD] =	sst s0;
	s0 =	simm.s32 @!p2 $0x0  }
0x16: {  	s3 =	sld [smem:$0x3FDB];
	s0 =	simm.s32 @p2 $0x1  }
0x17: {  	s4 =	simm.s32 $0x1BF5;
	[smem:$0x3FAF] =	sst s0  }
0x18: {  	s0 =	sld [smem:$0x3F92];
	_ =	swait.ge [sflag:s4], $0x0  }
0x19: {  	s7 =	sld [smem:$0x3F93]  }
0x1a: {  	s8 =	sadd.s32 $0xFFFFE003, lr  }
0x1b: {  	s9 =	sadd.s32 $0xFFFFFEF7, lr;
	s5 =	simm.s32 $0xFFFFFFFF;
	p2 =	slt.u32 s8, $0xFFFFF086  }
0x1c: {  	p1 =	slt.u32 s9, $0xF7A;
	s5 =	simm.s32 @!p2 $0x0  }
0x1d: {  	s5 =	simm.s32 @p1 $0x1;
	p0 =	seq.s32 s7, s2  }
0x1e: {  	s7 =	smul.u32 @!p0 $0xF7A, s2;
	p2 =	seq.s32 @!p0 s5, $0x0  }
0x1f: {  	s9 =	smul.u32 $0xF7A, s1;
	s8 =	simm.s32 @!p0 $0x1BF5;
	p2 =	por !p2, p0  }
0x20: {  	[sflag:s8] =	ssyncset.s32 @!p0 $0xFFFFF086;
	s6 =	sadd.s32 @!p0 s3, s7;
	s7 =	simm.s32 @!p0 $0x108  }
0x21: {  	s3 =	sadd.s32 s3, s9;
	s6 =	sadd.s32 @!p0 $0x88, s6;
	s7 =	simm.s32 @p2 $0x1082  }
0x22: {  	[simem:s7], [sflag:s8] =	dma.local @!p0 [hbm:s6], $0xF7A  }
0x23: {  	s9 =	sor.u32 $0xD0000000, s2;
	s6 =	simm.s32 $0x108;
	_ =	swait.ge @!p0 [sflag:s8], $0x0  }
0x24: {  	s3 =	sadd.s32 $0x88, s3;
	s6 =	simm.s32 @!p1 $0x1082;
	[sflag:s4] =	ssyncset.s32 $0xFFFFF086  }
0x25: {  	[simem:s6], [sflag:s4] =	dma.local [hbm:s3], $0xF7A  }
0x26: {  	[smem:$0x3F93] =	sst s1;
	(tag) =	ssettag s2;
	_ =	strace s9  }
0x27: {  	s1 =	sld [smem:$0x3FA3]  }
0x28: {  	s2 =	sld [smem:$0x3FA4]  }
0x29: {  	s4 =	sld [smem:$0x3FA6]  }
0x2a: {  	p0 =	seq.s32 s5, $0x0;
	s5 =	sld [smem:$0x3FA7]  }
0x2b: {  	s6 =	sld [smem:$0x3FA8]  }
0x2c: {  	s7 =	sld [smem:$0x3FA9]  }
0x2d: {  	s3 =	simm.s32 $0x108;
	s8 =	sld [smem:$0x3FAA]  }
0x2e: {  	s3 =	simm.s32 @!p0 $0x1082;
	s9 =	sld [smem:$0x3FAB]  }
0x2f: {  	lr =	sadd.s32 s0, s3;
	s0 =	sld [smem:$0x3FA2]  }
0x30: {  	s3 =	sld [smem:$0x3FA5]  }
0x31: {  	[smem:$0x3FAE] =	sst s10  }
0x32: {  	s10 =	sld [smem:$0x3FAC];
	_ =	sdelay $0x3  }
0x33: {  	p0 =	seq.s32 s10, $0x1;
	s10 =	sld [smem:$0x3FAE];
	_ =	sdelay $0x3  }
0x34: {  	[smem:$0x3FAE] =	sst s10  }
0x35: {  	s10 =	sld [smem:$0x3FAD];
	_ =	sdelay $0x3  }
0x36: {  	p1 =	seq.s32 s10, $0x1;
	s10 =	sld [smem:$0x3FAE];
	_ =	sdelay $0x3  }
0x37: {  	[smem:$0x3FAE] =	sst s10  }
0x38: {  	s10 =	sld [smem:$0x3FAF]  }
0x39: {  	_ = 	snop;
	(pc) =	sbr.ind lr, $3  }
0x3a: {  	_ = 	snop  }
0x3b: {  	_ = 	snop  }
0x3c: {  	p2 =	seq.s32 s10, $0x1;
	s10 =	sld [smem:$0x3FAE]  }
0x3d: {  	_ =	shalt  }
0x3e: {  	_ =	shalt  }
0x3f: {  	_ =	shalt  }
0x40: {  	_ =	shalt  }
0x41: {  	_ =	shalt  }
0x42: {  	_ =	shalt  }
0x43: {  	_ =	shalt  }
0x44: {  	_ =	shalt  }
0x45: {  	_ =	shalt  }
0x46: {  	_ =	shalt  }
0x47: {  	_ =	shalt  }
0x48: {  	_ =	shalt  }
0x49: {  	_ =	shalt  }
0x4a: {  	_ =	shalt  }
0x4b: {  	_ =	shalt  }
0x4c: {  	_ =	shalt  }
0x4d: {  	_ =	shalt  }
0x4e: {  	_ =	shalt  }
0x4f: {  	_ =	shalt  }
0x50: {  	_ =	shalt  }
0x51: {  	_ =	shalt  }
0x52: {  	_ =	shalt  }
0x53: {  	_ =	shalt  }
0x54: {  	_ =	shalt  }
0x55: {  	_ =	shalt  }
0x56: {  	_ =	shalt  }
0x57: {  	_ =	shalt  }
0x58: {  	_ =	shalt  }
0x59: {  	_ =	shalt  }
0x5a: {  	_ =	shalt  }
0x5b: {  	_ =	shalt  }
0x5c: {  	_ =	shalt  }
0x5d: {  	_ =	shalt  }
0x5e: {  	_ =	shalt  }
0x5f: {  	_ =	shalt  }
0x60: {  	_ =	shalt  }
0x61: {  	_ =	shalt  }
0x62: {  	_ =	shalt  }
0x63: {  	_ =	shalt  }
0x64: {  	_ =	shalt  }
0x65: {  	_ =	shalt  }
0x66: {  	_ =	shalt  }
0x67: {  	_ =	shalt  }
0x68: {  	_ =	shalt  }
0x69: {  	_ =	shalt  }
0x6a: {  	_ =	shalt  }
0x6b: {  	_ =	shalt  }
0x6c: {  	_ =	shalt  }
0x6d: {  	_ =	shalt  }
0x6e: {  	_ =	shalt  }
0x6f: {  	_ =	shalt  }
0x70: {  	_ =	shalt  }
0x71: {  	_ =	shalt  }
0x72: {  	_ =	shalt  }
0x73: {  	_ =	shalt  }
0x74: {  	_ =	shalt  }
0x75: {  	_ =	shalt  }
0x76: {  	_ =	shalt  }
0x77: {  	_ =	shalt  }
0x78: {  	_ =	shalt  }
0x79: {  	_ =	shalt  }
0x7a: {  	_ =	shalt  }
0x7b: {  	_ =	shalt  }
0x7c: {  	_ =	shalt  }
0x7d: {  	_ =	shalt  }
0x7e: {  	_ =	shalt  }
0x7f: {  	_ =	shalt  }
0x80: {  	_ =	shalt  }
0x81: {  	_ =	shalt  }
0x82: {  	_ =	shalt  }
0x83: {  	_ =	shalt  }
0x84: {  	_ =	shalt  }
0x85: {  	_ =	shalt  }
0x86: {  	_ =	shalt  }
0x87: {  	_ =	shalt  }
.Lfunc_end0:
.L_simem_size_0:
called_computation_lowered:
.L_overlay_start_0:
0x88: {  	s2 =	sld [smem:$0x3FD9]  }
0x89: {  	s3 =	sld [smem:$0x3FFE];
	_ =	sdelay $0x1  }
0x8a: {  	s1 =	srdreg.scid  }
0x8b: {  	s0 =	sand.u32 $0x1, s1  }
0x8c: {  	s14 =	sshll.u32 s0, $0xA;
	s2 =	sadd.s32 s3, s2  }
0x8d: {  	s2 =	sadd.s32 s2, s14  }
0x8e: {  	[smem:$0x3FBA] =	sst s2  }
0x8f: {  	_ = 	snop  }
0x90: {  	s2 =	sld [smem:$0x3FD0];
	_ =	sdelay $0x2  }
0x91: {  	s15 =	simm.s32 $0xA;
	s4 =	simm.s32 $0x10  }
0x92: {  	[smem:s4], [sflag:s15] =	dma.local [hbm:s2], $0x1  }
0x93: {  	_ =	swait.eq [sflag:s15], $0x1  }
0x94: {  	[sflag:s15] =	ssyncset.done $0x0  }
0x95: {  	[sflag:s15] =	ssyncadd.s32 $0xFFFFFFFF  }
0x96: {  	s16 =	sld [smem:$0x11];
	(tm) =	ssettm $0x1  }
0x97: {  	s17 =	sld [smem:$0x3FFB];
	_ =	sdelay $0x3  }
0x98: {  	_ =	strace s17  }
0x99: {  	s3 =	sld [smem:$0x3FFC];
	_ =	sdelay $0x3  }
0x9a: {  	_ =	strace s3  }
0x9b: {  	s3 =	sld [smem:$0x3FFD];
	_ =	sdelay $0x3  }
0x9c: {  	_ =	strace s3  }
0x9d: {  	_ =	strace $0x8FFFFFFF  }
0x9e: {  	s18 =	sld [smem:$0x3FDB];
	_ =	sdelay $0x1  }
0x9f: {  	s19 =	simm.s32 $_scs_section_size  }
0xa0: {  	s5 =	simm.s32 $_size__tile_overlayer_lowered;
	s6 =	simm.s32 $_tile_overlayer_lowered  }
0xa1: {  	s22 =	simm.s32 $0x1BFF;
	s21 =	sshll.u32 s6, $0x1;
	s3 =	sadd.s32 s19, s18  }
0xa2: {  	s7 =	simm.s32 $0x0;
	s20 =	sshll.u32 s5, $0x1;
	s5 =	sadd.s32 s21, s3  }
0xa3: {  	[timem:s7], [sflag:s22] =	dma.local [hbm:s5], s20  }
0xa4: {  	_ =	swait.ge [sflag:s22], s20  }
0xa5: {  	s4 =	ssub.s32 $0x0, s20;
	[sflag:s22] =	ssyncset.done $0x0  }
0xa6: {  	[sflag:s22] =	ssyncadd.s32 s4;
	_ =	sdelay $0x1  }
0xa7: {  	s23 =	simm.s32 $0x1B8B  }
0xa8: {  	_ =	swait.ge [sflag:s23], $0x1  }
0xa9: {  	[sflag:s23] =	ssyncset.done $0x0  }
0xaa: {  	s25 =	simm.s32 $0x1B8E;
	s24 =	sld [smem:$0x3FFE];
	[sflag:s23] =	ssyncadd.s32 $0xFFFFFFFF  }
0xab: {  	s26 =	simm.s32 $execute0_lowered;
	[smem:$0x3FD2] =	sst s25  }
0xac: {  	s5 =	sshll.u32 s26, $0x1;
	_ =	strace $0x80000046;
	[dreg:$0x1] =	wrdreg $0xFFFFFFFF  }
0xad: {  	s28 =	simm.s32 $_size_execute0_lowered;
	s3 =	sadd.s32 s3, s5;
	[dreg:$0x0] =	wrdreg $0x0  }
0xae: {  	s5 =	sshll.u32 s28, $0x1;
	[dreg:$0x2] =	wrdreg s3  }
0xaf: {  	[dreg:$0x3] =	wrdreg s5  }
0xb0: {  	[dreg:$0x4] =	wrdreg $0xC0  }
0xb1: {  	_ =	task [dreg:s7], $0x5FFFF  }
0xb2: {  	[dreg:$0x1] =	wrdreg $0xFFFFFFFF  }
0xb3: {  	[dreg:$0x0] =	wrdreg $0x60  }
0xb4: {  	[dreg:$0x2] =	wrdreg s24  }
0xb5: {  	[dreg:$0x3] =	wrdreg s16  }
0xb6: {  	[dreg:$0x4] =	wrdreg $0x19A500  }
0xb7: {  	[dreg:$0x5] =	wrdreg $0xAFF00  }
0xb8: {  	[dreg:$0x6] =	wrdreg $0x9  }
0xb9: {  	_ =	task.clear_ibuf [dreg:s7], $0x7FFFF;
	_ =	strace $0x90000046  }
0xba: {  	s29 =	simm.s32 $0x9;
	_ =	strace $0x80000048  }
0xbb: {  	_ =	swait.ge [sflag:s29], $0x1  }
0xbc: {  	[sflag:s29] =	ssyncadd.s32 $0xFFFFFFFF  }
0xbd: {  	_ =	strace $0x90000048  }
0xbe: {  	_ =	sfence  }
0xbf: {  	s30 =	sld [smem:$0x0];
	_ =	sdelay $0x2  }
0xc0: {  	s31 =	sshll.u32 s1, $0xD;
	s1 =	sshrl.u32 s1, $0x2  }
0xc1: {  	s3 =	sand.u32 $0x4000, s31;
	s1 =	sadd.s32 s1, s30  }
0xc2: {  	s0 =	sor.u32 s3, s0;
	s1 =	sshll.u32 s1, $0x11  }
0xc3: {  	s0 =	sor.u32 s1, s0  }
0xc4: {  	s0 =	sadd.s32 $0x8F2B, s0  }
0xc5: {  	[sflag:s0] =	ssyncadd.remote.s32 $0x1  }
0xc6: {  	_ =	sfence.sel $0xFFFF  }
0xc7: {  	[dreg:$0x0] =	wrdreg $0xFFFFFFFF;
	(pc) =	sbr.abs _section_cstart, $3  }
0xc8: {  	[dreg:$0x1] =	wrdreg $0xFFFFFFFF  }
0xc9: {  	_ =	task.clear_ibuf [dreg:s7], $0x2FFFF;
	_ =	strace $0x9FFFFFFF  }
0xca: {  	(tm) =	ssettm $0x7FFFFFFF  }
0xcb: {  	_ =	shalt  }
tec
execute0_lowered:
.L_overlay_start_1:
0x0: {  	(tag) =	ssettag $0x1  }
0x1: {  	s0 =	rddreg [dreg:$0x0]  }
0x2: {  	s4 =	rddreg [dreg:$0x1]  }
0x3: {  	s1 =	rddreg [dreg:$0x2]  }
0x4: {  	s2 =	rddreg [dreg:$0x3]  }
0x5: {  	s3 =	simm.s32 $0x0;
	s8 =	srdreg.scid;
	s19 =	stileid.u32  }
0x6: {  	s21 =	simm.s32 $0x41;
	s28 =	simm.s32 $0x3;
	s29 =	simm.s32 $0x8CF0  }
0x7: {  	s30 =	simm.s32 $0xA0;
	s31 =	simm.s32 $0x50;
	s11 =	smul.u32 $0x9E00, s19  }
0x8: {  	[smem:$0x7FF] =	sst s3;
	s5 =	sadd.s32 $0x143A00, s0;
	s9 =	smul.u32 $0x2710, s19  }
0x9: {  	s6 =	sadd.s32 $0x1393200, s0;
	s7 =	sadd.s32 $0x6200, s0;
	s15 =	smul.u32 $0xED00, s19  }
0xa: {  	s10 =	sand.u32 $0x1, s8;
	s8 =	sadd.s32 $0x1200, s0;
	s18 =	smul.u32 $0x2780, s19  }
0xb: {  	s0 =	sadd.s32 $0xB200, s0;
	p0 =	seq.s32 s19, $0xF;
	s22 =	smul.u32 $0x3B400, s19  }
0xc: {  	_ =	strace $0x80000047;
	s12 =	ssub.s32 $0x2, s10;
	s14 =	smul.u32 $0x1D4C00, s10  }
0xd: {  	s21 =	simm.s32 @!p0 $0x4F;
	s25 =	smul.u32 $0x27100, s10;
	s13 =	sshrl.u32 s12, $0x1  }
0xe: {  	s16 =	sshrl.u32 s11, $0x2;
	s11 =	smul.u32 $0x4E200, s10;
	[dreg:$0x5] =	wrdreg s21  }
0xf: {  	s12 =	ssub.s32 s12, s13;
	s13 =	smul.u32 $0x4E20, s10;
	s17 =	sadd.s32 s15, s14  }
0x10: {  	s16 =	sadd.s32 s16, s1;
	s14 =	sshrl.u32 s14, $0x3;
	s15 =	sadd.s32 s15, s2  }
0x11: {  	s10 =	sshllo.u32 s10, $0x1;
	s26 =	sadd.s32 s18, s25;
	[dreg:$0x6] =	wrdreg s16  }
0x12: {  	s24 =	sshrl.u32 s17, $0x3;
	[dreg:$0x8] =	wrdreg s15;
	s16 =	smul.u32 $0x27100, s10  }
0x13: {  	s15 =	sshrl.u32 s26, $0x3;
	s17 =	sshrl.u32 s25, $0x3;
	s23 =	smax.u32 s12, $0x1  }
0x14: {  	s25 =	sadd.s32 $0xDE300, s2;
	s20 =	sadd.s32 s4, s24;
	[dreg:$0xd] =	wrdreg s23  }
0x15: {  	s4 =	sadd.s32 s4, s14;
	s24 =	sshrl.u32 s22, $0x2;
	[dreg:$0x11] =	wrdreg s25  }
0x16: {  	s14 =	sadd.s32 $0x1BC60, s4;
	s4 =	sadd.s32 $0x39120, s4;
	[dreg:$0x7] =	wrdreg s20  }
0x17: {  	s24 =	sadd.s32 s24, s2;
	s26 =	sadd.s32 $0x1D4C0, s20;
	[dreg:$0x9] =	wrdreg s14  }
0x18: {  	s14 =	smul.u32 $0x2710, s10;
	s10 =	sadd.s32 s0, s15;
	[dreg:$0xb] =	wrdreg s4  }
0x19: {  	s0 =	sadd.s32 s0, s17;
	s15 =	sadd.s32 s18, s1;
	[dreg:$0x12] =	wrdreg s26  }
0x1a: {  	s26 =	simm.s32 $0xAAF0;
	[dreg:$0xe] =	wrdreg s24;
	s0 =	sadd.s32 $0x4A10, s0  }
0x1b: {  	s4 =	simm.s32 $0x46F0;
	[dreg:$0xc] =	wrdreg s0;
	s0 =	sadd.s32 $0x25080, s1  }
0x1c: {  	s17 =	simm.s32 $0x0;
	[dreg:$0xa] =	wrdreg s10;
	s0 =	sshrl.u32 @p0 s0, $0x3  }
0x1d: {  	v1 =	vmov s14;
	s14 =	simm.s32 $0x1;
	[dreg:$0xf] =	wrdreg s0;
	s0 =	sshrl.u32 @!p0 s15, $0x3  }
0x1e: {  	v2 =	vimm.f32 $0.0e+00;
	v0 =	vmov s13;
	s15 =	simm.s32 $0x2;
	[dreg:$0x10] =	wrdreg s0;
	s0 =	simm.s32 $0xF0  }
.LBB2_1:
0x1f: {  	s12 =	simm.s32 $0x0  }
0x20: {  	s10 =	simm.s32 $0x8D20;
	[tilespmem:s12+$0xAAF0] =	vst v2;
	s12 =	simm.s32 $0x40  }
.LBB2_2:
0x21: {  	p1 =	sne.s32 s12, $0x13C0;
	[tilespmem:s10+$0xFFFFFFD0] =	vst v2  }
0x22: {  	[tilespmem:s10+$0xFFFFFFE0] =	vst v2  }
.Ltmp0:
0x23: {  	[tilespmem:s10+$0xFFFFFFF0] =	vst v2;
	(pc) =	sbr.rel @p1 .LBB2_2-.Ltmp0, $4  }
0x24: {  	[tilespmem:s10+$0x0] =	vst v2  }
0x25: {  	[tilespmem:s10+$0x10] =	vst v2  }
0x26: {  	s13 =	sshra.s32 s12, $0x2;
	[tilespmem:s10+$0x20] =	vst v2  }
0x27: {  	s12 =	sadd.s32 $0x40, s12;
	s10 =	sadd.s32 $0x60, s10;
	[tilespmem:s13+$0xAAF0] =	vst v2  }
0x28: {  	[tilespmem:s10+$0xFFFFFFD0] =	vst v2  }
0x29: {  	[tilespmem:s10+$0xFFFFFFE0] =	vst v2  }
0x2a: {  	[tilespmem:s10+$0xFFFFFFF0] =	vst v2  }
0x2b: {  	[tilespmem:s10+$0x0] =	vst v2;
	p1 =	sne.s32 s21, $0x1  }
.Ltmp1:
0x2c: {  	[tilespmem:s10+$0x10] =	vst v2;
	(pc) =	sbr.rel @!p1 .LBB2_5-.Ltmp1, $4  }
0x2d: {  	[tilespmem:s10+$0x20] =	vst v2;
	s12 =	rddreg [dreg:$0x6]  }
0x2e: {  	[spmem:s12] =	stream.linear.scatter [tilespmem:s26], [sflag:$0x3], $0x80, $0x38;
	[tilespmem:$0x1C160] =	vst v63  }
0x2f: {  	_ =	swait.ge [sflag:s28], $0x80  }
0x30: {  	s10 =	sadd.s32 $0xFFFFFFFF, s21;
	[sflag:s28] =	ssyncset.done $0x0  }
.LBB2_4:
0x31: {  	p2 =	sne.s32 s10, $0x1;
	[sflag:s28] =	ssyncadd.s32 $0xFFFFFF80;
	s12 =	sadd.s32 $0x80, s12  }
.Ltmp2:
0x32: {  	s10 =	sadd.s32 $0xFFFFFFFF, s10;
	(pc) =	sbr.rel @p2 .LBB2_4-.Ltmp2, $4  }
0x33: {  	_ = 	snop  }
0x34: {  	[spmem:s12] =	stream.linear.scatter [tilespmem:s26], [sflag:$0x3], $0x80, $0x38;
	[tilespmem:$0x1C160] =	vst v63  }
0x35: {  	_ =	swait.ge [sflag:s28], $0x80  }
0x36: {  	[sflag:s28] =	ssyncset.done $0x0  }
.LBB2_5:
0x37: {  	[sflag:s28] =	ssyncadd.s32 $0xFFFFFF80  }
0x38: {  	[tilespmem:$0x8CF0] =	vst v2  }
0x39: {  	[tilespmem:$0x8D00] =	vst v2  }
0x3a: {  	[tilespmem:$0x8D10] =	vst v2  }
0x3b: {  	[tilespmem:$0x8D20] =	vst v2  }
0x3c: {  	[tilespmem:$0x8D30] =	vst v2  }
0x3d: {  	[tilespmem:$0x8D40] =	vst v2  }
0x3e: {  	[tilespmem:$0x8D50] =	vst v2  }
0x3f: {  	[tilespmem:$0x8D60] =	vst v2  }
0x40: {  	[tilespmem:$0x8D70] =	vst v2  }
0x41: {  	[tilespmem:$0x8D80] =	vst v2  }
0x42: {  	[tilespmem:$0x8D90] =	vst v2  }
0x43: {  	[tilespmem:$0x8DA0] =	vst v2  }
0x44: {  	[tilespmem:$0x8DB0] =	vst v2  }
0x45: {  	[tilespmem:$0x8DC0] =	vst v2  }
0x46: {  	[tilespmem:$0x8DD0] =	vst v2  }
0x47: {  	[tilespmem:$0x8DE0] =	vst v2  }
0x48: {  	[tilespmem:$0x8DF0] =	vst v2  }
0x49: {  	[tilespmem:$0x8E00] =	vst v2  }
0x4a: {  	[tilespmem:$0x8E10] =	vst v2  }
0x4b: {  	[tilespmem:$0x8E20] =	vst v2  }
0x4c: {  	[tilespmem:$0x8E30] =	vst v2  }
0x4d: {  	[tilespmem:$0x8E40] =	vst v2  }
0x4e: {  	[tilespmem:$0x8E50] =	vst v2  }
0x4f: {  	[tilespmem:$0x8E60] =	vst v2  }
0x50: {  	[tilespmem:$0x8E70] =	vst v2  }
0x51: {  	[tilespmem:$0x8E80] =	vst v2  }
0x52: {  	[tilespmem:$0x8E90] =	vst v2  }
0x53: {  	[tilespmem:$0x8EA0] =	vst v2  }
0x54: {  	[tilespmem:$0x8EB0] =	vst v2  }
0x55: {  	[tilespmem:$0x8EC0] =	vst v2  }
0x56: {  	[tilespmem:$0x8ED0] =	vst v2  }
0x57: {  	[tilespmem:$0x8EE0] =	vst v2  }
0x58: {  	[tilespmem:$0x8EF0] =	vst v2  }
0x59: {  	[tilespmem:$0x8F00] =	vst v2  }
0x5a: {  	[tilespmem:$0x8F10] =	vst v2  }
0x5b: {  	[tilespmem:$0x8F20] =	vst v2  }
0x5c: {  	[tilespmem:$0x8F30] =	vst v2  }
0x5d: {  	[tilespmem:$0x8F40] =	vst v2  }
0x5e: {  	[tilespmem:$0x8F50] =	vst v2  }
0x5f: {  	[tilespmem:$0x8F60] =	vst v2  }
0x60: {  	[tilespmem:$0x8F70] =	vst v2  }
0x61: {  	[tilespmem:$0x8F80] =	vst v2  }
0x62: {  	[tilespmem:$0x8F90] =	vst v2  }
0x63: {  	[tilespmem:$0x8FA0] =	vst v2  }
0x64: {  	[tilespmem:$0x8FB0] =	vst v2  }
0x65: {  	[tilespmem:$0x8FC0] =	vst v2  }
.Ltmp3:
0x66: {  	[tilespmem:$0x8FD0] =	vst v2;
	(pc) =	sbr.rel @!p1 .LBB2_7-.Ltmp3, $4  }
0x67: {  	[tilespmem:$0x8FE0] =	vst v2  }
0x68: {  	[spmem:s24] =	stream.linear.scatter [tilespmem:s29], [sflag:$0x3], $0x300, $0x38;
	[tilespmem:$0x1C160] =	vst v63  }
0x69: {  	_ =	swait.ge [sflag:s28], $0x300  }
0x6a: {  	s10 =	sadd.s32 $0xFFFFFFFF, s21;
	s12 =	smov.u32 s24;
	[sflag:s28] =	ssyncset.done $0x0  }
.LBB2_6:
0x6b: {  	p2 =	sne.s32 s10, $0x1;
	[sflag:s28] =	ssyncadd.s32 $0xFFFFFD00;
	s12 =	sadd.s32 $0x300, s12  }
.Ltmp4:
0x6c: {  	s10 =	sadd.s32 $0xFFFFFFFF, s10;
	(pc) =	sbr.rel @p2 .LBB2_6-.Ltmp4, $4  }
0x6d: {  	_ = 	snop  }
0x6e: {  	[spmem:s12] =	stream.linear.scatter [tilespmem:s29], [sflag:$0x3], $0x300, $0x38;
	[tilespmem:$0x1C160] =	vst v63  }
0x6f: {  	_ =	swait.ge [sflag:s28], $0x300  }
0x70: {  	[sflag:s28] =	ssyncset.done $0x0  }
.LBB2_7:
0x71: {  	[sflag:s28] =	ssyncadd.s32 $0xFFFFFD00  }
0x72: {  	s18 =	simm.s32 $0x0;
	[bflag:$0x0] =	sbarrier.arrive $0xFFFF  }
.LBB2_8:
0x73: {  	s10 =	smul.u32 $0x50, s18;
	_ =	sdelay $0x1  }
0x74: {  	s10 =	sadd.s32 s9, s10  }
0x75: {  	s12 =	sshrl.u32 s10, $0x3  }
0x76: {  	s13 =	sadd.s32 s7, s12  }
0x77: {  	[tilespmem:s3], [sflag:$0x3] =	stream.linear.gather [hbm4b:s13+s3], $0x50, $0x38;
	[tilespmem:$0x1C160] =	vst v63  }
0x78: {  	_ =	swait.ge [sflag:s28], $0x50  }
0x79: {  	[sflag:s28] =	ssyncset.done $0x0  }
0x7a: {  	s12 =	sadd.s32 s8, s12;
	[sflag:s28] =	ssyncadd.s32 $0xFFFFFFB0  }
0x7b: {  	[tilespmem:s30], [sflag:$0x3] =	stream.linear.gather [hbm4b:s12+s3], $0x50, $0x38;
	[tilespmem:$0x1C160] =	vst v63  }
0x7c: {  	_ =	swait.ge [sflag:s28], $0x50  }
0x7d: {  	[sflag:s28] =	ssyncset.done $0x0  }
0x7e: {  	[sflag:s28] =	ssyncadd.s32 $0xFFFFFFB0  }
0x7f: {  	v3 =	vld [tilespmem:$0x0]  }
0x80: {  	v4 =	vld [tilespmem:$0x10]  }
0x81: {  	v5 =	vld [tilespmem:$0x20]  }
0x82: {  	v6 =	vld [tilespmem:$0x30]  }
0x83: {  	v7 =	vld [tilespmem:$0x40]  }
0x84: {  	v3 =	vadd.s32 v0, v3  }
0x85: {  	[tilespmem:$0x50] =	vst v3;
	v3 =	vadd.s32 v0, v4  }
0x86: {  	[tilespmem:$0x60] =	vst v3;
	v3 =	vadd.s32 v0, v5  }
0x87: {  	[tilespmem:$0x70] =	vst v3;
	v3 =	vadd.s32 v0, v6  }
0x88: {  	s10 =	sadd.s32 s11, s10;
	[tilespmem:$0x80] =	vst v3;
	v3 =	vadd.s32 v0, v7  }
0x89: {  	s10 =	smul.u32 $0x1C, s10;
	[tilespmem:$0x90] =	vst v3  }
0x8a: {  	[tilespmem:s0], [sflag:$0x1] =	stream.indirect.gather [hbm4b:s5+s31], $0xE0, s31, s31, $0xb8;
	[tilespmem:$0x1C160] =	vst v63  }
0x8b: {  	s10 =	sadd.s32 s6, s10  }
0x8c: {  	[tilespmem:s4], [sflag:$0x2] =	stream.linear.gather [hbm4b:s10+s3], $0x4600, $0x38;
	[tilespmem:$0x1C160] =	vst v63  }
0x8d: {  	_ =	swait.ge [sflag:s14], $0x4600  }
0x8e: {  	[sflag:s14] =	ssyncset.done $0x0  }
0x8f: {  	[sflag:s14] =	ssyncadd.s32 $0xFFFFBA00  }
0x90: {  	_ =	swait.ge [sflag:s15], $0x4600  }
0x91: {  	[sflag:s15] =	ssyncset.done $0x0  }
0x92: {  	s19 =	simm.s32 $0xD0;
	[sflag:s15] =	ssyncadd.s32 $0xFFFFBA00  }
0x93: {  	v3 =	vld [tilespmem:s19+$0x4620]  }
0x94: {  	v4 =	vld [tilespmem:s19+$0x4680]  }
0x95: {  	v5 =	vld [tilespmem:s19+$0x20]  }
0x96: {  	v6 =	vld [tilespmem:s19+$0x80];
	_ =	sdelay $0x4  }
0x97: {  	v3 =	vmul.f32 v3, v5;
	v4 =	vmul.f32 v4, v6;
	_ =	sdelay $0x1  }
0x98: {  	v3 =	vadd.f32 v4, v3  }
0x99: {  	s20 =	simm.s32 $0x8D20  }
0x9a: {  	[tilespmem:s20+$0xFFFFFFD0] =	vst v3  }
0x9b: {  	v3 =	vld [tilespmem:s19+$0x30]  }
0x9c: {  	v4 =	vld [tilespmem:s19+$0x4630]  }
0x9d: {  	v5 =	vld [tilespmem:s19+$0x4690]  }
0x9e: {  	v6 =	vld [tilespmem:s19+$0x90];
	_ =	sdelay $0x4  }
0x9f: {  	v3 =	vmul.f32 v4, v3;
	v4 =	vmul.f32 v5, v6;
	_ =	sdelay $0x1  }
0xa0: {  	v3 =	vadd.f32 v4, v3;
	_ =	sdelay $0x1  }
0xa1: {  	[tilespmem:s20+$0xFFFFFFE0] =	vst v3  }
0xa2: {  	v3 =	vld [tilespmem:s19+$0x40]  }
0xa3: {  	v4 =	vld [tilespmem:s19+$0x4640]  }
0xa4: {  	v5 =	vld [tilespmem:s19+$0x46A0]  }
0xa5: {  	v6 =	vld [tilespmem:s19+$0xA0];
	_ =	sdelay $0x4  }
0xa6: {  	v3 =	vmul.f32 v4, v3;
	v4 =	vmul.f32 v5, v6;
	_ =	sdelay $0x1  }
0xa7: {  	v3 =	vadd.f32 v4, v3;
	_ =	sdelay $0x1  }
0xa8: {  	[tilespmem:s20+$0xFFFFFFF0] =	vst v3  }
0xa9: {  	v3 =	vld [tilespmem:s19+$0x50]  }
0xaa: {  	v4 =	vld [tilespmem:s19+$0x4650]  }
0xab: {  	v5 =	vld [tilespmem:s19+$0x46B0]  }
0xac: {  	v6 =	vld [tilespmem:s19+$0xB0];
	_ =	sdelay $0x4  }
0xad: {  	v3 =	vmul.f32 v4, v3;
	v4 =	vmul.f32 v5, v6;
	_ =	sdelay $0x1  }
0xae: {  	v3 =	vadd.f32 v4, v3;
	_ =	sdelay $0x1  }
0xaf: {  	[tilespmem:s20+$0x0] =	vst v3  }
0xb0: {  	v3 =	vld [tilespmem:s19+$0x60]  }
0xb1: {  	v4 =	vld [tilespmem:s19+$0x4660]  }
0xb2: {  	v5 =	vld [tilespmem:s19+$0xC0]  }
0xb3: {  	v6 =	vld [tilespmem:s19+$0x46C0];
	_ =	sdelay $0x4  }
0xb4: {  	v3 =	vmul.f32 v4, v3;
	v4 =	vmul.f32 v6, v5;
	_ =	sdelay $0x1  }
0xb5: {  	v3 =	vadd.f32 v4, v3;
	_ =	sdelay $0x1  }
0xb6: {  	[tilespmem:s20+$0x10] =	vst v3  }
0xb7: {  	v3 =	vld [tilespmem:s19+$0x70]  }
0xb8: {  	v5 =	vld [tilespmem:s19+$0x4670]  }
0xb9: {  	s23 =	simm.s32 $0xAAF0;
	v4 =	vld [tilespmem:s19+$0xD0]  }
0xba: {  	s22 =	simm.s32 $0xAAF0;
	s13 =	simm.s32 $0x8D20;
	s12 =	simm.s32 $0x6C0;
	v6 =	vld [tilespmem:s19+$0x46D0]  }
.LBB2_9:
0xbb: {  	_ = 	snop  }
0xbc: {  	p2 =	sne.s32 s12, $0x117C0;
	s23 =	sadd.s32 $0x10, s23;
	s20 =	sadd.s32 $0x60, s20  }
0xbd: {  	s10 =	smov.u32 s12;
	s12 =	sadd.s32 $0x380, s12;
	v3 =	vmul.f32 v5, v3;
	_ =	sdelay $0x1  }
0xbe: {  	v4 =	vmul.f32 v6, v4;
	_ =	sdelay $0x1  }
0xbf: {  	v3 =	vadd.f32 v4, v3;
	_ =	sdelay $0x1  }
0xc0: {  	[tilespmem:s13+$0x20] =	vst v3;
	s13 =	smov.u32 s20  }
0xc1: {  	v3 =	vld [tilespmem:s19+$0xE0]  }
0xc2: {  	v4 =	vld [tilespmem:s19+$0x46E0]  }
0xc3: {  	v5 =	vld [tilespmem:s19+$0xF0]  }
0xc4: {  	v6 =	vld [tilespmem:s19+$0x46F0];
	_ =	sdelay $0x2  }
0xc5: {  	v3 =	vmul.f32 v4, v3;
	_ =	sdelay $0x1  }
0xc6: {  	v3 =	vadd.f32 $0.0e+00, v3;
	v4 =	vmul.f32 v6, v5;
	_ =	sdelay $0x1  }
0xc7: {  	v3 =	vadd.f32 v4, v3;
	_ =	sdelay $0x1  }
0xc8: {  	s19 =	sshra.s32 s10, $0x2;
	[tilespmem:s22+$0x0] =	vst v3;
	s22 =	smov.u32 s23  }
0xc9: {  	v3 =	vld [tilespmem:s19+$0x4620]  }
0xca: {  	v4 =	vld [tilespmem:s19+$0x4680]  }
0xcb: {  	v5 =	vld [tilespmem:s19+$0x20]  }
0xcc: {  	v6 =	vld [tilespmem:s19+$0x80];
	_ =	sdelay $0x4  }
0xcd: {  	v3 =	vmul.f32 v3, v5;
	v4 =	vmul.f32 v4, v6;
	_ =	sdelay $0x1  }
0xce: {  	v3 =	vadd.f32 v4, v3;
	_ =	sdelay $0x1  }
0xcf: {  	[tilespmem:s20+$0xFFFFFFD0] =	vst v3  }
0xd0: {  	v3 =	vld [tilespmem:s19+$0x30]  }
0xd1: {  	v4 =	vld [tilespmem:s19+$0x4630]  }
0xd2: {  	v5 =	vld [tilespmem:s19+$0x4690]  }
0xd3: {  	v6 =	vld [tilespmem:s19+$0x90];
	_ =	sdelay $0x2  }
0xd4: {  	v3 =	vmul.f32 v4, v3;
	_ =	sdelay $0x1  }
0xd5: {  	v4 =	vmul.f32 v5, v6;
	_ =	sdelay $0x1  }
0xd6: {  	v3 =	vadd.f32 v4, v3;
	_ =	sdelay $0x1  }
0xd7: {  	[tilespmem:s20+$0xFFFFFFE0] =	vst v3  }
0xd8: {  	v3 =	vld [tilespmem:s19+$0x40]  }
0xd9: {  	v4 =	vld [tilespmem:s19+$0x4640]  }
0xda: {  	v5 =	vld [tilespmem:s19+$0x46A0];
	_ =	sdelay $0x1  }
0xdb: {  	v6 =	vld [tilespmem:s19+$0xA0];
	_ =	sdelay $0x1  }
0xdc: {  	v3 =	vmul.f32 v4, v3;
	_ =	sdelay $0x2  }
0xdd: {  	v4 =	vmul.f32 v5, v6;
	_ =	sdelay $0x1  }
0xde: {  	v3 =	vadd.f32 v4, v3;
	_ =	sdelay $0x1  }
0xdf: {  	[tilespmem:s20+$0xFFFFFFF0] =	vst v3  }
0xe0: {  	v3 =	vld [tilespmem:s19+$0x50]  }
0xe1: {  	v4 =	vld [tilespmem:s19+$0x4650]  }
0xe2: {  	v5 =	vld [tilespmem:s19+$0x46B0]  }
0xe3: {  	v6 =	vld [tilespmem:s19+$0xB0];
	_ =	sdelay $0x2  }
0xe4: {  	v3 =	vmul.f32 v4, v3;
	_ =	sdelay $0x1  }
0xe5: {  	v4 =	vmul.f32 v5, v6;
	_ =	sdelay $0x1  }
0xe6: {  	v3 =	vadd.f32 v4, v3;
	_ =	sdelay $0x1  }
0xe7: {  	[tilespmem:s20+$0x0] =	vst v3  }
0xe8: {  	v3 =	vld [tilespmem:s19+$0x60]  }
0xe9: {  	v4 =	vld [tilespmem:s19+$0x4660]  }
0xea: {  	v5 =	vld [tilespmem:s19+$0xC0]  }
0xeb: {  	v6 =	vld [tilespmem:s19+$0x46C0];
	_ =	sdelay $0x2  }
0xec: {  	v3 =	vmul.f32 v4, v3;
	_ =	sdelay $0x1  }
0xed: {  	v4 =	vmul.f32 v6, v5;
	_ =	sdelay $0x1  }
0xee: {  	v3 =	vadd.f32 v4, v3;
	_ =	sdelay $0x1  }
.Ltmp5:
0xef: {  	[tilespmem:s20+$0x10] =	vst v3;
	(pc) =	sbr.rel @p2 .LBB2_9-.Ltmp5, $4  }
0xf0: {  	v3 =	vld [tilespmem:s19+$0x70]  }
0xf1: {  	v5 =	vld [tilespmem:s19+$0x4670]  }
0xf2: {  	v4 =	vld [tilespmem:s19+$0xD0]  }
0xf3: {  	v6 =	vld [tilespmem:s19+$0x46D0]  }
0xf4: {  	_ =	sdelay $0x3  }
0xf5: {  	v3 =	vmul.f32 v5, v3;
	v4 =	vmul.f32 v6, v4;
	_ =	sdelay $0x1  }
0xf6: {  	v3 =	vadd.f32 v4, v3;
	_ =	sdelay $0x1  }
0xf7: {  	[tilespmem:s13+$0x20] =	vst v3  }
0xf8: {  	v3 =	vld [tilespmem:s19+$0xE0]  }
0xf9: {  	v60 =	vld [tilespmem:s19+$0x46E0]  }
0xfa: {  	v61 =	vld [tilespmem:s19+$0xF0]  }
0xfb: {  	v62 =	vld [tilespmem:s19+$0x46F0];
	_ =	sdelay $0x2  }
0xfc: {  	v3 =	vmul.f32 v60, v3;
	_ =	sdelay $0x1  }
0xfd: {  	v63 =	vmul.f32 v62, v61;
	v3 =	vadd.f32 $0.0e+00, v3;
	_ =	sdelay $0x1  }
0xfe: {  	v3 =	vadd.f32 v63, v3;
	_ =	sdelay $0x1  }
0xff: {  	[tilespmem:s22+$0x0] =	vst v3  }
0x100: {  	[spmem:s2] =	stream.indirect.scatter.add.f32 [tilespmem:s29], [sflag:$0x3], $0x60, s30, s31, $0xb8;
	[tilespmem:$0x1C160] =	vst v63  }
0x101: {  	s18 =	sadd.s32 $0x1, s18;
	_ =	swait.ge [sflag:s28], $0x1E00  }
0x102: {  	p2 =	sne.s32 s18, $0x7D;
	[sflag:s28] =	ssyncset.done $0x0  }
.Ltmp6:
0x103: {  	[sflag:s28] =	ssyncadd.s32 $0xFFFFE200;
	(pc) =	sbr.rel @p2 .LBB2_8-.Ltmp6, $4  }
0x104: {  	[spmem:s1] =	stream.indirect.scatter.add.f32 [tilespmem:s26], [sflag:$0x3], $0x10, s30, s31, $0xb8;
	[tilespmem:$0x1C160] =	vst v63  }
0x105: {  	_ =	swait.ge [sflag:s28], $0x500  }
0x106: {  	[sflag:s28] =	ssyncset.done $0x0  }
0x107: {  	[sflag:s28] =	ssyncadd.s32 $0xFFFFFB00  }
0x108: {  	[bflag:$0x0] =	sbarrier.arrive $0xFFFF  }
0x109: {  	s10 =	rddreg [dreg:$0x11]  }
0x10a: {  	s12 =	rddreg [dreg:$0x9];
	s20 =	sshrl.u32 @p0 s10, $0x3;
	s10 =	simm.s32 @p0 $0x1FC3  }
0x10b: {  	[hbm:s12], [sflag:s10] =	dma.local @p0 [spmem:s20], $0x1860  }
0x10c: {  	s10 =	simm.s32 @p0 $0x3  }
0x10d: {  	_ =	swait.ge @p0 [sflag:s10], $0x1860  }
0x10e: {  	s12 =	stileid.u32;
	[sflag:s10] =	ssyncset.done @p0 $0x0  }
0x10f: {  	s12 =	sshll.u32 @!p0 s12, $0x6;
	[sflag:s10] =	ssyncadd.s32 @p0 $0xFFFFE7A0;
	s10 =	rddreg [dreg:$0x8]  }
0x110: {  	s18 =	sor.u32 @!p0 $0x1C03, s12;
	s19 =	sshrl.u32 @!p0 s10, $0x3;
	s10 =	rddreg [dreg:$0x7]  }
0x111: {  	[hbm:s10], [sflag:s18] =	dma.local @!p0 [spmem:s19], $0x1DA0  }
0x112: {  	s10 =	simm.s32 @!p0 $0x3  }
0x113: {  	_ =	swait.ge @!p0 [sflag:s10], $0x1DA0  }
0x114: {  	[sflag:s10] =	ssyncset.done @!p0 $0x0  }
0x115: {  	[sflag:s10] =	ssyncadd.s32 @!p0 $0xFFFFE260  }
0x116: {  	[tilespmem:$0x8CF0] =	vst v2  }
0x117: {  	[tilespmem:$0x8D00] =	vst v2  }
0x118: {  	[tilespmem:$0x8D10] =	vst v2  }
0x119: {  	[tilespmem:$0x8D20] =	vst v2  }
0x11a: {  	[tilespmem:$0x8D30] =	vst v2  }
0x11b: {  	[tilespmem:$0x8D40] =	vst v2  }
0x11c: {  	[tilespmem:$0x8D50] =	vst v2  }
0x11d: {  	[tilespmem:$0x8D60] =	vst v2  }
0x11e: {  	[tilespmem:$0x8D70] =	vst v2  }
0x11f: {  	[tilespmem:$0x8D80] =	vst v2  }
0x120: {  	[tilespmem:$0x8D90] =	vst v2  }
0x121: {  	[tilespmem:$0x8DA0] =	vst v2  }
0x122: {  	[tilespmem:$0x8DB0] =	vst v2  }
0x123: {  	[tilespmem:$0x8DC0] =	vst v2  }
0x124: {  	[tilespmem:$0x8DD0] =	vst v2  }
0x125: {  	[tilespmem:$0x8DE0] =	vst v2  }
0x126: {  	[tilespmem:$0x8DF0] =	vst v2  }
0x127: {  	[tilespmem:$0x8E00] =	vst v2  }
0x128: {  	[tilespmem:$0x8E10] =	vst v2  }
0x129: {  	[tilespmem:$0x8E20] =	vst v2  }
0x12a: {  	[tilespmem:$0x8E30] =	vst v2  }
0x12b: {  	[tilespmem:$0x8E40] =	vst v2  }
0x12c: {  	[tilespmem:$0x8E50] =	vst v2  }
0x12d: {  	[tilespmem:$0x8E60] =	vst v2  }
0x12e: {  	[tilespmem:$0x8E70] =	vst v2  }
0x12f: {  	[tilespmem:$0x8E80] =	vst v2  }
0x130: {  	[tilespmem:$0x8E90] =	vst v2  }
0x131: {  	[tilespmem:$0x8EA0] =	vst v2  }
0x132: {  	[tilespmem:$0x8EB0] =	vst v2  }
0x133: {  	[tilespmem:$0x8EC0] =	vst v2  }
0x134: {  	[tilespmem:$0x8ED0] =	vst v2  }
0x135: {  	[tilespmem:$0x8EE0] =	vst v2  }
0x136: {  	[tilespmem:$0x8EF0] =	vst v2  }
0x137: {  	[tilespmem:$0x8F00] =	vst v2  }
0x138: {  	[tilespmem:$0x8F10] =	vst v2  }
0x139: {  	[tilespmem:$0x8F20] =	vst v2  }
0x13a: {  	[tilespmem:$0x8F30] =	vst v2  }
0x13b: {  	[tilespmem:$0x8F40] =	vst v2  }
0x13c: {  	[tilespmem:$0x8F50] =	vst v2  }
0x13d: {  	[tilespmem:$0x8F60] =	vst v2  }
0x13e: {  	[tilespmem:$0x8F70] =	vst v2  }
0x13f: {  	[tilespmem:$0x8F80] =	vst v2  }
0x140: {  	[tilespmem:$0x8F90] =	vst v2  }
0x141: {  	[tilespmem:$0x8FA0] =	vst v2  }
0x142: {  	[tilespmem:$0x8FB0] =	vst v2  }
0x143: {  	[tilespmem:$0x8FC0] =	vst v2  }
.Ltmp7:
0x144: {  	[tilespmem:$0x8FD0] =	vst v2;
	(pc) =	sbr.rel @!p1 .LBB2_13-.Ltmp7, $4  }
0x145: {  	[tilespmem:$0x8FE0] =	vst v2  }
0x146: {  	[spmem:s24] =	stream.linear.scatter [tilespmem:s29], [sflag:$0x3], $0x300, $0x38;
	[tilespmem:$0x1C160] =	vst v63  }
0x147: {  	_ =	swait.ge [sflag:s28], $0x300  }
0x148: {  	s12 =	smov.u32 s24;
	s10 =	sadd.s32 $0xFFFFFFFF, s21;
	[sflag:s28] =	ssyncset.done $0x0  }
.LBB2_12:
0x149: {  	p1 =	sne.s32 s10, $0x1;
	[sflag:s28] =	ssyncadd.s32 $0xFFFFFD00;
	s12 =	sadd.s32 $0x300, s12  }
.Ltmp8:
0x14a: {  	s10 =	sadd.s32 $0xFFFFFFFF, s10;
	(pc) =	sbr.rel @p1 .LBB2_12-.Ltmp8, $4  }
0x14b: {  	_ = 	snop  }
0x14c: {  	[spmem:s12] =	stream.linear.scatter [tilespmem:s29], [sflag:$0x3], $0x300, $0x38;
	[tilespmem:$0x1C160] =	vst v63  }
0x14d: {  	_ =	swait.ge [sflag:s28], $0x300  }
0x14e: {  	[sflag:s28] =	ssyncset.done $0x0  }
.LBB2_13:
0x14f: {  	[sflag:s28] =	ssyncadd.s32 $0xFFFFFD00  }
0x150: {  	s22 =	simm.s32 $0x0;
	[bflag:$0x0] =	sbarrier.arrive $0xFFFF  }
.LBB2_14:
0x151: {  	s10 =	smul.u32 $0x50, s22;
	_ =	sdelay $0x1  }
0x152: {  	s10 =	sadd.s32 s9, s10  }
0x153: {  	s12 =	sshrl.u32 s10, $0x3  }
0x154: {  	s13 =	sadd.s32 s7, s12  }
0x155: {  	[tilespmem:s3], [sflag:$0x3] =	stream.linear.gather [hbm4b:s13+s3], $0x50, $0x38;
	[tilespmem:$0x1C160] =	vst v63  }
0x156: {  	_ =	swait.ge [sflag:s28], $0x50  }
0x157: {  	[sflag:s28] =	ssyncset.done $0x0  }
0x158: {  	s12 =	sadd.s32 s8, s12;
	[sflag:s28] =	ssyncadd.s32 $0xFFFFFFB0  }
0x159: {  	[tilespmem:s30], [sflag:$0x3] =	stream.linear.gather [hbm4b:s12+s3], $0x50, $0x38;
	[tilespmem:$0x1C160] =	vst v63  }
0x15a: {  	_ =	swait.ge [sflag:s28], $0x50  }
0x15b: {  	[sflag:s28] =	ssyncset.done $0x0  }
0x15c: {  	[sflag:s28] =	ssyncadd.s32 $0xFFFFFFB0  }
0x15d: {  	v3 =	vld [tilespmem:$0x0]  }
0x15e: {  	v4 =	vld [tilespmem:$0x10]  }
0x15f: {  	v5 =	vld [tilespmem:$0x20]  }
0x160: {  	v6 =	vld [tilespmem:$0x30]  }
0x161: {  	v7 =	vld [tilespmem:$0x40]  }
0x162: {  	v3 =	vadd.s32 v1, v3  }
0x163: {  	[tilespmem:$0x50] =	vst v3;
	v3 =	vadd.s32 v1, v4  }
0x164: {  	[tilespmem:$0x60] =	vst v3;
	v3 =	vadd.s32 v1, v5  }
0x165: {  	[tilespmem:$0x70] =	vst v3;
	v3 =	vadd.s32 v1, v6  }
0x166: {  	s10 =	sadd.s32 s16, s10;
	[tilespmem:$0x80] =	vst v3;
	v3 =	vadd.s32 v1, v7  }
0x167: {  	s10 =	smul.u32 $0x1C, s10;
	[tilespmem:$0x90] =	vst v3  }
0x168: {  	[tilespmem:s0], [sflag:$0x1] =	stream.indirect.gather [hbm4b:s5+s31], $0xE0, s31, s31, $0xb8;
	[tilespmem:$0x1C160] =	vst v63  }
0x169: {  	s10 =	sadd.s32 s6, s10  }
0x16a: {  	[tilespmem:s4], [sflag:$0x2] =	stream.linear.gather [hbm4b:s10+s3], $0x4600, $0x38;
	[tilespmem:$0x1C160] =	vst v63  }
0x16b: {  	_ =	swait.ge [sflag:s14], $0x4600  }
0x16c: {  	[sflag:s14] =	ssyncset.done $0x0  }
0x16d: {  	[sflag:s14] =	ssyncadd.s32 $0xFFFFBA00  }
0x16e: {  	_ =	swait.ge [sflag:s15], $0x4600  }
0x16f: {  	[sflag:s15] =	ssyncset.done $0x0  }
0x170: {  	s23 =	simm.s32 $0xD0;
	[sflag:s15] =	ssyncadd.s32 $0xFFFFBA00  }
0x171: {  	v3 =	vld [tilespmem:s23+$0x4620]  }
0x172: {  	v4 =	vld [tilespmem:s23+$0x4680]  }
0x173: {  	v5 =	vld [tilespmem:s23+$0x20]  }
0x174: {  	v6 =	vld [tilespmem:s23+$0x80];
	_ =	sdelay $0x4  }
0x175: {  	v3 =	vmul.f32 v3, v5;
	v4 =	vmul.f32 v4, v6;
	_ =	sdelay $0x1  }
0x176: {  	v3 =	vadd.f32 v4, v3  }
0x177: {  	s24 =	simm.s32 $0x8D20  }
0x178: {  	[tilespmem:s24+$0xFFFFFFD0] =	vst v3  }
0x179: {  	v3 =	vld [tilespmem:s23+$0x30]  }
0x17a: {  	v4 =	vld [tilespmem:s23+$0x4630]  }
0x17b: {  	v5 =	vld [tilespmem:s23+$0x4690]  }
0x17c: {  	v6 =	vld [tilespmem:s23+$0x90];
	_ =	sdelay $0x4  }
0x17d: {  	v3 =	vmul.f32 v4, v3;
	v4 =	vmul.f32 v5, v6;
	_ =	sdelay $0x1  }
0x17e: {  	v3 =	vadd.f32 v4, v3;
	_ =	sdelay $0x1  }
0x17f: {  	[tilespmem:s24+$0xFFFFFFE0] =	vst v3  }
0x180: {  	v3 =	vld [tilespmem:s23+$0x40]  }
0x181: {  	v4 =	vld [tilespmem:s23+$0x4640]  }
0x182: {  	v5 =	vld [tilespmem:s23+$0x46A0]  }
0x183: {  	v6 =	vld [tilespmem:s23+$0xA0];
	_ =	sdelay $0x4  }
0x184: {  	v3 =	vmul.f32 v4, v3;
	v4 =	vmul.f32 v5, v6;
	_ =	sdelay $0x1  }
0x185: {  	v3 =	vadd.f32 v4, v3;
	_ =	sdelay $0x1  }
0x186: {  	[tilespmem:s24+$0xFFFFFFF0] =	vst v3  }
0x187: {  	v3 =	vld [tilespmem:s23+$0x50]  }
0x188: {  	v4 =	vld [tilespmem:s23+$0x4650]  }
0x189: {  	v5 =	vld [tilespmem:s23+$0x46B0]  }
0x18a: {  	v6 =	vld [tilespmem:s23+$0xB0];
	_ =	sdelay $0x4  }
0x18b: {  	v3 =	vmul.f32 v4, v3;
	v4 =	vmul.f32 v5, v6;
	_ =	sdelay $0x1  }
0x18c: {  	v3 =	vadd.f32 v4, v3;
	_ =	sdelay $0x1  }
0x18d: {  	[tilespmem:s24+$0x0] =	vst v3  }
0x18e: {  	v3 =	vld [tilespmem:s23+$0x60]  }
0x18f: {  	v4 =	vld [tilespmem:s23+$0x4660]  }
0x190: {  	v5 =	vld [tilespmem:s23+$0xC0]  }
0x191: {  	v6 =	vld [tilespmem:s23+$0x46C0];
	_ =	sdelay $0x4  }
0x192: {  	v3 =	vmul.f32 v4, v3;
	v4 =	vmul.f32 v6, v5;
	_ =	sdelay $0x1  }
0x193: {  	v3 =	vadd.f32 v4, v3;
	_ =	sdelay $0x1  }
0x194: {  	[tilespmem:s24+$0x10] =	vst v3  }
0x195: {  	v3 =	vld [tilespmem:s23+$0x70]  }
0x196: {  	v5 =	vld [tilespmem:s23+$0x4670]  }
0x197: {  	s25 =	simm.s32 $0xAAF0;
	v4 =	vld [tilespmem:s23+$0xD0]  }
0x198: {  	s13 =	simm.s32 $0xAAF0;
	s12 =	simm.s32 $0x8D20;
	s10 =	simm.s32 $0x6C0;
	v6 =	vld [tilespmem:s23+$0x46D0]  }
.LBB2_15:
0x199: {  	_ = 	snop  }
0x19a: {  	p1 =	sne.s32 s10, $0x117C0;
	s13 =	sadd.s32 $0x10, s13;
	s24 =	sadd.s32 $0x60, s24  }
0x19b: {  	s21 =	smov.u32 s10;
	s10 =	sadd.s32 $0x380, s10;
	v3 =	vmul.f32 v5, v3;
	_ =	sdelay $0x1  }
0x19c: {  	v4 =	vmul.f32 v6, v4;
	_ =	sdelay $0x1  }
0x19d: {  	v3 =	vadd.f32 v4, v3;
	_ =	sdelay $0x1  }
0x19e: {  	[tilespmem:s12+$0x20] =	vst v3;
	s12 =	smov.u32 s24  }
0x19f: {  	v3 =	vld [tilespmem:s23+$0xE0]  }
0x1a0: {  	v4 =	vld [tilespmem:s23+$0x46E0]  }
0x1a1: {  	v5 =	vld [tilespmem:s23+$0xF0]  }
0x1a2: {  	v6 =	vld [tilespmem:s23+$0x46F0];
	_ =	sdelay $0x2  }
0x1a3: {  	v3 =	vmul.f32 v4, v3;
	_ =	sdelay $0x1  }
0x1a4: {  	v3 =	vadd.f32 $0.0e+00, v3;
	v4 =	vmul.f32 v6, v5;
	_ =	sdelay $0x1  }
0x1a5: {  	v3 =	vadd.f32 v4, v3;
	_ =	sdelay $0x1  }
0x1a6: {  	s23 =	sshra.s32 s21, $0x2;
	[tilespmem:s25+$0x0] =	vst v3;
	s25 =	smov.u32 s13  }
0x1a7: {  	v3 =	vld [tilespmem:s23+$0x4620]  }
0x1a8: {  	v4 =	vld [tilespmem:s23+$0x4680]  }
0x1a9: {  	v5 =	vld [tilespmem:s23+$0x20]  }
0x1aa: {  	v6 =	vld [tilespmem:s23+$0x80];
	_ =	sdelay $0x4  }
0x1ab: {  	v3 =	vmul.f32 v3, v5;
	v4 =	vmul.f32 v4, v6;
	_ =	sdelay $0x1  }
0x1ac: {  	v3 =	vadd.f32 v4, v3;
	_ =	sdelay $0x1  }
0x1ad: {  	[tilespmem:s24+$0xFFFFFFD0] =	vst v3  }
0x1ae: {  	v3 =	vld [tilespmem:s23+$0x30]  }
0x1af: {  	v4 =	vld [tilespmem:s23+$0x4630]  }
0x1b0: {  	v5 =	vld [tilespmem:s23+$0x4690]  }
0x1b1: {  	v6 =	vld [tilespmem:s23+$0x90];
	_ =	sdelay $0x2  }
0x1b2: {  	v3 =	vmul.f32 v4, v3;
	_ =	sdelay $0x1  }
0x1b3: {  	v4 =	vmul.f32 v5, v6;
	_ =	sdelay $0x1  }
0x1b4: {  	v3 =	vadd.f32 v4, v3;
	_ =	sdelay $0x1  }
0x1b5: {  	[tilespmem:s24+$0xFFFFFFE0] =	vst v3  }
0x1b6: {  	v3 =	vld [tilespmem:s23+$0x40]  }
0x1b7: {  	v4 =	vld [tilespmem:s23+$0x4640]  }
0x1b8: {  	v5 =	vld [tilespmem:s23+$0x46A0];
	_ =	sdelay $0x1  }
0x1b9: {  	v6 =	vld [tilespmem:s23+$0xA0];
	_ =	sdelay $0x1  }
0x1ba: {  	v3 =	vmul.f32 v4, v3;
	_ =	sdelay $0x2  }
0x1bb: {  	v4 =	vmul.f32 v5, v6;
	_ =	sdelay $0x1  }
0x1bc: {  	v3 =	vadd.f32 v4, v3;
	_ =	sdelay $0x1  }
0x1bd: {  	[tilespmem:s24+$0xFFFFFFF0] =	vst v3  }
0x1be: {  	v3 =	vld [tilespmem:s23+$0x50]  }
0x1bf: {  	v4 =	vld [tilespmem:s23+$0x4650]  }
0x1c0: {  	v5 =	vld [tilespmem:s23+$0x46B0]  }
0x1c1: {  	v6 =	vld [tilespmem:s23+$0xB0];
	_ =	sdelay $0x2  }
0x1c2: {  	v3 =	vmul.f32 v4, v3;
	_ =	sdelay $0x1  }
0x1c3: {  	v4 =	vmul.f32 v5, v6;
	_ =	sdelay $0x1  }
0x1c4: {  	v3 =	vadd.f32 v4, v3;
	_ =	sdelay $0x1  }
0x1c5: {  	[tilespmem:s24+$0x0] =	vst v3  }
0x1c6: {  	v3 =	vld [tilespmem:s23+$0x60]  }
0x1c7: {  	v4 =	vld [tilespmem:s23+$0x4660]  }
0x1c8: {  	v5 =	vld [tilespmem:s23+$0xC0]  }
0x1c9: {  	v6 =	vld [tilespmem:s23+$0x46C0];
	_ =	sdelay $0x2  }
0x1ca: {  	v3 =	vmul.f32 v4, v3;
	_ =	sdelay $0x1  }
0x1cb: {  	v4 =	vmul.f32 v6, v5;
	_ =	sdelay $0x1  }
0x1cc: {  	v3 =	vadd.f32 v4, v3;
	_ =	sdelay $0x1  }
.Ltmp9:
0x1cd: {  	[tilespmem:s24+$0x10] =	vst v3;
	(pc) =	sbr.rel @p1 .LBB2_15-.Ltmp9, $4  }
0x1ce: {  	v3 =	vld [tilespmem:s23+$0x70]  }
0x1cf: {  	v5 =	vld [tilespmem:s23+$0x4670]  }
0x1d0: {  	v4 =	vld [tilespmem:s23+$0xD0]  }
0x1d1: {  	v6 =	vld [tilespmem:s23+$0x46D0]  }
0x1d2: {  	_ =	sdelay $0x3  }
0x1d3: {  	v3 =	vmul.f32 v5, v3;
	v4 =	vmul.f32 v6, v4;
	_ =	sdelay $0x1  }
0x1d4: {  	v3 =	vadd.f32 v4, v3;
	_ =	sdelay $0x1  }
0x1d5: {  	[tilespmem:s12+$0x20] =	vst v3  }
0x1d6: {  	v3 =	vld [tilespmem:s23+$0xE0]  }
0x1d7: {  	v60 =	vld [tilespmem:s23+$0x46E0]  }
0x1d8: {  	v61 =	vld [tilespmem:s23+$0xF0]  }
0x1d9: {  	v62 =	vld [tilespmem:s23+$0x46F0];
	_ =	sdelay $0x2  }
0x1da: {  	v3 =	vmul.f32 v60, v3;
	_ =	sdelay $0x1  }
0x1db: {  	v63 =	vmul.f32 v62, v61;
	v3 =	vadd.f32 $0.0e+00, v3;
	_ =	sdelay $0x1  }
0x1dc: {  	v3 =	vadd.f32 v63, v3;
	_ =	sdelay $0x1  }
0x1dd: {  	[tilespmem:s25+$0x0] =	vst v3  }
0x1de: {  	[spmem:s2] =	stream.indirect.scatter.add.f32 [tilespmem:s29], [sflag:$0x3], $0x60, s30, s31, $0xb8;
	[tilespmem:$0x1C160] =	vst v63  }
0x1df: {  	s22 =	sadd.s32 $0x1, s22;
	_ =	swait.ge [sflag:s28], $0x1E00  }
0x1e0: {  	p1 =	sne.s32 s22, $0x7D;
	[sflag:s28] =	ssyncset.done $0x0  }
.Ltmp10:
0x1e1: {  	[sflag:s28] =	ssyncadd.s32 $0xFFFFE200;
	(pc) =	sbr.rel @p1 .LBB2_14-.Ltmp10, $4  }
0x1e2: {  	[spmem:s1] =	stream.indirect.scatter.add.f32 [tilespmem:s26], [sflag:$0x3], $0x10, s30, s31, $0xb8;
	[tilespmem:$0x1C160] =	vst v63  }
0x1e3: {  	_ =	swait.ge [sflag:s28], $0x500  }
0x1e4: {  	[sflag:s28] =	ssyncset.done $0x0  }
0x1e5: {  	[sflag:s28] =	ssyncadd.s32 $0xFFFFFB00  }
0x1e6: {  	[bflag:$0x0] =	sbarrier.arrive $0xFFFF  }
0x1e7: {  	s10 =	simm.s32 @p0 $0x1FC3;
	s12 =	rddreg [dreg:$0xb]  }
0x1e8: {  	[hbm:s12], [sflag:s10] =	dma.local @p0 [spmem:s20], $0x1860  }
0x1e9: {  	s12 =	simm.s32 @p0 $0x3  }
0x1ea: {  	_ =	swait.ge @p0 [sflag:s12], $0x1860  }
0x1eb: {  	[sflag:s12] =	ssyncset.done @p0 $0x0;
	s13 =	rddreg [dreg:$0xc]  }
0x1ec: {  	s20 =	rddreg [dreg:$0xf];
	[sflag:s12] =	ssyncadd.s32 @p0 $0xFFFFE7A0  }
0x1ed: {  	[hbm:s13], [sflag:s10] =	dma.local @p0 [spmem:s20], $0x410  }
0x1ee: {  	_ =	swait.ge @p0 [sflag:s12], $0x410  }
0x1ef: {  	[sflag:s12] =	ssyncset.done @p0 $0x0  }
0x1f0: {  	s10 =	rddreg [dreg:$0x12];
	[sflag:s12] =	ssyncadd.s32 @p0 $0xFFFFFBF0  }
0x1f1: {  	[hbm:s10], [sflag:s18] =	dma.local @!p0 [spmem:s19], $0x1DA0  }
0x1f2: {  	s10 =	simm.s32 @!p0 $0x3  }
0x1f3: {  	_ =	swait.ge @!p0 [sflag:s10], $0x1DA0  }
0x1f4: {  	[sflag:s10] =	ssyncset.done @!p0 $0x0;
	s12 =	rddreg [dreg:$0xa]  }
0x1f5: {  	s13 =	rddreg [dreg:$0x10];
	[sflag:s10] =	ssyncadd.s32 @!p0 $0xFFFFE260  }
0x1f6: {  	[hbm:s12], [sflag:s18] =	dma.local @!p0 [spmem:s13], $0x4F0  }
0x1f7: {  	_ =	swait.ge @!p0 [sflag:s10], $0x4F0  }
0x1f8: {  	s17 =	sadd.s32 $0x1, s17;
	s25 =	rddreg [dreg:$0xd]  }
0x1f9: {  	p1 =	sne.s32 s17, s25  }
.Ltmp11:
0x1fa: {  	_ = 	snop;
	(pc) =	sbr.rel @p1 .LBB2_1-.Ltmp11, $3  }
0x1fb: {  	_ =	sdelay $0x1  }
0x1fc: {  	[sflag:s10] =	ssyncset.done @!p0 $0x0;
	s21 =	rddreg [dreg:$0x5]  }
0x1fd: {  	s24 =	rddreg [dreg:$0xe];
	[sflag:s10] =	ssyncadd.s32 @!p0 $0xFFFFFB10  }
0x1fe: {  	_ =	sfence.sel $0x180000  }
0x1ff: {  	[bflag:$0x0] =	sbarrier.arrive $0xFFFF  }
0x200: {  	_ =	strace $0x90000047  }
0x201: {  	s0 =	stileid.u32;
	[bflag:$0x2] =	sbarrier.arrive $0xFFFF  }
0x202: {  	p0 =	sne.s32 s0, $0x0;
	s0 =	rddreg [dreg:$0x4]  }
0x203: {  	s0 =	sadd.s32 @!p0 $0x100000, s0  }
0x204: {  	[sflag:s0] =	ssyncadd.tile.s32 @!p0 $0x1;
	_ =	shalt  }
.Lfunc_end2:
_tile_overlayer_lowered:
.L_overlay_start_2:
0x205: {  	(tag) =	ssettag $0x2  }
0x206: {  	s0 =	rddreg [dreg:$0x0];
	s2 =	stileid.u32  }
0x207: {  	s1 =	rddreg [dreg:$0x1];
	p0 =	sne.s32 s2, $0x0  }
0x208: {  	s3 =	rddreg [dreg:$0x2];
	[bflag:$0x3] =	sbarrier.arrive $0xFFFF;
	s2 =	simm.s32 @!p0 $0x1C03  }
0x209: {  	[timem:s3], [sflag:s2] =	dma.local @!p0 [hbm:s0], s1  }
0x20a: {  	s0 =	simm.s32 @!p0 $0x3  }
0x20b: {  	_ =	swait.ge @!p0 [sflag:s0], s1  }
0x20c: {  	s1 =	ssub.s32 @!p0 $0x0, s1;
	[sflag:s0] =	ssyncset.done @!p0 $0x0  }
0x20d: {  	[sflag:s0] =	ssyncadd.s32 @!p0 s1  }
0x20e: {  	[bflag:$0x3] =	sbarrier.arrive $0xFFFF  }
0x20f: {  	_ =	shalt  }

</sc_bundles>
